<compile_context>
chip_gen: v7x
topology: tpu7x:2x2x1
jax: 0.10.2.dev20260603
libtpu: 0.0.44.dev20260713+nightly
codegen_flags: <defaults>
</compile_context>

<pallas_src>
import functools
import jax
import jax.numpy as jnp
from jax import lax
from jax.experimental import pallas as pl
from jax.experimental.pallas import tpu as pltpu
from jax.experimental.pallas import tpu_sc as plsc

N = 16384
K = 512
NC, NS, L = 2, 16, 16
NW = NC * NS
CH = 16
KV = K // L


def _xlane(v, idx):
    dnums = lax.GatherDimensionNumbers(
        offset_dims=(), collapsed_slice_dims=(0,), start_index_map=(0,))
    return lax.gather(v, idx[:, None], dnums, (1,),
                      mode=lax.GatherScatterMode.PROMISE_IN_BOUNDS)


NBUF = 2


def _sc_body(n_rows, row_off, t_hbm, out_hbm, s_v, p_v, o_v, w_v, sem0, sem1):
    wid = lax.axis_index("s") * NC + lax.axis_index("c")
    rows_per_w = n_rows // NW
    n_chunks = rows_per_w // CH
    base = row_off + wid * rows_per_w
    lane = lax.iota(jnp.int32, L)
    sems = [sem0, sem1]

    def _start(c, b):
        @pl.when(c < n_chunks)
        def _():
            row0 = base + c * CH
            pltpu.async_copy(t_hbm.at[0, pl.ds(row0, CH), :], s_v.at[b], sems[b])
            pltpu.async_copy(t_hbm.at[1, pl.ds(row0, CH), :], p_v.at[b], sems[b])
            pltpu.async_copy(t_hbm.at[2, pl.ds(row0, CH), :], o_v.at[b], sems[b])

    def _wait(c, b):
        row0 = base + c * CH
        pltpu.make_async_copy(t_hbm.at[0, pl.ds(row0, CH), :], s_v.at[b], sems[b]).wait()
        pltpu.make_async_copy(t_hbm.at[1, pl.ds(row0, CH), :], p_v.at[b], sems[b]).wait()
        pltpu.make_async_copy(t_hbm.at[2, pl.ds(row0, CH), :], o_v.at[b], sems[b]).wait()

    _start(0, 0)

    @pl.loop(0, n_chunks, step=NBUF)
    def _chunk(ci):
        for b in range(NBUF):
            cur = ci + b
            _start(cur + 1, (b + 1) % NBUF)
            _wait(cur, b)
            _compute_chunk(cur, b, base, row_off, out_hbm, s_v, p_v, o_v,
                           w_v, lane)


def _compute_chunk(ci, buf, base, row_off, out_hbm, s_vb, p_vb, o_vb, w_v,
                   lane):
    row0 = base + ci * CH

    @pl.loop(0, CH, init_carry=jnp.zeros((L,), jnp.float32))
    def _row(r, w):
        accs = [jnp.zeros((L,), jnp.float32) for _ in range(4)]
        for t in range(KV):
            d = (s_vb[buf, r, pl.ds(t * L, L)] + p_vb[buf, r, pl.ds(t * L, L)]
                 - o_vb[buf, r, pl.ds(t * L, L)])
            accs[t % 4] = accs[t % 4] + d * d
        acc = (accs[0] + accs[1]) + (accs[2] + accs[3])
        for s in (8, 4, 2, 1):
            acc = acc + _xlane(acc, lane ^ s)
        return jnp.where(lane == r, acc, w)

    w = _row
    x = jnp.maximum(w, jnp.float32(1e-30))
    i = lax.bitcast_convert_type(x, jnp.int32)
    y = lax.bitcast_convert_type(jnp.int32(0x5F3759DF) - (i >> 1),
                                 jnp.float32)
    half = x * jnp.float32(0.5)
    for _ in range(3):
        y = y * (jnp.float32(1.5) - half * y * y)
    w_v[...] = -(x * y)
    pltpu.sync_copy(w_v, out_hbm.at[pl.ds(row0 - row_off, CH)])


def _make_sc_scorer(n_rows, row_off):
    mesh = plsc.VectorSubcoreMesh(core_axis_name="c", subcore_axis_name="s",
                                  num_cores=NC, num_subcores=NS)
    return pl.kernel(
        functools.partial(_sc_body, n_rows, row_off),
        out_type=jax.ShapeDtypeStruct((n_rows,), jnp.float32),
        mesh=mesh,
        scratch_types=[
            pltpu.VMEM((NBUF, CH, K), jnp.float32),
            pltpu.VMEM((NBUF, CH, K), jnp.float32),
            pltpu.VMEM((NBUF, CH, K), jnp.float32),
            pltpu.VMEM((CH,), jnp.float32),
            pltpu.SemaphoreType.DMA,
            pltpu.SemaphoreType.DMA,
        ],
    )


N_SC = 2048
N_TC = N - N_SC
BN = 2048


def _tc_block(t_ref, o_ref):
    d = t_ref[0] + t_ref[1] - t_ref[2]
    o_ref[...] = -jnp.sqrt(jnp.sum(d * d, axis=1))


def _tc_score(triples):
    return pl.pallas_call(
        _tc_block,
        grid=(N_TC // BN,),
        in_specs=[pl.BlockSpec((3, BN, K), lambda i: (0, i, 0))],
        out_specs=pl.BlockSpec((BN,), lambda i: (i,)),
        out_shape=jax.ShapeDtypeStruct((N_TC,), jnp.float32),
    )(triples)


def kernel(triples):
    tc_scores = _tc_score(triples)
    sc_scores = _make_sc_scorer(N_SC, N_TC)(triples)
    return jnp.concatenate([tc_scores, sc_scores])

# --- scband reference (transcript-rebuilt; emitter-appended) ---
"""Pipeline reference for scband-abstract-scoring-layer-59047210385914 (READ-ONLY COPY).

The authoritative reference and input builder live on the scoring server;
editing this copy changes nothing except your own understanding.
"""

import jax, jax.numpy as jnp
import numpy as np

K = 512
N = 16384

def setup_inputs(seed: int = 0) -> dict:
    key = jax.random.key(seed)
    triples = jax.random.normal(key, (3, N, K), dtype=jnp.float32)
    return {"triples": triples}

def reference(triples):
    # AbstractScoringLayer is abstract; the canonical concrete subclass (TransE in
    # AmpliGraph) receives triples as [subject_emb, predicate_emb, object_emb],
    # each (n, k), and scores via negative L2 norm of (s + p - o).
    s = triples[0]
    p = triples[1]
    o = triples[2]
    scores = -jnp.sqrt(jnp.sum(jnp.square(s + p - o), axis=1))
    return scores

if __name__ == "__main__":
    import jax
    _d = setup_inputs()
    print(jax.jit(kernel)(*tuple(_d.values())))

</pallas_src>

<mosaic_0001>
#map = affine_map<(d0, d1) -> (0, 0, 0)>
#map1 = affine_map<(d0, d1) -> (0)>
module attributes {stable_mosaic.version = 14 : i64} {
  func.func @_sc_body(%arg0: i32, %arg1: i32, %arg2: memref<3x16384x512xf32, #tpu.memory_space<hbm>>, %arg3: memref<2048xf32, #tpu.memory_space<hbm>>, %arg4: memref<2x16x512xf32, #tpu.memory_space<vmem>>, %arg5: memref<2x16x512xf32, #tpu.memory_space<vmem>>, %arg6: memref<2x16x512xf32, #tpu.memory_space<vmem>>, %arg7: memref<16xf32, #tpu.memory_space<vmem>>, %arg8: memref<!tpu.dma_semaphore, #tpu.memory_space<semaphore_mem>>, %arg9: memref<!tpu.dma_semaphore, #tpu.memory_space<semaphore_mem>>) attributes {dimension_semantics = [#tpu.dimension_semantics<core_parallel>, #tpu.dimension_semantics<subcore_parallel>], iteration_bounds = array<i64: 2, 16>, scalar_prefetch = 0 : i64, scratch_operands = 6 : i64, tpu.core_type = #tpu.core_type<sc_vector_subcore>, window_params = [{transform_indices = #map}, {transform_indices = #map1}]} {
    %mul3A = arith.constant 2 : i32
    %mul3A_0 = arith.muli %arg1, %mul3A : i32
    %add3A = arith.addi %mul3A_0, %arg0 : i32
    %mul3A_1 = arith.constant 64 : i32
    %mul3A_2 = arith.muli %add3A, %mul3A_1 : i32
    %add3A_3 = arith.constant 14336 : i32
    %add3A_4 = arith.addi %add3A_3, %mul3A_2 : i32
    %iota3A = tpu.iota {dimensions = array<i32: 0>} : vector<16xi32>
    %add3A_5 = arith.constant 0 : i32
    %add3A_6 = arith.addi %add3A_4, %add3A_5 : i32
    %dma_start3A = arith.constant 0 : i32
    %dma_start3A_7 = arith.constant 0 : i32
    %dma_start3A_8 = arith.constant 0 : i32
    %dma_start3A_9 = arith.constant 0 : i32
    %dma_start3A_10 = tpu.memref_slice %arg4[%dma_start3A_7, %dma_start3A_8, %dma_start3A_9] : memref<2x16x512xf32, #tpu.memory_space<vmem>> -> memref<1x16x512xf32, #tpu.memory_space<vmem>>
    %dma_start3A_11 = tpu.memref_squeeze %dma_start3A_10 : memref<1x16x512xf32, #tpu.memory_space<vmem>> -> memref<16x512xf32, #tpu.memory_space<vmem>>
    %dma_start3A_12 = arith.constant 0 : i32
    %dma_start3A_13 = tpu.memref_slice %arg2[%dma_start3A, %add3A_6, %dma_start3A_12] : memref<3x16384x512xf32, #tpu.memory_space<hbm>> -> memref<1x16x512xf32, #tpu.memory_space<hbm>>
    %dma_start3A_14 = tpu.memref_squeeze %dma_start3A_13 : memref<1x16x512xf32, #tpu.memory_space<hbm>> -> memref<16x512xf32, #tpu.memory_space<hbm>>
    %dma_start3A_15 = arith.constant 0 : i32
    %dma_start3A_16 = arith.constant 0 : i32
    %dma_start3A_17 = tpu.memref_slice %arg4[%dma_start3A_7, %dma_start3A_15, %dma_start3A_16] : memref<2x16x512xf32, #tpu.memory_space<vmem>> -> memref<1x16x512xf32, #tpu.memory_space<vmem>>
    %dma_start3A_18 = tpu.memref_squeeze %dma_start3A_17 : memref<1x16x512xf32, #tpu.memory_space<vmem>> -> memref<16x512xf32, #tpu.memory_space<vmem>>
    %dma_start3A_19 = arith.constant 0 : i32
    %dma_start3A_20 = tpu.memref_slice %arg2[%dma_start3A, %add3A_6, %dma_start3A_19] : memref<3x16384x512xf32, #tpu.memory_space<hbm>> -> memref<1x16x512xf32, #tpu.memory_space<hbm>>
    %dma_start3A_21 = tpu.memref_squeeze %dma_start3A_20 : memref<1x16x512xf32, #tpu.memory_space<hbm>> -> memref<16x512xf32, #tpu.memory_space<hbm>>
    tpu.enqueue_dma source(%dma_start3A_21 : memref<16x512xf32, #tpu.memory_space<hbm>>) target(%dma_start3A_18 : memref<16x512xf32, #tpu.memory_space<vmem>>) target_semaphore(%arg8 : memref<!tpu.dma_semaphore, #tpu.memory_space<semaphore_mem>>)
    %dma_start3A_22 = arith.constant 1 : i32
    %dma_start3A_23 = arith.constant 0 : i32
    %dma_start3A_24 = arith.constant 0 : i32
    %dma_start3A_25 = arith.constant 0 : i32
    %dma_start3A_26 = tpu.memref_slice %arg5[%dma_start3A_23, %dma_start3A_24, %dma_start3A_25] : memref<2x16x512xf32, #tpu.memory_space<vmem>> -> memref<1x16x512xf32, #tpu.memory_space<vmem>>
    %dma_start3A_27 = tpu.memref_squeeze %dma_start3A_26 : memref<1x16x512xf32, #tpu.memory_space<vmem>> -> memref<16x512xf32, #tpu.memory_space<vmem>>
    %dma_start3A_28 = arith.constant 0 : i32
    %dma_start3A_29 = tpu.memref_slice %arg2[%dma_start3A_22, %add3A_6, %dma_start3A_28] : memref<3x16384x512xf32, #tpu.memory_space<hbm>> -> memref<1x16x512xf32, #tpu.memory_space<hbm>>
    %dma_start3A_30 = tpu.memref_squeeze %dma_start3A_29 : memref<1x16x512xf32, #tpu.memory_space<hbm>> -> memref<16x512xf32, #tpu.memory_space<hbm>>
    %dma_start3A_31 = arith.constant 0 : i32
    %dma_start3A_32 = arith.constant 0 : i32
    %dma_start3A_33 = tpu.memref_slice %arg5[%dma_start3A_23, %dma_start3A_31, %dma_start3A_32] : memref<2x16x512xf32, #tpu.memory_space<vmem>> -> memref<1x16x512xf32, #tpu.memory_space<vmem>>
    %dma_start3A_34 = tpu.memref_squeeze %dma_start3A_33 : memref<1x16x512xf32, #tpu.memory_space<vmem>> -> memref<16x512xf32, #tpu.memory_space<vmem>>
    %dma_start3A_35 = arith.constant 0 : i32
    %dma_start3A_36 = tpu.memref_slice %arg2[%dma_start3A_22, %add3A_6, %dma_start3A_35] : memref<3x16384x512xf32, #tpu.memory_space<hbm>> -> memref<1x16x512xf32, #tpu.memory_space<hbm>>
    %dma_start3A_37 = tpu.memref_squeeze %dma_start3A_36 : memref<1x16x512xf32, #tpu.memory_space<hbm>> -> memref<16x512xf32, #tpu.memory_space<hbm>>
    tpu.enqueue_dma source(%dma_start3A_37 : memref<16x512xf32, #tpu.memory_space<hbm>>) target(%dma_start3A_34 : memref<16x512xf32, #tpu.memory_space<vmem>>) target_semaphore(%arg8 : memref<!tpu.dma_semaphore, #tpu.memory_space<semaphore_mem>>)
    %dma_start3A_38 = arith.constant 2 : i32
    %dma_start3A_39 = arith.constant 0 : i32
    %dma_start3A_40 = arith.constant 0 : i32
    %dma_start3A_41 = arith.constant 0 : i32
    %dma_start3A_42 = tpu.memref_slice %arg6[%dma_start3A_39, %dma_start3A_40, %dma_start3A_41] : memref<2x16x512xf32, #tpu.memory_space<vmem>> -> memref<1x16x512xf32, #tpu.memory_space<vmem>>
    %dma_start3A_43 = tpu.memref_squeeze %dma_start3A_42 : memref<1x16x512xf32, #tpu.memory_space<vmem>> -> memref<16x512xf32, #tpu.memory_space<vmem>>
    %dma_start3A_44 = arith.constant 0 : i32
    %dma_start3A_45 = tpu.memref_slice %arg2[%dma_start3A_38, %add3A_6, %dma_start3A_44] : memref<3x16384x512xf32, #tpu.memory_space<hbm>> -> memref<1x16x512xf32, #tpu.memory_space<hbm>>
    %dma_start3A_46 = tpu.memref_squeeze %dma_start3A_45 : memref<1x16x512xf32, #tpu.memory_space<hbm>> -> memref<16x512xf32, #tpu.memory_space<hbm>>
    %dma_start3A_47 = arith.constant 0 : i32
    %dma_start3A_48 = arith.constant 0 : i32
    %dma_start3A_49 = tpu.memref_slice %arg6[%dma_start3A_39, %dma_start3A_47, %dma_start3A_48] : memref<2x16x512xf32, #tpu.memory_space<vmem>> -> memref<1x16x512xf32, #tpu.memory_space<vmem>>
    %dma_start3A_50 = tpu.memref_squeeze %dma_start3A_49 : memref<1x16x512xf32, #tpu.memory_space<vmem>> -> memref<16x512xf32, #tpu.memory_space<vmem>>
    %dma_start3A_51 = arith.constant 0 : i32
    %dma_start3A_52 = tpu.memref_slice %arg2[%dma_start3A_38, %add3A_6, %dma_start3A_51] : memref<3x16384x512xf32, #tpu.memory_space<hbm>> -> memref<1x16x512xf32, #tpu.memory_space<hbm>>
    %dma_start3A_53 = tpu.memref_squeeze %dma_start3A_52 : memref<1x16x512xf32, #tpu.memory_space<hbm>> -> memref<16x512xf32, #tpu.memory_space<hbm>>
    tpu.enqueue_dma source(%dma_start3A_53 : memref<16x512xf32, #tpu.memory_space<hbm>>) target(%dma_start3A_50 : memref<16x512xf32, #tpu.memory_space<vmem>>) target_semaphore(%arg8 : memref<!tpu.dma_semaphore, #tpu.memory_space<semaphore_mem>>)
    %scan3A = arith.constant 0 : i32
    %scan3A_54 = arith.constant 2 : i32
    %scan3A_55 = arith.addi %scan3A, %scan3A_54 : i32
    %scan3A_56 = arith.constant 1 : i32
    scf.for %scan3A_58 = %scan3A to %scan3A_55 step %scan3A_56  : i32 {
      %mul3A_59 = arith.constant 2 : i32
      %mul3A_60 = arith.muli %scan3A_58, %mul3A_59 : i32
      %add3A_61 = arith.constant 0 : i32
      %add3A_62 = arith.addi %add3A_61, %mul3A_60 : i32
      %add3A_63 = arith.constant 0 : i32
      %add3A_64 = arith.addi %add3A_62, %add3A_63 : i32
      %add3A_65 = arith.constant 1 : i32
      %add3A_66 = arith.addi %add3A_64, %add3A_65 : i32
      %lt3A = arith.constant 4 : i32
      %lt3A_67 = arith.cmpi slt, %add3A_66, %lt3A : i32
      %convert_element_type3A = arith.extui %lt3A_67 : i1 to i32
      %cond3A = arith.constant 0 : i32
      %cond3A_68 = arith.cmpi ne, %convert_element_type3A, %cond3A : i32
      scf.if %cond3A_68 {
        %mul3A_278 = arith.constant 16 : i32
        %mul3A_279 = arith.muli %add3A_66, %mul3A_278 : i32
        %add3A_280 = arith.addi %add3A_4, %mul3A_279 : i32
        %dma_start3A_281 = arith.constant 0 : i32
        %dma_start3A_282 = arith.constant 1 : i32
        %dma_start3A_283 = arith.constant 0 : i32
        %dma_start3A_284 = arith.constant 0 : i32
        %dma_start3A_285 = tpu.memref_slice %arg4[%dma_start3A_282, %dma_start3A_283, %dma_start3A_284] : memref<2x16x512xf32, #tpu.memory_space<vmem>> -> memref<1x16x512xf32, #tpu.memory_space<vmem>>
        %dma_start3A_286 = tpu.memref_squeeze %dma_start3A_285 : memref<1x16x512xf32, #tpu.memory_space<vmem>> -> memref<16x512xf32, #tpu.memory_space<vmem>>
        %dma_start3A_287 = arith.constant 0 : i32
        %dma_start3A_288 = tpu.memref_slice %arg2[%dma_start3A_281, %add3A_280, %dma_start3A_287] : memref<3x16384x512xf32, #tpu.memory_space<hbm>> -> memref<1x16x512xf32, #tpu.memory_space<hbm>>
        %dma_start3A_289 = tpu.memref_squeeze %dma_start3A_288 : memref<1x16x512xf32, #tpu.memory_space<hbm>> -> memref<16x512xf32, #tpu.memory_space<hbm>>
        %dma_start3A_290 = arith.constant 0 : i32
        %dma_start3A_291 = arith.constant 0 : i32
        %dma_start3A_292 = tpu.memref_slice %arg4[%dma_start3A_282, %dma_start3A_290, %dma_start3A_291] : memref<2x16x512xf32, #tpu.memory_space<vmem>> -> memref<1x16x512xf32, #tpu.memory_space<vmem>>
        %dma_start3A_293 = tpu.memref_squeeze %dma_start3A_292 : memref<1x16x512xf32, #tpu.memory_space<vmem>> -> memref<16x512xf32, #tpu.memory_space<vmem>>
        %dma_start3A_294 = arith.constant 0 : i32
        %dma_start3A_295 = tpu.memref_slice %arg2[%dma_start3A_281, %add3A_280, %dma_start3A_294] : memref<3x16384x512xf32, #tpu.memory_space<hbm>> -> memref<1x16x512xf32, #tpu.memory_space<hbm>>
        %dma_start3A_296 = tpu.memref_squeeze %dma_start3A_295 : memref<1x16x512xf32, #tpu.memory_space<hbm>> -> memref<16x512xf32, #tpu.memory_space<hbm>>
        tpu.enqueue_dma source(%dma_start3A_296 : memref<16x512xf32, #tpu.memory_space<hbm>>) target(%dma_start3A_293 : memref<16x512xf32, #tpu.memory_space<vmem>>) target_semaphore(%arg9 : memref<!tpu.dma_semaphore, #tpu.memory_space<semaphore_mem>>)
        %dma_start3A_297 = arith.constant 1 : i32
        %dma_start3A_298 = arith.constant 1 : i32
        %dma_start3A_299 = arith.constant 0 : i32
        %dma_start3A_300 = arith.constant 0 : i32
        %dma_start3A_301 = tpu.memref_slice %arg5[%dma_start3A_298, %dma_start3A_299, %dma_start3A_300] : memref<2x16x512xf32, #tpu.memory_space<vmem>> -> memref<1x16x512xf32, #tpu.memory_space<vmem>>
        %dma_start3A_302 = tpu.memref_squeeze %dma_start3A_301 : memref<1x16x512xf32, #tpu.memory_space<vmem>> -> memref<16x512xf32, #tpu.memory_space<vmem>>
        %dma_start3A_303 = arith.constant 0 : i32
        %dma_start3A_304 = tpu.memref_slice %arg2[%dma_start3A_297, %add3A_280, %dma_start3A_303] : memref<3x16384x512xf32, #tpu.memory_space<hbm>> -> memref<1x16x512xf32, #tpu.memory_space<hbm>>
        %dma_start3A_305 = tpu.memref_squeeze %dma_start3A_304 : memref<1x16x512xf32, #tpu.memory_space<hbm>> -> memref<16x512xf32, #tpu.memory_space<hbm>>
        %dma_start3A_306 = arith.constant 0 : i32
        %dma_start3A_307 = arith.constant 0 : i32
        %dma_start3A_308 = tpu.memref_slice %arg5[%dma_start3A_298, %dma_start3A_306, %dma_start3A_307] : memref<2x16x512xf32, #tpu.memory_space<vmem>> -> memref<1x16x512xf32, #tpu.memory_space<vmem>>
        %dma_start3A_309 = tpu.memref_squeeze %dma_start3A_308 : memref<1x16x512xf32, #tpu.memory_space<vmem>> -> memref<16x512xf32, #tpu.memory_space<vmem>>
        %dma_start3A_310 = arith.constant 0 : i32
        %dma_start3A_311 = tpu.memref_slice %arg2[%dma_start3A_297, %add3A_280, %dma_start3A_310] : memref<3x16384x512xf32, #tpu.memory_space<hbm>> -> memref<1x16x512xf32, #tpu.memory_space<hbm>>
        %dma_start3A_312 = tpu.memref_squeeze %dma_start3A_311 : memref<1x16x512xf32, #tpu.memory_space<hbm>> -> memref<16x512xf32, #tpu.memory_space<hbm>>
        tpu.enqueue_dma source(%dma_start3A_312 : memref<16x512xf32, #tpu.memory_space<hbm>>) target(%dma_start3A_309 : memref<16x512xf32, #tpu.memory_space<vmem>>) target_semaphore(%arg9 : memref<!tpu.dma_semaphore, #tpu.memory_space<semaphore_mem>>)
        %dma_start3A_313 = arith.constant 2 : i32
        %dma_start3A_314 = arith.constant 1 : i32
        %dma_start3A_315 = arith.constant 0 : i32
        %dma_start3A_316 = arith.constant 0 : i32
        %dma_start3A_317 = tpu.memref_slice %arg6[%dma_start3A_314, %dma_start3A_315, %dma_start3A_316] : memref<2x16x512xf32, #tpu.memory_space<vmem>> -> memref<1x16x512xf32, #tpu.memory_space<vmem>>
        %dma_start3A_318 = tpu.memref_squeeze %dma_start3A_317 : memref<1x16x512xf32, #tpu.memory_space<vmem>> -> memref<16x512xf32, #tpu.memory_space<vmem>>
        %dma_start3A_319 = arith.constant 0 : i32
        %dma_start3A_320 = tpu.memref_slice %arg2[%dma_start3A_313, %add3A_280, %dma_start3A_319] : memref<3x16384x512xf32, #tpu.memory_space<hbm>> -> memref<1x16x512xf32, #tpu.memory_space<hbm>>
        %dma_start3A_321 = tpu.memref_squeeze %dma_start3A_320 : memref<1x16x512xf32, #tpu.memory_space<hbm>> -> memref<16x512xf32, #tpu.memory_space<hbm>>
        %dma_start3A_322 = arith.constant 0 : i32
        %dma_start3A_323 = arith.constant 0 : i32
        %dma_start3A_324 = tpu.memref_slice %arg6[%dma_start3A_314, %dma_start3A_322, %dma_start3A_323] : memref<2x16x512xf32, #tpu.memory_space<vmem>> -> memref<1x16x512xf32, #tpu.memory_space<vmem>>
        %dma_start3A_325 = tpu.memref_squeeze %dma_start3A_324 : memref<1x16x512xf32, #tpu.memory_space<vmem>> -> memref<16x512xf32, #tpu.memory_space<vmem>>
        %dma_start3A_326 = arith.constant 0 : i32
        %dma_start3A_327 = tpu.memref_slice %arg2[%dma_start3A_313, %add3A_280, %dma_start3A_326] : memref<3x16384x512xf32, #tpu.memory_space<hbm>> -> memref<1x16x512xf32, #tpu.memory_space<hbm>>
        %dma_start3A_328 = tpu.memref_squeeze %dma_start3A_327 : memref<1x16x512xf32, #tpu.memory_space<hbm>> -> memref<16x512xf32, #tpu.memory_space<hbm>>
        tpu.enqueue_dma source(%dma_start3A_328 : memref<16x512xf32, #tpu.memory_space<hbm>>) target(%dma_start3A_325 : memref<16x512xf32, #tpu.memory_space<vmem>>) target_semaphore(%arg9 : memref<!tpu.dma_semaphore, #tpu.memory_space<semaphore_mem>>)
      } else {
      }
      %mul3A_69 = arith.constant 16 : i32
      %mul3A_70 = arith.muli %add3A_64, %mul3A_69 : i32
      %add3A_71 = arith.addi %add3A_4, %mul3A_70 : i32
      %dma_wait3A = arith.constant 0 : i32
      %dma_wait3A_72 = arith.constant 0 : i32
      %dma_wait3A_73 = arith.constant 0 : i32
      %dma_wait3A_74 = arith.constant 0 : i32
      %dma_wait3A_75 = tpu.memref_slice %arg4[%dma_wait3A_72, %dma_wait3A_73, %dma_wait3A_74] : memref<2x16x512xf32, #tpu.memory_space<vmem>> -> memref<1x16x512xf32, #tpu.memory_space<vmem>>
      %dma_wait3A_76 = tpu.memref_squeeze %dma_wait3A_75 : memref<1x16x512xf32, #tpu.memory_space<vmem>> -> memref<16x512xf32, #tpu.memory_space<vmem>>
      %dma_wait3A_77 = arith.constant 0 : i32
      %dma_wait3A_78 = tpu.memref_slice %arg2[%dma_wait3A, %add3A_71, %dma_wait3A_77] : memref<3x16384x512xf32, #tpu.memory_space<hbm>> -> memref<1x16x512xf32, #tpu.memory_space<hbm>>
      %dma_wait3A_79 = tpu.memref_squeeze %dma_wait3A_78 : memref<1x16x512xf32, #tpu.memory_space<hbm>> -> memref<16x512xf32, #tpu.memory_space<hbm>>
      %dma_wait3A_80 = arith.constant 0 : i32
      %dma_wait3A_81 = arith.constant 0 : i32
      %dma_wait3A_82 = tpu.memref_slice %arg4[%dma_wait3A_72, %dma_wait3A_80, %dma_wait3A_81] : memref<2x16x512xf32, #tpu.memory_space<vmem>> -> memref<1x16x512xf32, #tpu.memory_space<vmem>>
      %dma_wait3A_83 = tpu.memref_squeeze %dma_wait3A_82 : memref<1x16x512xf32, #tpu.memory_space<vmem>> -> memref<16x512xf32, #tpu.memory_space<vmem>>
      %dma_wait3A_84 = arith.constant 0 : i32
      %dma_wait3A_85 = tpu.memref_slice %arg2[%dma_wait3A, %add3A_71, %dma_wait3A_84] : memref<3x16384x512xf32, #tpu.memory_space<hbm>> -> memref<1x16x512xf32, #tpu.memory_space<hbm>>
      %dma_wait3A_86 = tpu.memref_squeeze %dma_wait3A_85 : memref<1x16x512xf32, #tpu.memory_space<hbm>> -> memref<16x512xf32, #tpu.memory_space<hbm>>
      tpu.wait_dma2 semaphore(%arg8 : memref<!tpu.dma_semaphore, #tpu.memory_space<semaphore_mem>>) src(%dma_wait3A_86 : memref<16x512xf32, #tpu.memory_space<hbm>>) dst(%dma_wait3A_83 : memref<16x512xf32, #tpu.memory_space<vmem>>)
      %dma_wait3A_87 = arith.constant 1 : i32
      %dma_wait3A_88 = arith.constant 0 : i32
      %dma_wait3A_89 = arith.constant 0 : i32
      %dma_wait3A_90 = arith.constant 0 : i32
      %dma_wait3A_91 = tpu.memref_slice %arg5[%dma_wait3A_88, %dma_wait3A_89, %dma_wait3A_90] : memref<2x16x512xf32, #tpu.memory_space<vmem>> -> memref<1x16x512xf32, #tpu.memory_space<vmem>>
      %dma_wait3A_92 = tpu.memref_squeeze %dma_wait3A_91 : memref<1x16x512xf32, #tpu.memory_space<vmem>> -> memref<16x512xf32, #tpu.memory_space<vmem>>
      %dma_wait3A_93 = arith.constant 0 : i32
      %dma_wait3A_94 = tpu.memref_slice %arg2[%dma_wait3A_87, %add3A_71, %dma_wait3A_93] : memref<3x16384x512xf32, #tpu.memory_space<hbm>> -> memref<1x16x512xf32, #tpu.memory_space<hbm>>
      %dma_wait3A_95 = tpu.memref_squeeze %dma_wait3A_94 : memref<1x16x512xf32, #tpu.memory_space<hbm>> -> memref<16x512xf32, #tpu.memory_space<hbm>>
      %dma_wait3A_96 = arith.constant 0 : i32
      %dma_wait3A_97 = arith.constant 0 : i32
      %dma_wait3A_98 = tpu.memref_slice %arg5[%dma_wait3A_88, %dma_wait3A_96, %dma_wait3A_97] : memref<2x16x512xf32, #tpu.memory_space<vmem>> -> memref<1x16x512xf32, #tpu.memory_space<vmem>>
      %dma_wait3A_99 = tpu.memref_squeeze %dma_wait3A_98 : memref<1x16x512xf32, #tpu.memory_space<vmem>> -> memref<16x512xf32, #tpu.memory_space<vmem>>
      %dma_wait3A_100 = arith.constant 0 : i32
      %dma_wait3A_101 = tpu.memref_slice %arg2[%dma_wait3A_87, %add3A_71, %dma_wait3A_100] : memref<3x16384x512xf32, #tpu.memory_space<hbm>> -> memref<1x16x512xf32, #tpu.memory_space<hbm>>
      %dma_wait3A_102 = tpu.memref_squeeze %dma_wait3A_101 : memref<1x16x512xf32, #tpu.memory_space<hbm>> -> memref<16x512xf32, #tpu.memory_space<hbm>>
      tpu.wait_dma2 semaphore(%arg8 : memref<!tpu.dma_semaphore, #tpu.memory_space<semaphore_mem>>) src(%dma_wait3A_102 : memref<16x512xf32, #tpu.memory_space<hbm>>) dst(%dma_wait3A_99 : memref<16x512xf32, #tpu.memory_space<vmem>>)
      %dma_wait3A_103 = arith.constant 2 : i32
      %dma_wait3A_104 = arith.constant 0 : i32
      %dma_wait3A_105 = arith.constant 0 : i32
      %dma_wait3A_106 = arith.constant 0 : i32
      %dma_wait3A_107 = tpu.memref_slice %arg6[%dma_wait3A_104, %dma_wait3A_105, %dma_wait3A_106] : memref<2x16x512xf32, #tpu.memory_space<vmem>> -> memref<1x16x512xf32, #tpu.memory_space<vmem>>
      %dma_wait3A_108 = tpu.memref_squeeze %dma_wait3A_107 : memref<1x16x512xf32, #tpu.memory_space<vmem>> -> memref<16x512xf32, #tpu.memory_space<vmem>>
      %dma_wait3A_109 = arith.constant 0 : i32
      %dma_wait3A_110 = tpu.memref_slice %arg2[%dma_wait3A_103, %add3A_71, %dma_wait3A_109] : memref<3x16384x512xf32, #tpu.memory_space<hbm>> -> memref<1x16x512xf32, #tpu.memory_space<hbm>>
      %dma_wait3A_111 = tpu.memref_squeeze %dma_wait3A_110 : memref<1x16x512xf32, #tpu.memory_space<hbm>> -> memref<16x512xf32, #tpu.memory_space<hbm>>
      %dma_wait3A_112 = arith.constant 0 : i32
      %dma_wait3A_113 = arith.constant 0 : i32
      %dma_wait3A_114 = tpu.memref_slice %arg6[%dma_wait3A_104, %dma_wait3A_112, %dma_wait3A_113] : memref<2x16x512xf32, #tpu.memory_space<vmem>> -> memref<1x16x512xf32, #tpu.memory_space<vmem>>
      %dma_wait3A_115 = tpu.memref_squeeze %dma_wait3A_114 : memref<1x16x512xf32, #tpu.memory_space<vmem>> -> memref<16x512xf32, #tpu.memory_space<vmem>>
      %dma_wait3A_116 = arith.constant 0 : i32
      %dma_wait3A_117 = tpu.memref_slice %arg2[%dma_wait3A_103, %add3A_71, %dma_wait3A_116] : memref<3x16384x512xf32, #tpu.memory_space<hbm>> -> memref<1x16x512xf32, #tpu.memory_space<hbm>>
      %dma_wait3A_118 = tpu.memref_squeeze %dma_wait3A_117 : memref<1x16x512xf32, #tpu.memory_space<hbm>> -> memref<16x512xf32, #tpu.memory_space<hbm>>
      tpu.wait_dma2 semaphore(%arg8 : memref<!tpu.dma_semaphore, #tpu.memory_space<semaphore_mem>>) src(%dma_wait3A_118 : memref<16x512xf32, #tpu.memory_space<hbm>>) dst(%dma_wait3A_115 : memref<16x512xf32, #tpu.memory_space<vmem>>)
      %mul3A_119 = arith.constant 16 : i32
      %mul3A_120 = arith.muli %add3A_64, %mul3A_119 : i32
      %add3A_121 = arith.addi %add3A_4, %mul3A_120 : i32
      %broadcast_in_dim3A = arith.constant 0.000000e+00 : f32
      %broadcast_in_dim3A_122 = vector.broadcast %broadcast_in_dim3A : f32 to vector<16xf32>
      %scan3A_123 = arith.constant 0 : i32
      %scan3A_124 = arith.constant 16 : i32
      %scan3A_125 = arith.addi %scan3A_123, %scan3A_124 : i32
      %scan3A_126 = arith.constant 1 : i32
      %scan3A_127 = scf.for %scan3A_278 = %scan3A_123 to %scan3A_125 step %scan3A_126 iter_args(%scan3A_279 = %broadcast_in_dim3A_122) -> (vector<16xf32>)  : i32 {
        %mul3A_280 = arith.constant 1 : i32
        %mul3A_281 = arith.muli %scan3A_278, %mul3A_280 : i32
        %add3A_282 = arith.constant 0 : i32
        %add3A_283 = arith.addi %add3A_282, %mul3A_281 : i32
        %broadcast_in_dim3A_284 = arith.constant 0.000000e+00 : f32
        %broadcast_in_dim3A_285 = vector.broadcast %broadcast_in_dim3A_284 : f32 to vector<16xf32>
        %broadcast_in_dim3A_286 = arith.constant 0.000000e+00 : f32
        %broadcast_in_dim3A_287 = vector.broadcast %broadcast_in_dim3A_286 : f32 to vector<16xf32>
        %broadcast_in_dim3A_288 = arith.constant 0.000000e+00 : f32
        %broadcast_in_dim3A_289 = vector.broadcast %broadcast_in_dim3A_288 : f32 to vector<16xf32>
        %broadcast_in_dim3A_290 = arith.constant 0.000000e+00 : f32
        %broadcast_in_dim3A_291 = vector.broadcast %broadcast_in_dim3A_290 : f32 to vector<16xf32>
        %get3A = arith.constant 0 : i32
        %get3A_292 = arith.index_cast %get3A : i32 to index
        %get3A_293 = arith.index_cast %add3A_283 : i32 to index
        %get3A_294 = arith.constant 0 : index
        %get3A_295 = tpu.vector_load %arg4[%get3A_292, %get3A_293, %get3A_294] {strides = array<i32>} : memref<2x16x512xf32, #tpu.memory_space<vmem>>, vector<1x1x16xf32>,
        %get3A_296 = vector.shape_cast %get3A_295 : vector<1x1x16xf32> to vector<16xf32>
        %get3A_297 = arith.constant 0 : i32
        %get3A_298 = arith.index_cast %get3A_297 : i32 to index
        %get3A_299 = arith.index_cast %add3A_283 : i32 to index
        %get3A_300 = arith.constant 0 : index
        %get3A_301 = tpu.vector_load %arg5[%get3A_298, %get3A_299, %get3A_300] {strides = array<i32>} : memref<2x16x512xf32, #tpu.memory_space<vmem>>, vector<1x1x16xf32>,
        %get3A_302 = vector.shape_cast %get3A_301 : vector<1x1x16xf32> to vector<16xf32>
        %add3A_303 = arith.addf %get3A_296, %get3A_302 : vector<16xf32>
        %get3A_304 = arith.constant 0 : i32
        %get3A_305 = arith.index_cast %get3A_304 : i32 to index
        %get3A_306 = arith.index_cast %add3A_283 : i32 to index
        %get3A_307 = arith.constant 0 : index
        %get3A_308 = tpu.vector_load %arg6[%get3A_305, %get3A_306, %get3A_307] {strides = array<i32>} : memref<2x16x512xf32, #tpu.memory_space<vmem>>, vector<1x1x16xf32>,
        %get3A_309 = vector.shape_cast %get3A_308 : vector<1x1x16xf32> to vector<16xf32>
        %sub3A_310 = arith.subf %add3A_303, %get3A_309 : vector<16xf32>
        %mul3A_311 = arith.mulf %sub3A_310, %sub3A_310 : vector<16xf32>
        %add3A_312 = arith.addf %broadcast_in_dim3A_285, %mul3A_311 : vector<16xf32>
        %get3A_313 = arith.constant 0 : i32
        %get3A_314 = arith.index_cast %get3A_313 : i32 to index
        %get3A_315 = arith.index_cast %add3A_283 : i32 to index
        %get3A_316 = arith.constant 16 : index
        %get3A_317 = tpu.vector_load %arg4[%get3A_314, %get3A_315, %get3A_316] {strides = array<i32>} : memref<2x16x512xf32, #tpu.memory_space<vmem>>, vector<1x1x16xf32>,
        %get3A_318 = vector.shape_cast %get3A_317 : vector<1x1x16xf32> to vector<16xf32>
        %get3A_319 = arith.constant 0 : i32
        %get3A_320 = arith.index_cast %get3A_319 : i32 to index
        %get3A_321 = arith.index_cast %add3A_283 : i32 to index
        %get3A_322 = arith.constant 16 : index
        %get3A_323 = tpu.vector_load %arg5[%get3A_320, %get3A_321, %get3A_322] {strides = array<i32>} : memref<2x16x512xf32, #tpu.memory_space<vmem>>, vector<1x1x16xf32>,
        %get3A_324 = vector.shape_cast %get3A_323 : vector<1x1x16xf32> to vector<16xf32>
        %add3A_325 = arith.addf %get3A_318, %get3A_324 : vector<16xf32>
        %get3A_326 = arith.constant 0 : i32
        %get3A_327 = arith.index_cast %get3A_326 : i32 to index
        %get3A_328 = arith.index_cast %add3A_283 : i32 to index
        %get3A_329 = arith.constant 16 : index
        %get3A_330 = tpu.vector_load %arg6[%get3A_327, %get3A_328, %get3A_329] {strides = array<i32>} : memref<2x16x512xf32, #tpu.memory_space<vmem>>, vector<1x1x16xf32>,
        %get3A_331 = vector.shape_cast %get3A_330 : vector<1x1x16xf32> to vector<16xf32>
        %sub3A_332 = arith.subf %add3A_325, %get3A_331 : vector<16xf32>
        %mul3A_333 = arith.mulf %sub3A_332, %sub3A_332 : vector<16xf32>
        %add3A_334 = arith.addf %broadcast_in_dim3A_287, %mul3A_333 : vector<16xf32>
        %get3A_335 = arith.constant 0 : i32
        %get3A_336 = arith.index_cast %get3A_335 : i32 to index
        %get3A_337 = arith.index_cast %add3A_283 : i32 to index
        %get3A_338 = arith.constant 32 : index
        %get3A_339 = tpu.vector_load %arg4[%get3A_336, %get3A_337, %get3A_338] {strides = array<i32>} : memref<2x16x512xf32, #tpu.memory_space<vmem>>, vector<1x1x16xf32>,
        %get3A_340 = vector.shape_cast %get3A_339 : vector<1x1x16xf32> to vector<16xf32>
        %get3A_341 = arith.constant 0 : i32
        %get3A_342 = arith.index_cast %get3A_341 : i32 to index
        %get3A_343 = arith.index_cast %add3A_283 : i32 to index
        %get3A_344 = arith.constant 32 : index
        %get3A_345 = tpu.vector_load %arg5[%get3A_342, %get3A_343, %get3A_344] {strides = array<i32>} : memref<2x16x512xf32, #tpu.memory_space<vmem>>, vector<1x1x16xf32>,
        %get3A_346 = vector.shape_cast %get3A_345 : vector<1x1x16xf32> to vector<16xf32>
        %add3A_347 = arith.addf %get3A_340, %get3A_346 : vector<16xf32>
        %get3A_348 = arith.constant 0 : i32
        %get3A_349 = arith.index_cast %get3A_348 : i32 to index
        %get3A_350 = arith.index_cast %add3A_283 : i32 to index
        %get3A_351 = arith.constant 32 : index
        %get3A_352 = tpu.vector_load %arg6[%get3A_349, %get3A_350, %get3A_351] {strides = array<i32>} : memref<2x16x512xf32, #tpu.memory_space<vmem>>, vector<1x1x16xf32>,
        %get3A_353 = vector.shape_cast %get3A_352 : vector<1x1x16xf32> to vector<16xf32>
        %sub3A_354 = arith.subf %add3A_347, %get3A_353 : vector<16xf32>
        %mul3A_355 = arith.mulf %sub3A_354, %sub3A_354 : vector<16xf32>
        %add3A_356 = arith.addf %broadcast_in_dim3A_289, %mul3A_355 : vector<16xf32>
        %get3A_357 = arith.constant 0 : i32
        %get3A_358 = arith.index_cast %get3A_357 : i32 to index
        %get3A_359 = arith.index_cast %add3A_283 : i32 to index
        %get3A_360 = arith.constant 48 : index
        %get3A_361 = tpu.vector_load %arg4[%get3A_358, %get3A_359, %get3A_360] {strides = array<i32>} : memref<2x16x512xf32, #tpu.memory_space<vmem>>, vector<1x1x16xf32>,
        %get3A_362 = vector.shape_cast %get3A_361 : vector<1x1x16xf32> to vector<16xf32>
        %get3A_363 = arith.constant 0 : i32
        %get3A_364 = arith.index_cast %get3A_363 : i32 to index
        %get3A_365 = arith.index_cast %add3A_283 : i32 to index
        %get3A_366 = arith.constant 48 : index
        %get3A_367 = tpu.vector_load %arg5[%get3A_364, %get3A_365, %get3A_366] {strides = array<i32>} : memref<2x16x512xf32, #tpu.memory_space<vmem>>, vector<1x1x16xf32>,
        %get3A_368 = vector.shape_cast %get3A_367 : vector<1x1x16xf32> to vector<16xf32>
        %add3A_369 = arith.addf %get3A_362, %get3A_368 : vector<16xf32>
        %get3A_370 = arith.constant 0 : i32
        %get3A_371 = arith.index_cast %get3A_370 : i32 to index
        %get3A_372 = arith.index_cast %add3A_283 : i32 to index
        %get3A_373 = arith.constant 48 : index
        %get3A_374 = tpu.vector_load %arg6[%get3A_371, %get3A_372, %get3A_373] {strides = array<i32>} : memref<2x16x512xf32, #tpu.memory_space<vmem>>, vector<1x1x16xf32>,
        %get3A_375 = vector.shape_cast %get3A_374 : vector<1x1x16xf32> to vector<16xf32>
        %sub3A_376 = arith.subf %add3A_369, %get3A_375 : vector<16xf32>
        %mul3A_377 = arith.mulf %sub3A_376, %sub3A_376 : vector<16xf32>
        %add3A_378 = arith.addf %broadcast_in_dim3A_291, %mul3A_377 : vector<16xf32>
        %get3A_379 = arith.constant 0 : i32
        %get3A_380 = arith.index_cast %get3A_379 : i32 to index
        %get3A_381 = arith.index_cast %add3A_283 : i32 to index
        %get3A_382 = arith.constant 64 : index
        %get3A_383 = tpu.vector_load %arg4[%get3A_380, %get3A_381, %get3A_382] {strides = array<i32>} : memref<2x16x512xf32, #tpu.memory_space<vmem>>, vector<1x1x16xf32>,
        %get3A_384 = vector.shape_cast %get3A_383 : vector<1x1x16xf32> to vector<16xf32>
        %get3A_385 = arith.constant 0 : i32
        %get3A_386 = arith.index_cast %get3A_385 : i32 to index
        %get3A_387 = arith.index_cast %add3A_283 : i32 to index
        %get3A_388 = arith.constant 64 : index
        %get3A_389 = tpu.vector_load %arg5[%get3A_386, %get3A_387, %get3A_388] {strides = array<i32>} : memref<2x16x512xf32, #tpu.memory_space<vmem>>, vector<1x1x16xf32>,
        %get3A_390 = vector.shape_cast %get3A_389 : vector<1x1x16xf32> to vector<16xf32>
        %add3A_391 = arith.addf %get3A_384, %get3A_390 : vector<16xf32>
        %get3A_392 = arith.constant 0 : i32
        %get3A_393 = arith.index_cast %get3A_392 : i32 to index
        %get3A_394 = arith.index_cast %add3A_283 : i32 to index
        %get3A_395 = arith.constant 64 : index
        %get3A_396 = tpu.vector_load %arg6[%get3A_393, %get3A_394, %get3A_395] {strides = array<i32>} : memref<2x16x512xf32, #tpu.memory_space<vmem>>, vector<1x1x16xf32>,
        %get3A_397 = vector.shape_cast %get3A_396 : vector<1x1x16xf32> to vector<16xf32>
        %sub3A_398 = arith.subf %add3A_391, %get3A_397 : vector<16xf32>
        %mul3A_399 = arith.mulf %sub3A_398, %sub3A_398 : vector<16xf32>
        %add3A_400 = arith.addf %add3A_312, %mul3A_399 : vector<16xf32>
        %get3A_401 = arith.constant 0 : i32
        %get3A_402 = arith.index_cast %get3A_401 : i32 to index
        %get3A_403 = arith.index_cast %add3A_283 : i32 to index
        %get3A_404 = arith.constant 80 : index
        %get3A_405 = tpu.vector_load %arg4[%get3A_402, %get3A_403, %get3A_404] {strides = array<i32>} : memref<2x16x512xf32, #tpu.memory_space<vmem>>, vector<1x1x16xf32>,
        %get3A_406 = vector.shape_cast %get3A_405 : vector<1x1x16xf32> to vector<16xf32>
        %get3A_407 = arith.constant 0 : i32
        %get3A_408 = arith.index_cast %get3A_407 : i32 to index
        %get3A_409 = arith.index_cast %add3A_283 : i32 to index
        %get3A_410 = arith.constant 80 : index
        %get3A_411 = tpu.vector_load %arg5[%get3A_408, %get3A_409, %get3A_410] {strides = array<i32>} : memref<2x16x512xf32, #tpu.memory_space<vmem>>, vector<1x1x16xf32>,
        %get3A_412 = vector.shape_cast %get3A_411 : vector<1x1x16xf32> to vector<16xf32>
        %add3A_413 = arith.addf %get3A_406, %get3A_412 : vector<16xf32>
        %get3A_414 = arith.constant 0 : i32
        %get3A_415 = arith.index_cast %get3A_414 : i32 to index
        %get3A_416 = arith.index_cast %add3A_283 : i32 to index
        %get3A_417 = arith.constant 80 : index
        %get3A_418 = tpu.vector_load %arg6[%get3A_415, %get3A_416, %get3A_417] {strides = array<i32>} : memref<2x16x512xf32, #tpu.memory_space<vmem>>, vector<1x1x16xf32>,
        %get3A_419 = vector.shape_cast %get3A_418 : vector<1x1x16xf32> to vector<16xf32>
        %sub3A_420 = arith.subf %add3A_413, %get3A_419 : vector<16xf32>
        %mul3A_421 = arith.mulf %sub3A_420, %sub3A_420 : vector<16xf32>
        %add3A_422 = arith.addf %add3A_334, %mul3A_421 : vector<16xf32>
        %get3A_423 = arith.constant 0 : i32
        %get3A_424 = arith.index_cast %get3A_423 : i32 to index
        %get3A_425 = arith.index_cast %add3A_283 : i32 to index
        %get3A_426 = arith.constant 96 : index
        %get3A_427 = tpu.vector_load %arg4[%get3A_424, %get3A_425, %get3A_426] {strides = array<i32>} : memref<2x16x512xf32, #tpu.memory_space<vmem>>, vector<1x1x16xf32>,
        %get3A_428 = vector.shape_cast %get3A_427 : vector<1x1x16xf32> to vector<16xf32>
        %get3A_429 = arith.constant 0 : i32
        %get3A_430 = arith.index_cast %get3A_429 : i32 to index
        %get3A_431 = arith.index_cast %add3A_283 : i32 to index
        %get3A_432 = arith.constant 96 : index
        %get3A_433 = tpu.vector_load %arg5[%get3A_430, %get3A_431, %get3A_432] {strides = array<i32>} : memref<2x16x512xf32, #tpu.memory_space<vmem>>, vector<1x1x16xf32>,
        %get3A_434 = vector.shape_cast %get3A_433 : vector<1x1x16xf32> to vector<16xf32>
        %add3A_435 = arith.addf %get3A_428, %get3A_434 : vector<16xf32>
        %get3A_436 = arith.constant 0 : i32
        %get3A_437 = arith.index_cast %get3A_436 : i32 to index
        %get3A_438 = arith.index_cast %add3A_283 : i32 to index
        %get3A_439 = arith.constant 96 : index
        %get3A_440 = tpu.vector_load %arg6[%get3A_437, %get3A_438, %get3A_439] {strides = array<i32>} : memref<2x16x512xf32, #tpu.memory_space<vmem>>, vector<1x1x16xf32>,
        %get3A_441 = vector.shape_cast %get3A_440 : vector<1x1x16xf32> to vector<16xf32>
        %sub3A_442 = arith.subf %add3A_435, %get3A_441 : vector<16xf32>
        %mul3A_443 = arith.mulf %sub3A_442, %sub3A_442 : vector<16xf32>
        %add3A_444 = arith.addf %add3A_356, %mul3A_443 : vector<16xf32>
        %get3A_445 = arith.constant 0 : i32
        %get3A_446 = arith.index_cast %get3A_445 : i32 to index
        %get3A_447 = arith.index_cast %add3A_283 : i32 to index
        %get3A_448 = arith.constant 112 : index
        %get3A_449 = tpu.vector_load %arg4[%get3A_446, %get3A_447, %get3A_448] {strides = array<i32>} : memref<2x16x512xf32, #tpu.memory_space<vmem>>, vector<1x1x16xf32>,
        %get3A_450 = vector.shape_cast %get3A_449 : vector<1x1x16xf32> to vector<16xf32>
        %get3A_451 = arith.constant 0 : i32
        %get3A_452 = arith.index_cast %get3A_451 : i32 to index
        %get3A_453 = arith.index_cast %add3A_283 : i32 to index
        %get3A_454 = arith.constant 112 : index
        %get3A_455 = tpu.vector_load %arg5[%get3A_452, %get3A_453, %get3A_454] {strides = array<i32>} : memref<2x16x512xf32, #tpu.memory_space<vmem>>, vector<1x1x16xf32>,
        %get3A_456 = vector.shape_cast %get3A_455 : vector<1x1x16xf32> to vector<16xf32>
        %add3A_457 = arith.addf %get3A_450, %get3A_456 : vector<16xf32>
        %get3A_458 = arith.constant 0 : i32
        %get3A_459 = arith.index_cast %get3A_458 : i32 to index
        %get3A_460 = arith.index_cast %add3A_283 : i32 to index
        %get3A_461 = arith.constant 112 : index
        %get3A_462 = tpu.vector_load %arg6[%get3A_459, %get3A_460, %get3A_461] {strides = array<i32>} : memref<2x16x512xf32, #tpu.memory_space<vmem>>, vector<1x1x16xf32>,
        %get3A_463 = vector.shape_cast %get3A_462 : vector<1x1x16xf32> to vector<16xf32>
        %sub3A_464 = arith.subf %add3A_457, %get3A_463 : vector<16xf32>
        %mul3A_465 = arith.mulf %sub3A_464, %sub3A_464 : vector<16xf32>
        %add3A_466 = arith.addf %add3A_378, %mul3A_465 : vector<16xf32>
        %get3A_467 = arith.constant 0 : i32
        %get3A_468 = arith.index_cast %get3A_467 : i32 to index
        %get3A_469 = arith.index_cast %add3A_283 : i32 to index
        %get3A_470 = arith.constant 128 : index
        %get3A_471 = tpu.vector_load %arg4[%get3A_468, %get3A_469, %get3A_470] {strides = array<i32>} : memref<2x16x512xf32, #tpu.memory_space<vmem>>, vector<1x1x16xf32>,
        %get3A_472 = vector.shape_cast %get3A_471 : vector<1x1x16xf32> to vector<16xf32>
        %get3A_473 = arith.constant 0 : i32
        %get3A_474 = arith.index_cast %get3A_473 : i32 to index
        %get3A_475 = arith.index_cast %add3A_283 : i32 to index
        %get3A_476 = arith.constant 128 : index
        %get3A_477 = tpu.vector_load %arg5[%get3A_474, %get3A_475, %get3A_476] {strides = array<i32>} : memref<2x16x512xf32, #tpu.memory_space<vmem>>, vector<1x1x16xf32>,
        %get3A_478 = vector.shape_cast %get3A_477 : vector<1x1x16xf32> to vector<16xf32>
        %add3A_479 = arith.addf %get3A_472, %get3A_478 : vector<16xf32>
        %get3A_480 = arith.constant 0 : i32
        %get3A_481 = arith.index_cast %get3A_480 : i32 to index
        %get3A_482 = arith.index_cast %add3A_283 : i32 to index
        %get3A_483 = arith.constant 128 : index
        %get3A_484 = tpu.vector_load %arg6[%get3A_481, %get3A_482, %get3A_483] {strides = array<i32>} : memref<2x16x512xf32, #tpu.memory_space<vmem>>, vector<1x1x16xf32>,
        %get3A_485 = vector.shape_cast %get3A_484 : vector<1x1x16xf32> to vector<16xf32>
        %sub3A_486 = arith.subf %add3A_479, %get3A_485 : vector<16xf32>
        %mul3A_487 = arith.mulf %sub3A_486, %sub3A_486 : vector<16xf32>
        %add3A_488 = arith.addf %add3A_400, %mul3A_487 : vector<16xf32>
        %get3A_489 = arith.constant 0 : i32
        %get3A_490 = arith.index_cast %get3A_489 : i32 to index
        %get3A_491 = arith.index_cast %add3A_283 : i32 to index
        %get3A_492 = arith.constant 144 : index
        %get3A_493 = tpu.vector_load %arg4[%get3A_490, %get3A_491, %get3A_492] {strides = array<i32>} : memref<2x16x512xf32, #tpu.memory_space<vmem>>, vector<1x1x16xf32>,
        %get3A_494 = vector.shape_cast %get3A_493 : vector<1x1x16xf32> to vector<16xf32>
        %get3A_495 = arith.constant 0 : i32
        %get3A_496 = arith.index_cast %get3A_495 : i32 to index
        %get3A_497 = arith.index_cast %add3A_283 : i32 to index
        %get3A_498 = arith.constant 144 : index
        %get3A_499 = tpu.vector_load %arg5[%get3A_496, %get3A_497, %get3A_498] {strides = array<i32>} : memref<2x16x512xf32, #tpu.memory_space<vmem>>, vector<1x1x16xf32>,
        %get3A_500 = vector.shape_cast %get3A_499 : vector<1x1x16xf32> to vector<16xf32>
        %add3A_501 = arith.addf %get3A_494, %get3A_500 : vector<16xf32>
        %get3A_502 = arith.constant 0 : i32
        %get3A_503 = arith.index_cast %get3A_502 : i32 to index
        %get3A_504 = arith.index_cast %add3A_283 : i32 to index
        %get3A_505 = arith.constant 144 : index
        %get3A_506 = tpu.vector_load %arg6[%get3A_503, %get3A_504, %get3A_505] {strides = array<i32>} : memref<2x16x512xf32, #tpu.memory_space<vmem>>, vector<1x1x16xf32>,
        %get3A_507 = vector.shape_cast %get3A_506 : vector<1x1x16xf32> to vector<16xf32>
        %sub3A_508 = arith.subf %add3A_501, %get3A_507 : vector<16xf32>
        %mul3A_509 = arith.mulf %sub3A_508, %sub3A_508 : vector<16xf32>
        %add3A_510 = arith.addf %add3A_422, %mul3A_509 : vector<16xf32>
        %get3A_511 = arith.constant 0 : i32
        %get3A_512 = arith.index_cast %get3A_511 : i32 to index
        %get3A_513 = arith.index_cast %add3A_283 : i32 to index
        %get3A_514 = arith.constant 160 : index
        %get3A_515 = tpu.vector_load %arg4[%get3A_512, %get3A_513, %get3A_514] {strides = array<i32>} : memref<2x16x512xf32, #tpu.memory_space<vmem>>, vector<1x1x16xf32>,
        %get3A_516 = vector.shape_cast %get3A_515 : vector<1x1x16xf32> to vector<16xf32>
        %get3A_517 = arith.constant 0 : i32
        %get3A_518 = arith.index_cast %get3A_517 : i32 to index
        %get3A_519 = arith.index_cast %add3A_283 : i32 to index
        %get3A_520 = arith.constant 160 : index
        %get3A_521 = tpu.vector_load %arg5[%get3A_518, %get3A_519, %get3A_520] {strides = array<i32>} : memref<2x16x512xf32, #tpu.memory_space<vmem>>, vector<1x1x16xf32>,
        %get3A_522 = vector.shape_cast %get3A_521 : vector<1x1x16xf32> to vector<16xf32>
        %add3A_523 = arith.addf %get3A_516, %get3A_522 : vector<16xf32>
        %get3A_524 = arith.constant 0 : i32
        %get3A_525 = arith.index_cast %get3A_524 : i32 to index
        %get3A_526 = arith.index_cast %add3A_283 : i32 to index
        %get3A_527 = arith.constant 160 : index
        %get3A_528 = tpu.vector_load %arg6[%get3A_525, %get3A_526, %get3A_527] {strides = array<i32>} : memref<2x16x512xf32, #tpu.memory_space<vmem>>, vector<1x1x16xf32>,
        %get3A_529 = vector.shape_cast %get3A_528 : vector<1x1x16xf32> to vector<16xf32>
        %sub3A_530 = arith.subf %add3A_523, %get3A_529 : vector<16xf32>
        %mul3A_531 = arith.mulf %sub3A_530, %sub3A_530 : vector<16xf32>
        %add3A_532 = arith.addf %add3A_444, %mul3A_531 : vector<16xf32>
        %get3A_533 = arith.constant 0 : i32
        %get3A_534 = arith.index_cast %get3A_533 : i32 to index
        %get3A_535 = arith.index_cast %add3A_283 : i32 to index
        %get3A_536 = arith.constant 176 : index
        %get3A_537 = tpu.vector_load %arg4[%get3A_534, %get3A_535, %get3A_536] {strides = array<i32>} : memref<2x16x512xf32, #tpu.memory_space<vmem>>, vector<1x1x16xf32>,
        %get3A_538 = vector.shape_cast %get3A_537 : vector<1x1x16xf32> to vector<16xf32>
        %get3A_539 = arith.constant 0 : i32
        %get3A_540 = arith.index_cast %get3A_539 : i32 to index
        %get3A_541 = arith.index_cast %add3A_283 : i32 to index
        %get3A_542 = arith.constant 176 : index
        %get3A_543 = tpu.vector_load %arg5[%get3A_540, %get3A_541, %get3A_542] {strides = array<i32>} : memref<2x16x512xf32, #tpu.memory_space<vmem>>, vector<1x1x16xf32>,
        %get3A_544 = vector.shape_cast %get3A_543 : vector<1x1x16xf32> to vector<16xf32>
        %add3A_545 = arith.addf %get3A_538, %get3A_544 : vector<16xf32>
        %get3A_546 = arith.constant 0 : i32
        %get3A_547 = arith.index_cast %get3A_546 : i32 to index
        %get3A_548 = arith.index_cast %add3A_283 : i32 to index
        %get3A_549 = arith.constant 176 : index
        %get3A_550 = tpu.vector_load %arg6[%get3A_547, %get3A_548, %get3A_549] {strides = array<i32>} : memref<2x16x512xf32, #tpu.memory_space<vmem>>, vector<1x1x16xf32>,
        %get3A_551 = vector.shape_cast %get3A_550 : vector<1x1x16xf32> to vector<16xf32>
        %sub3A_552 = arith.subf %add3A_545, %get3A_551 : vector<16xf32>
        %mul3A_553 = arith.mulf %sub3A_552, %sub3A_552 : vector<16xf32>
        %add3A_554 = arith.addf %add3A_466, %mul3A_553 : vector<16xf32>
        %get3A_555 = arith.constant 0 : i32
        %get3A_556 = arith.index_cast %get3A_555 : i32 to index
        %get3A_557 = arith.index_cast %add3A_283 : i32 to index
        %get3A_558 = arith.constant 192 : index
        %get3A_559 = tpu.vector_load %arg4[%get3A_556, %get3A_557, %get3A_558] {strides = array<i32>} : memref<2x16x512xf32, #tpu.memory_space<vmem>>, vector<1x1x16xf32>,
        %get3A_560 = vector.shape_cast %get3A_559 : vector<1x1x16xf32> to vector<16xf32>
        %get3A_561 = arith.constant 0 : i32
        %get3A_562 = arith.index_cast %get3A_561 : i32 to index
        %get3A_563 = arith.index_cast %add3A_283 : i32 to index
        %get3A_564 = arith.constant 192 : index
        %get3A_565 = tpu.vector_load %arg5[%get3A_562, %get3A_563, %get3A_564] {strides = array<i32>} : memref<2x16x512xf32, #tpu.memory_space<vmem>>, vector<1x1x16xf32>,
        %get3A_566 = vector.shape_cast %get3A_565 : vector<1x1x16xf32> to vector<16xf32>
        %add3A_567 = arith.addf %get3A_560, %get3A_566 : vector<16xf32>
        %get3A_568 = arith.constant 0 : i32
        %get3A_569 = arith.index_cast %get3A_568 : i32 to index
        %get3A_570 = arith.index_cast %add3A_283 : i32 to index
        %get3A_571 = arith.constant 192 : index
        %get3A_572 = tpu.vector_load %arg6[%get3A_569, %get3A_570, %get3A_571] {strides = array<i32>} : memref<2x16x512xf32, #tpu.memory_space<vmem>>, vector<1x1x16xf32>,
        %get3A_573 = vector.shape_cast %get3A_572 : vector<1x1x16xf32> to vector<16xf32>
        %sub3A_574 = arith.subf %add3A_567, %get3A_573 : vector<16xf32>
        %mul3A_575 = arith.mulf %sub3A_574, %sub3A_574 : vector<16xf32>
        %add3A_576 = arith.addf %add3A_488, %mul3A_575 : vector<16xf32>
        %get3A_577 = arith.constant 0 : i32
        %get3A_578 = arith.index_cast %get3A_577 : i32 to index
        %get3A_579 = arith.index_cast %add3A_283 : i32 to index
        %get3A_580 = arith.constant 208 : index
        %get3A_581 = tpu.vector_load %arg4[%get3A_578, %get3A_579, %get3A_580] {strides = array<i32>} : memref<2x16x512xf32, #tpu.memory_space<vmem>>, vector<1x1x16xf32>,
        %get3A_582 = vector.shape_cast %get3A_581 : vector<1x1x16xf32> to vector<16xf32>
        %get3A_583 = arith.constant 0 : i32
        %get3A_584 = arith.index_cast %get3A_583 : i32 to index
        %get3A_585 = arith.index_cast %add3A_283 : i32 to index
        %get3A_586 = arith.constant 208 : index
        %get3A_587 = tpu.vector_load %arg5[%get3A_584, %get3A_585, %get3A_586] {strides = array<i32>} : memref<2x16x512xf32, #tpu.memory_space<vmem>>, vector<1x1x16xf32>,
        %get3A_588 = vector.shape_cast %get3A_587 : vector<1x1x16xf32> to vector<16xf32>
        %add3A_589 = arith.addf %get3A_582, %get3A_588 : vector<16xf32>
        %get3A_590 = arith.constant 0 : i32
        %get3A_591 = arith.index_cast %get3A_590 : i32 to index
        %get3A_592 = arith.index_cast %add3A_283 : i32 to index
        %get3A_593 = arith.constant 208 : index
        %get3A_594 = tpu.vector_load %arg6[%get3A_591, %get3A_592, %get3A_593] {strides = array<i32>} : memref<2x16x512xf32, #tpu.memory_space<vmem>>, vector<1x1x16xf32>,
        %get3A_595 = vector.shape_cast %get3A_594 : vector<1x1x16xf32> to vector<16xf32>
        %sub3A_596 = arith.subf %add3A_589, %get3A_595 : vector<16xf32>
        %mul3A_597 = arith.mulf %sub3A_596, %sub3A_596 : vector<16xf32>
        %add3A_598 = arith.addf %add3A_510, %mul3A_597 : vector<16xf32>
        %get3A_599 = arith.constant 0 : i32
        %get3A_600 = arith.index_cast %get3A_599 : i32 to index
        %get3A_601 = arith.index_cast %add3A_283 : i32 to index
        %get3A_602 = arith.constant 224 : index
        %get3A_603 = tpu.vector_load %arg4[%get3A_600, %get3A_601, %get3A_602] {strides = array<i32>} : memref<2x16x512xf32, #tpu.memory_space<vmem>>, vector<1x1x16xf32>,
        %get3A_604 = vector.shape_cast %get3A_603 : vector<1x1x16xf32> to vector<16xf32>
        %get3A_605 = arith.constant 0 : i32
        %get3A_606 = arith.index_cast %get3A_605 : i32 to index
        %get3A_607 = arith.index_cast %add3A_283 : i32 to index
        %get3A_608 = arith.constant 224 : index
        %get3A_609 = tpu.vector_load %arg5[%get3A_606, %get3A_607, %get3A_608] {strides = array<i32>} : memref<2x16x512xf32, #tpu.memory_space<vmem>>, vector<1x1x16xf32>,
        %get3A_610 = vector.shape_cast %get3A_609 : vector<1x1x16xf32> to vector<16xf32>
        %add3A_611 = arith.addf %get3A_604, %get3A_610 : vector<16xf32>
        %get3A_612 = arith.constant 0 : i32
        %get3A_613 = arith.index_cast %get3A_612 : i32 to index
        %get3A_614 = arith.index_cast %add3A_283 : i32 to index
        %get3A_615 = arith.constant 224 : index
        %get3A_616 = tpu.vector_load %arg6[%get3A_613, %get3A_614, %get3A_615] {strides = array<i32>} : memref<2x16x512xf32, #tpu.memory_space<vmem>>, vector<1x1x16xf32>,
        %get3A_617 = vector.shape_cast %get3A_616 : vector<1x1x16xf32> to vector<16xf32>
        %sub3A_618 = arith.subf %add3A_611, %get3A_617 : vector<16xf32>
        %mul3A_619 = arith.mulf %sub3A_618, %sub3A_618 : vector<16xf32>
        %add3A_620 = arith.addf %add3A_532, %mul3A_619 : vector<16xf32>
        %get3A_621 = arith.constant 0 : i32
        %get3A_622 = arith.index_cast %get3A_621 : i32 to index
        %get3A_623 = arith.index_cast %add3A_283 : i32 to index
        %get3A_624 = arith.constant 240 : index
        %get3A_625 = tpu.vector_load %arg4[%get3A_622, %get3A_623, %get3A_624] {strides = array<i32>} : memref<2x16x512xf32, #tpu.memory_space<vmem>>, vector<1x1x16xf32>,
        %get3A_626 = vector.shape_cast %get3A_625 : vector<1x1x16xf32> to vector<16xf32>
        %get3A_627 = arith.constant 0 : i32
        %get3A_628 = arith.index_cast %get3A_627 : i32 to index
        %get3A_629 = arith.index_cast %add3A_283 : i32 to index
        %get3A_630 = arith.constant 240 : index
        %get3A_631 = tpu.vector_load %arg5[%get3A_628, %get3A_629, %get3A_630] {strides = array<i32>} : memref<2x16x512xf32, #tpu.memory_space<vmem>>, vector<1x1x16xf32>,
        %get3A_632 = vector.shape_cast %get3A_631 : vector<1x1x16xf32> to vector<16xf32>
        %add3A_633 = arith.addf %get3A_626, %get3A_632 : vector<16xf32>
        %get3A_634 = arith.constant 0 : i32
        %get3A_635 = arith.index_cast %get3A_634 : i32 to index
        %get3A_636 = arith.index_cast %add3A_283 : i32 to index
        %get3A_637 = arith.constant 240 : index
        %get3A_638 = tpu.vector_load %arg6[%get3A_635, %get3A_636, %get3A_637] {strides = array<i32>} : memref<2x16x512xf32, #tpu.memory_space<vmem>>, vector<1x1x16xf32>,
        %get3A_639 = vector.shape_cast %get3A_638 : vector<1x1x16xf32> to vector<16xf32>
        %sub3A_640 = arith.subf %add3A_633, %get3A_639 : vector<16xf32>
        %mul3A_641 = arith.mulf %sub3A_640, %sub3A_640 : vector<16xf32>
        %add3A_642 = arith.addf %add3A_554, %mul3A_641 : vector<16xf32>
        %get3A_643 = arith.constant 0 : i32
        %get3A_644 = arith.index_cast %get3A_643 : i32 to index
        %get3A_645 = arith.index_cast %add3A_283 : i32 to index
        %get3A_646 = arith.constant 256 : index
        %get3A_647 = tpu.vector_load %arg4[%get3A_644, %get3A_645, %get3A_646] {strides = array<i32>} : memref<2x16x512xf32, #tpu.memory_space<vmem>>, vector<1x1x16xf32>,
        %get3A_648 = vector.shape_cast %get3A_647 : vector<1x1x16xf32> to vector<16xf32>
        %get3A_649 = arith.constant 0 : i32
        %get3A_650 = arith.index_cast %get3A_649 : i32 to index
        %get3A_651 = arith.index_cast %add3A_283 : i32 to index
        %get3A_652 = arith.constant 256 : index
        %get3A_653 = tpu.vector_load %arg5[%get3A_650, %get3A_651, %get3A_652] {strides = array<i32>} : memref<2x16x512xf32, #tpu.memory_space<vmem>>, vector<1x1x16xf32>,
        %get3A_654 = vector.shape_cast %get3A_653 : vector<1x1x16xf32> to vector<16xf32>
        %add3A_655 = arith.addf %get3A_648, %get3A_654 : vector<16xf32>
        %get3A_656 = arith.constant 0 : i32
        %get3A_657 = arith.index_cast %get3A_656 : i32 to index
        %get3A_658 = arith.index_cast %add3A_283 : i32 to index
        %get3A_659 = arith.constant 256 : index
        %get3A_660 = tpu.vector_load %arg6[%get3A_657, %get3A_658, %get3A_659] {strides = array<i32>} : memref<2x16x512xf32, #tpu.memory_space<vmem>>, vector<1x1x16xf32>,
        %get3A_661 = vector.shape_cast %get3A_660 : vector<1x1x16xf32> to vector<16xf32>
        %sub3A_662 = arith.subf %add3A_655, %get3A_661 : vector<16xf32>
        %mul3A_663 = arith.mulf %sub3A_662, %sub3A_662 : vector<16xf32>
        %add3A_664 = arith.addf %add3A_576, %mul3A_663 : vector<16xf32>
        %get3A_665 = arith.constant 0 : i32
        %get3A_666 = arith.index_cast %get3A_665 : i32 to index
        %get3A_667 = arith.index_cast %add3A_283 : i32 to index
        %get3A_668 = arith.constant 272 : index
        %get3A_669 = tpu.vector_load %arg4[%get3A_666, %get3A_667, %get3A_668] {strides = array<i32>} : memref<2x16x512xf32, #tpu.memory_space<vmem>>, vector<1x1x16xf32>,
        %get3A_670 = vector.shape_cast %get3A_669 : vector<1x1x16xf32> to vector<16xf32>
        %get3A_671 = arith.constant 0 : i32
        %get3A_672 = arith.index_cast %get3A_671 : i32 to index
        %get3A_673 = arith.index_cast %add3A_283 : i32 to index
        %get3A_674 = arith.constant 272 : index
        %get3A_675 = tpu.vector_load %arg5[%get3A_672, %get3A_673, %get3A_674] {strides = array<i32>} : memref<2x16x512xf32, #tpu.memory_space<vmem>>, vector<1x1x16xf32>,
        %get3A_676 = vector.shape_cast %get3A_675 : vector<1x1x16xf32> to vector<16xf32>
        %add3A_677 = arith.addf %get3A_670, %get3A_676 : vector<16xf32>
        %get3A_678 = arith.constant 0 : i32
        %get3A_679 = arith.index_cast %get3A_678 : i32 to index
        %get3A_680 = arith.index_cast %add3A_283 : i32 to index
        %get3A_681 = arith.constant 272 : index
        %get3A_682 = tpu.vector_load %arg6[%get3A_679, %get3A_680, %get3A_681] {strides = array<i32>} : memref<2x16x512xf32, #tpu.memory_space<vmem>>, vector<1x1x16xf32>,
        %get3A_683 = vector.shape_cast %get3A_682 : vector<1x1x16xf32> to vector<16xf32>
        %sub3A_684 = arith.subf %add3A_677, %get3A_683 : vector<16xf32>
        %mul3A_685 = arith.mulf %sub3A_684, %sub3A_684 : vector<16xf32>
        %add3A_686 = arith.addf %add3A_598, %mul3A_685 : vector<16xf32>
        %get3A_687 = arith.constant 0 : i32
        %get3A_688 = arith.index_cast %get3A_687 : i32 to index
        %get3A_689 = arith.index_cast %add3A_283 : i32 to index
        %get3A_690 = arith.constant 288 : index
        %get3A_691 = tpu.vector_load %arg4[%get3A_688, %get3A_689, %get3A_690] {strides = array<i32>} : memref<2x16x512xf32, #tpu.memory_space<vmem>>, vector<1x1x16xf32>,
        %get3A_692 = vector.shape_cast %get3A_691 : vector<1x1x16xf32> to vector<16xf32>
        %get3A_693 = arith.constant 0 : i32
        %get3A_694 = arith.index_cast %get3A_693 : i32 to index
        %get3A_695 = arith.index_cast %add3A_283 : i32 to index
        %get3A_696 = arith.constant 288 : index
        %get3A_697 = tpu.vector_load %arg5[%get3A_694, %get3A_695, %get3A_696] {strides = array<i32>} : memref<2x16x512xf32, #tpu.memory_space<vmem>>, vector<1x1x16xf32>,
        %get3A_698 = vector.shape_cast %get3A_697 : vector<1x1x16xf32> to vector<16xf32>
        %add3A_699 = arith.addf %get3A_692, %get3A_698 : vector<16xf32>
        %get3A_700 = arith.constant 0 : i32
        %get3A_701 = arith.index_cast %get3A_700 : i32 to index
        %get3A_702 = arith.index_cast %add3A_283 : i32 to index
        %get3A_703 = arith.constant 288 : index
        %get3A_704 = tpu.vector_load %arg6[%get3A_701, %get3A_702, %get3A_703] {strides = array<i32>} : memref<2x16x512xf32, #tpu.memory_space<vmem>>, vector<1x1x16xf32>,
        %get3A_705 = vector.shape_cast %get3A_704 : vector<1x1x16xf32> to vector<16xf32>
        %sub3A_706 = arith.subf %add3A_699, %get3A_705 : vector<16xf32>
        %mul3A_707 = arith.mulf %sub3A_706, %sub3A_706 : vector<16xf32>
        %add3A_708 = arith.addf %add3A_620, %mul3A_707 : vector<16xf32>
        %get3A_709 = arith.constant 0 : i32
        %get3A_710 = arith.index_cast %get3A_709 : i32 to index
        %get3A_711 = arith.index_cast %add3A_283 : i32 to index
        %get3A_712 = arith.constant 304 : index
        %get3A_713 = tpu.vector_load %arg4[%get3A_710, %get3A_711, %get3A_712] {strides = array<i32>} : memref<2x16x512xf32, #tpu.memory_space<vmem>>, vector<1x1x16xf32>,
        %get3A_714 = vector.shape_cast %get3A_713 : vector<1x1x16xf32> to vector<16xf32>
        %get3A_715 = arith.constant 0 : i32
        %get3A_716 = arith.index_cast %get3A_715 : i32 to index
        %get3A_717 = arith.index_cast %add3A_283 : i32 to index
        %get3A_718 = arith.constant 304 : index
        %get3A_719 = tpu.vector_load %arg5[%get3A_716, %get3A_717, %get3A_718] {strides = array<i32>} : memref<2x16x512xf32, #tpu.memory_space<vmem>>, vector<1x1x16xf32>,
        %get3A_720 = vector.shape_cast %get3A_719 : vector<1x1x16xf32> to vector<16xf32>
        %add3A_721 = arith.addf %get3A_714, %get3A_720 : vector<16xf32>
        %get3A_722 = arith.constant 0 : i32
        %get3A_723 = arith.index_cast %get3A_722 : i32 to index
        %get3A_724 = arith.index_cast %add3A_283 : i32 to index
        %get3A_725 = arith.constant 304 : index
        %get3A_726 = tpu.vector_load %arg6[%get3A_723, %get3A_724, %get3A_725] {strides = array<i32>} : memref<2x16x512xf32, #tpu.memory_space<vmem>>, vector<1x1x16xf32>,
        %get3A_727 = vector.shape_cast %get3A_726 : vector<1x1x16xf32> to vector<16xf32>
        %sub3A_728 = arith.subf %add3A_721, %get3A_727 : vector<16xf32>
        %mul3A_729 = arith.mulf %sub3A_728, %sub3A_728 : vector<16xf32>
        %add3A_730 = arith.addf %add3A_642, %mul3A_729 : vector<16xf32>
        %get3A_731 = arith.constant 0 : i32
        %get3A_732 = arith.index_cast %get3A_731 : i32 to index
        %get3A_733 = arith.index_cast %add3A_283 : i32 to index
        %get3A_734 = arith.constant 320 : index
        %get3A_735 = tpu.vector_load %arg4[%get3A_732, %get3A_733, %get3A_734] {strides = array<i32>} : memref<2x16x512xf32, #tpu.memory_space<vmem>>, vector<1x1x16xf32>,
        %get3A_736 = vector.shape_cast %get3A_735 : vector<1x1x16xf32> to vector<16xf32>
        %get3A_737 = arith.constant 0 : i32
        %get3A_738 = arith.index_cast %get3A_737 : i32 to index
        %get3A_739 = arith.index_cast %add3A_283 : i32 to index
        %get3A_740 = arith.constant 320 : index
        %get3A_741 = tpu.vector_load %arg5[%get3A_738, %get3A_739, %get3A_740] {strides = array<i32>} : memref<2x16x512xf32, #tpu.memory_space<vmem>>, vector<1x1x16xf32>,
        %get3A_742 = vector.shape_cast %get3A_741 : vector<1x1x16xf32> to vector<16xf32>
        %add3A_743 = arith.addf %get3A_736, %get3A_742 : vector<16xf32>
        %get3A_744 = arith.constant 0 : i32
        %get3A_745 = arith.index_cast %get3A_744 : i32 to index
        %get3A_746 = arith.index_cast %add3A_283 : i32 to index
        %get3A_747 = arith.constant 320 : index
        %get3A_748 = tpu.vector_load %arg6[%get3A_745, %get3A_746, %get3A_747] {strides = array<i32>} : memref<2x16x512xf32, #tpu.memory_space<vmem>>, vector<1x1x16xf32>,
        %get3A_749 = vector.shape_cast %get3A_748 : vector<1x1x16xf32> to vector<16xf32>
        %sub3A_750 = arith.subf %add3A_743, %get3A_749 : vector<16xf32>
        %mul3A_751 = arith.mulf %sub3A_750, %sub3A_750 : vector<16xf32>
        %add3A_752 = arith.addf %add3A_664, %mul3A_751 : vector<16xf32>
        %get3A_753 = arith.constant 0 : i32
        %get3A_754 = arith.index_cast %get3A_753 : i32 to index
        %get3A_755 = arith.index_cast %add3A_283 : i32 to index
        %get3A_756 = arith.constant 336 : index
        %get3A_757 = tpu.vector_load %arg4[%get3A_754, %get3A_755, %get3A_756] {strides = array<i32>} : memref<2x16x512xf32, #tpu.memory_space<vmem>>, vector<1x1x16xf32>,
        %get3A_758 = vector.shape_cast %get3A_757 : vector<1x1x16xf32> to vector<16xf32>
        %get3A_759 = arith.constant 0 : i32
        %get3A_760 = arith.index_cast %get3A_759 : i32 to index
        %get3A_761 = arith.index_cast %add3A_283 : i32 to index
        %get3A_762 = arith.constant 336 : index
        %get3A_763 = tpu.vector_load %arg5[%get3A_760, %get3A_761, %get3A_762] {strides = array<i32>} : memref<2x16x512xf32, #tpu.memory_space<vmem>>, vector<1x1x16xf32>,
        %get3A_764 = vector.shape_cast %get3A_763 : vector<1x1x16xf32> to vector<16xf32>
        %add3A_765 = arith.addf %get3A_758, %get3A_764 : vector<16xf32>
        %get3A_766 = arith.constant 0 : i32
        %get3A_767 = arith.index_cast %get3A_766 : i32 to index
        %get3A_768 = arith.index_cast %add3A_283 : i32 to index
        %get3A_769 = arith.constant 336 : index
        %get3A_770 = tpu.vector_load %arg6[%get3A_767, %get3A_768, %get3A_769] {strides = array<i32>} : memref<2x16x512xf32, #tpu.memory_space<vmem>>, vector<1x1x16xf32>,
        %get3A_771 = vector.shape_cast %get3A_770 : vector<1x1x16xf32> to vector<16xf32>
        %sub3A_772 = arith.subf %add3A_765, %get3A_771 : vector<16xf32>
        %mul3A_773 = arith.mulf %sub3A_772, %sub3A_772 : vector<16xf32>
        %add3A_774 = arith.addf %add3A_686, %mul3A_773 : vector<16xf32>
        %get3A_775 = arith.constant 0 : i32
        %get3A_776 = arith.index_cast %get3A_775 : i32 to index
        %get3A_777 = arith.index_cast %add3A_283 : i32 to index
        %get3A_778 = arith.constant 352 : index
        %get3A_779 = tpu.vector_load %arg4[%get3A_776, %get3A_777, %get3A_778] {strides = array<i32>} : memref<2x16x512xf32, #tpu.memory_space<vmem>>, vector<1x1x16xf32>,
        %get3A_780 = vector.shape_cast %get3A_779 : vector<1x1x16xf32> to vector<16xf32>
        %get3A_781 = arith.constant 0 : i32
        %get3A_782 = arith.index_cast %get3A_781 : i32 to index
        %get3A_783 = arith.index_cast %add3A_283 : i32 to index
        %get3A_784 = arith.constant 352 : index
        %get3A_785 = tpu.vector_load %arg5[%get3A_782, %get3A_783, %get3A_784] {strides = array<i32>} : memref<2x16x512xf32, #tpu.memory_space<vmem>>, vector<1x1x16xf32>,
        %get3A_786 = vector.shape_cast %get3A_785 : vector<1x1x16xf32> to vector<16xf32>
        %add3A_787 = arith.addf %get3A_780, %get3A_786 : vector<16xf32>
        %get3A_788 = arith.constant 0 : i32
        %get3A_789 = arith.index_cast %get3A_788 : i32 to index
        %get3A_790 = arith.index_cast %add3A_283 : i32 to index
        %get3A_791 = arith.constant 352 : index
        %get3A_792 = tpu.vector_load %arg6[%get3A_789, %get3A_790, %get3A_791] {strides = array<i32>} : memref<2x16x512xf32, #tpu.memory_space<vmem>>, vector<1x1x16xf32>,
        %get3A_793 = vector.shape_cast %get3A_792 : vector<1x1x16xf32> to vector<16xf32>
        %sub3A_794 = arith.subf %add3A_787, %get3A_793 : vector<16xf32>
        %mul3A_795 = arith.mulf %sub3A_794, %sub3A_794 : vector<16xf32>
        %add3A_796 = arith.addf %add3A_708, %mul3A_795 : vector<16xf32>
        %get3A_797 = arith.constant 0 : i32
        %get3A_798 = arith.index_cast %get3A_797 : i32 to index
        %get3A_799 = arith.index_cast %add3A_283 : i32 to index
        %get3A_800 = arith.constant 368 : index
        %get3A_801 = tpu.vector_load %arg4[%get3A_798, %get3A_799, %get3A_800] {strides = array<i32>} : memref<2x16x512xf32, #tpu.memory_space<vmem>>, vector<1x1x16xf32>,
        %get3A_802 = vector.shape_cast %get3A_801 : vector<1x1x16xf32> to vector<16xf32>
        %get3A_803 = arith.constant 0 : i32
        %get3A_804 = arith.index_cast %get3A_803 : i32 to index
        %get3A_805 = arith.index_cast %add3A_283 : i32 to index
        %get3A_806 = arith.constant 368 : index
        %get3A_807 = tpu.vector_load %arg5[%get3A_804, %get3A_805, %get3A_806] {strides = array<i32>} : memref<2x16x512xf32, #tpu.memory_space<vmem>>, vector<1x1x16xf32>,
        %get3A_808 = vector.shape_cast %get3A_807 : vector<1x1x16xf32> to vector<16xf32>
        %add3A_809 = arith.addf %get3A_802, %get3A_808 : vector<16xf32>
        %get3A_810 = arith.constant 0 : i32
        %get3A_811 = arith.index_cast %get3A_810 : i32 to index
        %get3A_812 = arith.index_cast %add3A_283 : i32 to index
        %get3A_813 = arith.constant 368 : index
        %get3A_814 = tpu.vector_load %arg6[%get3A_811, %get3A_812, %get3A_813] {strides = array<i32>} : memref<2x16x512xf32, #tpu.memory_space<vmem>>, vector<1x1x16xf32>,
        %get3A_815 = vector.shape_cast %get3A_814 : vector<1x1x16xf32> to vector<16xf32>
        %sub3A_816 = arith.subf %add3A_809, %get3A_815 : vector<16xf32>
        %mul3A_817 = arith.mulf %sub3A_816, %sub3A_816 : vector<16xf32>
        %add3A_818 = arith.addf %add3A_730, %mul3A_817 : vector<16xf32>
        %get3A_819 = arith.constant 0 : i32
        %get3A_820 = arith.index_cast %get3A_819 : i32 to index
        %get3A_821 = arith.index_cast %add3A_283 : i32 to index
        %get3A_822 = arith.constant 384 : index
        %get3A_823 = tpu.vector_load %arg4[%get3A_820, %get3A_821, %get3A_822] {strides = array<i32>} : memref<2x16x512xf32, #tpu.memory_space<vmem>>, vector<1x1x16xf32>,
        %get3A_824 = vector.shape_cast %get3A_823 : vector<1x1x16xf32> to vector<16xf32>
        %get3A_825 = arith.constant 0 : i32
        %get3A_826 = arith.index_cast %get3A_825 : i32 to index
        %get3A_827 = arith.index_cast %add3A_283 : i32 to index
        %get3A_828 = arith.constant 384 : index
        %get3A_829 = tpu.vector_load %arg5[%get3A_826, %get3A_827, %get3A_828] {strides = array<i32>} : memref<2x16x512xf32, #tpu.memory_space<vmem>>, vector<1x1x16xf32>,
        %get3A_830 = vector.shape_cast %get3A_829 : vector<1x1x16xf32> to vector<16xf32>
        %add3A_831 = arith.addf %get3A_824, %get3A_830 : vector<16xf32>
        %get3A_832 = arith.constant 0 : i32
        %get3A_833 = arith.index_cast %get3A_832 : i32 to index
        %get3A_834 = arith.index_cast %add3A_283 : i32 to index
        %get3A_835 = arith.constant 384 : index
        %get3A_836 = tpu.vector_load %arg6[%get3A_833, %get3A_834, %get3A_835] {strides = array<i32>} : memref<2x16x512xf32, #tpu.memory_space<vmem>>, vector<1x1x16xf32>,
        %get3A_837 = vector.shape_cast %get3A_836 : vector<1x1x16xf32> to vector<16xf32>
        %sub3A_838 = arith.subf %add3A_831, %get3A_837 : vector<16xf32>
        %mul3A_839 = arith.mulf %sub3A_838, %sub3A_838 : vector<16xf32>
        %add3A_840 = arith.addf %add3A_752, %mul3A_839 : vector<16xf32>
        %get3A_841 = arith.constant 0 : i32
        %get3A_842 = arith.index_cast %get3A_841 : i32 to index
        %get3A_843 = arith.index_cast %add3A_283 : i32 to index
        %get3A_844 = arith.constant 400 : index
        %get3A_845 = tpu.vector_load %arg4[%get3A_842, %get3A_843, %get3A_844] {strides = array<i32>} : memref<2x16x512xf32, #tpu.memory_space<vmem>>, vector<1x1x16xf32>,
        %get3A_846 = vector.shape_cast %get3A_845 : vector<1x1x16xf32> to vector<16xf32>
        %get3A_847 = arith.constant 0 : i32
        %get3A_848 = arith.index_cast %get3A_847 : i32 to index
        %get3A_849 = arith.index_cast %add3A_283 : i32 to index
        %get3A_850 = arith.constant 400 : index
        %get3A_851 = tpu.vector_load %arg5[%get3A_848, %get3A_849, %get3A_850] {strides = array<i32>} : memref<2x16x512xf32, #tpu.memory_space<vmem>>, vector<1x1x16xf32>,
        %get3A_852 = vector.shape_cast %get3A_851 : vector<1x1x16xf32> to vector<16xf32>
        %add3A_853 = arith.addf %get3A_846, %get3A_852 : vector<16xf32>
        %get3A_854 = arith.constant 0 : i32
        %get3A_855 = arith.index_cast %get3A_854 : i32 to index
        %get3A_856 = arith.index_cast %add3A_283 : i32 to index
        %get3A_857 = arith.constant 400 : index
        %get3A_858 = tpu.vector_load %arg6[%get3A_855, %get3A_856, %get3A_857] {strides = array<i32>} : memref<2x16x512xf32, #tpu.memory_space<vmem>>, vector<1x1x16xf32>,
        %get3A_859 = vector.shape_cast %get3A_858 : vector<1x1x16xf32> to vector<16xf32>
        %sub3A_860 = arith.subf %add3A_853, %get3A_859 : vector<16xf32>
        %mul3A_861 = arith.mulf %sub3A_860, %sub3A_860 : vector<16xf32>
        %add3A_862 = arith.addf %add3A_774, %mul3A_861 : vector<16xf32>
        %get3A_863 = arith.constant 0 : i32
        %get3A_864 = arith.index_cast %get3A_863 : i32 to index
        %get3A_865 = arith.index_cast %add3A_283 : i32 to index
        %get3A_866 = arith.constant 416 : index
        %get3A_867 = tpu.vector_load %arg4[%get3A_864, %get3A_865, %get3A_866] {strides = array<i32>} : memref<2x16x512xf32, #tpu.memory_space<vmem>>, vector<1x1x16xf32>,
        %get3A_868 = vector.shape_cast %get3A_867 : vector<1x1x16xf32> to vector<16xf32>
        %get3A_869 = arith.constant 0 : i32
        %get3A_870 = arith.index_cast %get3A_869 : i32 to index
        %get3A_871 = arith.index_cast %add3A_283 : i32 to index
        %get3A_872 = arith.constant 416 : index
        %get3A_873 = tpu.vector_load %arg5[%get3A_870, %get3A_871, %get3A_872] {strides = array<i32>} : memref<2x16x512xf32, #tpu.memory_space<vmem>>, vector<1x1x16xf32>,
        %get3A_874 = vector.shape_cast %get3A_873 : vector<1x1x16xf32> to vector<16xf32>
        %add3A_875 = arith.addf %get3A_868, %get3A_874 : vector<16xf32>
        %get3A_876 = arith.constant 0 : i32
        %get3A_877 = arith.index_cast %get3A_876 : i32 to index
        %get3A_878 = arith.index_cast %add3A_283 : i32 to index
        %get3A_879 = arith.constant 416 : index
        %get3A_880 = tpu.vector_load %arg6[%get3A_877, %get3A_878, %get3A_879] {strides = array<i32>} : memref<2x16x512xf32, #tpu.memory_space<vmem>>, vector<1x1x16xf32>,
        %get3A_881 = vector.shape_cast %get3A_880 : vector<1x1x16xf32> to vector<16xf32>
        %sub3A_882 = arith.subf %add3A_875, %get3A_881 : vector<16xf32>
        %mul3A_883 = arith.mulf %sub3A_882, %sub3A_882 : vector<16xf32>
        %add3A_884 = arith.addf %add3A_796, %mul3A_883 : vector<16xf32>
        %get3A_885 = arith.constant 0 : i32
        %get3A_886 = arith.index_cast %get3A_885 : i32 to index
        %get3A_887 = arith.index_cast %add3A_283 : i32 to index
        %get3A_888 = arith.constant 432 : index
        %get3A_889 = tpu.vector_load %arg4[%get3A_886, %get3A_887, %get3A_888] {strides = array<i32>} : memref<2x16x512xf32, #tpu.memory_space<vmem>>, vector<1x1x16xf32>,
        %get3A_890 = vector.shape_cast %get3A_889 : vector<1x1x16xf32> to vector<16xf32>
        %get3A_891 = arith.constant 0 : i32
        %get3A_892 = arith.index_cast %get3A_891 : i32 to index
        %get3A_893 = arith.index_cast %add3A_283 : i32 to index
        %get3A_894 = arith.constant 432 : index
        %get3A_895 = tpu.vector_load %arg5[%get3A_892, %get3A_893, %get3A_894] {strides = array<i32>} : memref<2x16x512xf32, #tpu.memory_space<vmem>>, vector<1x1x16xf32>,
        %get3A_896 = vector.shape_cast %get3A_895 : vector<1x1x16xf32> to vector<16xf32>
        %add3A_897 = arith.addf %get3A_890, %get3A_896 : vector<16xf32>
        %get3A_898 = arith.constant 0 : i32
        %get3A_899 = arith.index_cast %get3A_898 : i32 to index
        %get3A_900 = arith.index_cast %add3A_283 : i32 to index
        %get3A_901 = arith.constant 432 : index
        %get3A_902 = tpu.vector_load %arg6[%get3A_899, %get3A_900, %get3A_901] {strides = array<i32>} : memref<2x16x512xf32, #tpu.memory_space<vmem>>, vector<1x1x16xf32>,
        %get3A_903 = vector.shape_cast %get3A_902 : vector<1x1x16xf32> to vector<16xf32>
        %sub3A_904 = arith.subf %add3A_897, %get3A_903 : vector<16xf32>
        %mul3A_905 = arith.mulf %sub3A_904, %sub3A_904 : vector<16xf32>
        %add3A_906 = arith.addf %add3A_818, %mul3A_905 : vector<16xf32>
        %get3A_907 = arith.constant 0 : i32
        %get3A_908 = arith.index_cast %get3A_907 : i32 to index
        %get3A_909 = arith.index_cast %add3A_283 : i32 to index
        %get3A_910 = arith.constant 448 : index
        %get3A_911 = tpu.vector_load %arg4[%get3A_908, %get3A_909, %get3A_910] {strides = array<i32>} : memref<2x16x512xf32, #tpu.memory_space<vmem>>, vector<1x1x16xf32>,
        %get3A_912 = vector.shape_cast %get3A_911 : vector<1x1x16xf32> to vector<16xf32>
        %get3A_913 = arith.constant 0 : i32
        %get3A_914 = arith.index_cast %get3A_913 : i32 to index
        %get3A_915 = arith.index_cast %add3A_283 : i32 to index
        %get3A_916 = arith.constant 448 : index
        %get3A_917 = tpu.vector_load %arg5[%get3A_914, %get3A_915, %get3A_916] {strides = array<i32>} : memref<2x16x512xf32, #tpu.memory_space<vmem>>, vector<1x1x16xf32>,
        %get3A_918 = vector.shape_cast %get3A_917 : vector<1x1x16xf32> to vector<16xf32>
        %add3A_919 = arith.addf %get3A_912, %get3A_918 : vector<16xf32>
        %get3A_920 = arith.constant 0 : i32
        %get3A_921 = arith.index_cast %get3A_920 : i32 to index
        %get3A_922 = arith.index_cast %add3A_283 : i32 to index
        %get3A_923 = arith.constant 448 : index
        %get3A_924 = tpu.vector_load %arg6[%get3A_921, %get3A_922, %get3A_923] {strides = array<i32>} : memref<2x16x512xf32, #tpu.memory_space<vmem>>, vector<1x1x16xf32>,
        %get3A_925 = vector.shape_cast %get3A_924 : vector<1x1x16xf32> to vector<16xf32>
        %sub3A_926 = arith.subf %add3A_919, %get3A_925 : vector<16xf32>
        %mul3A_927 = arith.mulf %sub3A_926, %sub3A_926 : vector<16xf32>
        %add3A_928 = arith.addf %add3A_840, %mul3A_927 : vector<16xf32>
        %get3A_929 = arith.constant 0 : i32
        %get3A_930 = arith.index_cast %get3A_929 : i32 to index
        %get3A_931 = arith.index_cast %add3A_283 : i32 to index
        %get3A_932 = arith.constant 464 : index
        %get3A_933 = tpu.vector_load %arg4[%get3A_930, %get3A_931, %get3A_932] {strides = array<i32>} : memref<2x16x512xf32, #tpu.memory_space<vmem>>, vector<1x1x16xf32>,
        %get3A_934 = vector.shape_cast %get3A_933 : vector<1x1x16xf32> to vector<16xf32>
        %get3A_935 = arith.constant 0 : i32
        %get3A_936 = arith.index_cast %get3A_935 : i32 to index
        %get3A_937 = arith.index_cast %add3A_283 : i32 to index
        %get3A_938 = arith.constant 464 : index
        %get3A_939 = tpu.vector_load %arg5[%get3A_936, %get3A_937, %get3A_938] {strides = array<i32>} : memref<2x16x512xf32, #tpu.memory_space<vmem>>, vector<1x1x16xf32>,
        %get3A_940 = vector.shape_cast %get3A_939 : vector<1x1x16xf32> to vector<16xf32>
        %add3A_941 = arith.addf %get3A_934, %get3A_940 : vector<16xf32>
        %get3A_942 = arith.constant 0 : i32
        %get3A_943 = arith.index_cast %get3A_942 : i32 to index
        %get3A_944 = arith.index_cast %add3A_283 : i32 to index
        %get3A_945 = arith.constant 464 : index
        %get3A_946 = tpu.vector_load %arg6[%get3A_943, %get3A_944, %get3A_945] {strides = array<i32>} : memref<2x16x512xf32, #tpu.memory_space<vmem>>, vector<1x1x16xf32>,
        %get3A_947 = vector.shape_cast %get3A_946 : vector<1x1x16xf32> to vector<16xf32>
        %sub3A_948 = arith.subf %add3A_941, %get3A_947 : vector<16xf32>
        %mul3A_949 = arith.mulf %sub3A_948, %sub3A_948 : vector<16xf32>
        %add3A_950 = arith.addf %add3A_862, %mul3A_949 : vector<16xf32>
        %get3A_951 = arith.constant 0 : i32
        %get3A_952 = arith.index_cast %get3A_951 : i32 to index
        %get3A_953 = arith.index_cast %add3A_283 : i32 to index
        %get3A_954 = arith.constant 480 : index
        %get3A_955 = tpu.vector_load %arg4[%get3A_952, %get3A_953, %get3A_954] {strides = array<i32>} : memref<2x16x512xf32, #tpu.memory_space<vmem>>, vector<1x1x16xf32>,
        %get3A_956 = vector.shape_cast %get3A_955 : vector<1x1x16xf32> to vector<16xf32>
        %get3A_957 = arith.constant 0 : i32
        %get3A_958 = arith.index_cast %get3A_957 : i32 to index
        %get3A_959 = arith.index_cast %add3A_283 : i32 to index
        %get3A_960 = arith.constant 480 : index
        %get3A_961 = tpu.vector_load %arg5[%get3A_958, %get3A_959, %get3A_960] {strides = array<i32>} : memref<2x16x512xf32, #tpu.memory_space<vmem>>, vector<1x1x16xf32>,
        %get3A_962 = vector.shape_cast %get3A_961 : vector<1x1x16xf32> to vector<16xf32>
        %add3A_963 = arith.addf %get3A_956, %get3A_962 : vector<16xf32>
        %get3A_964 = arith.constant 0 : i32
        %get3A_965 = arith.index_cast %get3A_964 : i32 to index
        %get3A_966 = arith.index_cast %add3A_283 : i32 to index
        %get3A_967 = arith.constant 480 : index
        %get3A_968 = tpu.vector_load %arg6[%get3A_965, %get3A_966, %get3A_967] {strides = array<i32>} : memref<2x16x512xf32, #tpu.memory_space<vmem>>, vector<1x1x16xf32>,
        %get3A_969 = vector.shape_cast %get3A_968 : vector<1x1x16xf32> to vector<16xf32>
        %sub3A_970 = arith.subf %add3A_963, %get3A_969 : vector<16xf32>
        %mul3A_971 = arith.mulf %sub3A_970, %sub3A_970 : vector<16xf32>
        %add3A_972 = arith.addf %add3A_884, %mul3A_971 : vector<16xf32>
        %get3A_973 = arith.constant 0 : i32
        %get3A_974 = arith.index_cast %get3A_973 : i32 to index
        %get3A_975 = arith.index_cast %add3A_283 : i32 to index
        %get3A_976 = arith.constant 496 : index
        %get3A_977 = tpu.vector_load %arg4[%get3A_974, %get3A_975, %get3A_976] {strides = array<i32>} : memref<2x16x512xf32, #tpu.memory_space<vmem>>, vector<1x1x16xf32>,
        %get3A_978 = vector.shape_cast %get3A_977 : vector<1x1x16xf32> to vector<16xf32>
        %get3A_979 = arith.constant 0 : i32
        %get3A_980 = arith.index_cast %get3A_979 : i32 to index
        %get3A_981 = arith.index_cast %add3A_283 : i32 to index
        %get3A_982 = arith.constant 496 : index
        %get3A_983 = tpu.vector_load %arg5[%get3A_980, %get3A_981, %get3A_982] {strides = array<i32>} : memref<2x16x512xf32, #tpu.memory_space<vmem>>, vector<1x1x16xf32>,
        %get3A_984 = vector.shape_cast %get3A_983 : vector<1x1x16xf32> to vector<16xf32>
        %add3A_985 = arith.addf %get3A_978, %get3A_984 : vector<16xf32>
        %get3A_986 = arith.constant 0 : i32
        %get3A_987 = arith.index_cast %get3A_986 : i32 to index
        %get3A_988 = arith.index_cast %add3A_283 : i32 to index
        %get3A_989 = arith.constant 496 : index
        %get3A_990 = tpu.vector_load %arg6[%get3A_987, %get3A_988, %get3A_989] {strides = array<i32>} : memref<2x16x512xf32, #tpu.memory_space<vmem>>, vector<1x1x16xf32>,
        %get3A_991 = vector.shape_cast %get3A_990 : vector<1x1x16xf32> to vector<16xf32>
        %sub3A_992 = arith.subf %add3A_985, %get3A_991 : vector<16xf32>
        %mul3A_993 = arith.mulf %sub3A_992, %sub3A_992 : vector<16xf32>
        %add3A_994 = arith.addf %add3A_906, %mul3A_993 : vector<16xf32>
        %add3A_995 = arith.addf %add3A_928, %add3A_950 : vector<16xf32>
        %add3A_996 = arith.addf %add3A_972, %add3A_994 : vector<16xf32>
        %add3A_997 = arith.addf %add3A_995, %add3A_996 : vector<16xf32>
        %xor3A = arith.constant 8 : i32
        %xor3A_998 = vector.broadcast %xor3A : i32 to vector<16xi32>
        %xor3A_999 = arith.xori %iota3A, %xor3A_998 : vector<16xi32>
        %broadcast_in_dim3A_1000 = vector.shape_cast %xor3A_999 : vector<16xi32> to vector<16x1xi32>
        %gather3A = vector.shape_cast %broadcast_in_dim3A_1000 : vector<16x1xi32> to vector<16xi32>
        %gather3A_1001 = tpu.dynamic_gather %add3A_997[%gather3A] in [0] : vector<16xf32>, vector<16xi32> -> vector<16xf32>
        %add3A_1002 = arith.addf %add3A_997, %gather3A_1001 : vector<16xf32>
        %xor3A_1003 = arith.constant 4 : i32
        %xor3A_1004 = vector.broadcast %xor3A_1003 : i32 to vector<16xi32>
        %xor3A_1005 = arith.xori %iota3A, %xor3A_1004 : vector<16xi32>
        %broadcast_in_dim3A_1006 = vector.shape_cast %xor3A_1005 : vector<16xi32> to vector<16x1xi32>
        %gather3A_1007 = vector.shape_cast %broadcast_in_dim3A_1006 : vector<16x1xi32> to vector<16xi32>
        %gather3A_1008 = tpu.dynamic_gather %add3A_1002[%gather3A_1007] in [0] : vector<16xf32>, vector<16xi32> -> vector<16xf32>
        %add3A_1009 = arith.addf %add3A_1002, %gather3A_1008 : vector<16xf32>
        %xor3A_1010 = arith.constant 2 : i32
        %xor3A_1011 = vector.broadcast %xor3A_1010 : i32 to vector<16xi32>
        %xor3A_1012 = arith.xori %iota3A, %xor3A_1011 : vector<16xi32>
        %broadcast_in_dim3A_1013 = vector.shape_cast %xor3A_1012 : vector<16xi32> to vector<16x1xi32>
        %gather3A_1014 = vector.shape_cast %broadcast_in_dim3A_1013 : vector<16x1xi32> to vector<16xi32>
        %gather3A_1015 = tpu.dynamic_gather %add3A_1009[%gather3A_1014] in [0] : vector<16xf32>, vector<16xi32> -> vector<16xf32>
        %add3A_1016 = arith.addf %add3A_1009, %gather3A_1015 : vector<16xf32>
        %xor3A_1017 = arith.constant 1 : i32
        %xor3A_1018 = vector.broadcast %xor3A_1017 : i32 to vector<16xi32>
        %xor3A_1019 = arith.xori %iota3A, %xor3A_1018 : vector<16xi32>
        %broadcast_in_dim3A_1020 = vector.shape_cast %xor3A_1019 : vector<16xi32> to vector<16x1xi32>
        %gather3A_1021 = vector.shape_cast %broadcast_in_dim3A_1020 : vector<16x1xi32> to vector<16xi32>
        %gather3A_1022 = tpu.dynamic_gather %add3A_1016[%gather3A_1021] in [0] : vector<16xf32>, vector<16xi32> -> vector<16xf32>
        %add3A_1023 = arith.addf %add3A_1016, %gather3A_1022 : vector<16xf32>
        %eq3A = vector.broadcast %add3A_283 : i32 to vector<16xi32>
        %eq3A_1024 = arith.cmpi eq, %iota3A, %eq3A : vector<16xi32>
        %select_n3A = arith.select %eq3A_1024, %add3A_1023, %scan3A_279 : vector<16xi1>, vector<16xf32>
        scf.yield %select_n3A : vector<16xf32>
      }
      %scan3A_128 = arith.constant 16 : i32
      %max3A = arith.constant 1.000000e-30 : f32
      %max3A_129 = vector.broadcast %max3A : f32 to vector<16xf32>
      %max3A_130 = arith.maximumf %scan3A_127, %max3A_129 : vector<16xf32>
      %bitcast_convert_type3A = tpu.bitcast %max3A_130 : vector<16xf32> -> vector<16xi32>
      %shift_right_arithmetic3A = arith.constant 1 : i32
      %shift_right_arithmetic3A_131 = vector.broadcast %shift_right_arithmetic3A : i32 to vector<16xi32>
      %shift_right_arithmetic3A_132 = arith.shrsi %bitcast_convert_type3A, %shift_right_arithmetic3A_131 : vector<16xi32>
      %sub3A = arith.constant 1597463007 : i32
      %sub3A_133 = vector.broadcast %sub3A : i32 to vector<16xi32>
      %sub3A_134 = arith.subi %sub3A_133, %shift_right_arithmetic3A_132 : vector<16xi32>
      %bitcast_convert_type3A_135 = tpu.bitcast %sub3A_134 : vector<16xi32> -> vector<16xf32>
      %mul3A_136 = arith.constant 5.000000e-01 : f32
      %mul3A_137 = vector.broadcast %mul3A_136 : f32 to vector<16xf32>
      %mul3A_138 = arith.mulf %max3A_130, %mul3A_137 : vector<16xf32>
      %mul3A_139 = arith.mulf %mul3A_138, %bitcast_convert_type3A_135 : vector<16xf32>
      %mul3A_140 = arith.mulf %mul3A_139, %bitcast_convert_type3A_135 : vector<16xf32>
      %sub3A_141 = arith.constant 1.500000e+00 : f32
      %sub3A_142 = vector.broadcast %sub3A_141 : f32 to vector<16xf32>
      %sub3A_143 = arith.subf %sub3A_142, %mul3A_140 : vector<16xf32>
      %mul3A_144 = arith.mulf %bitcast_convert_type3A_135, %sub3A_143 : vector<16xf32>
      %mul3A_145 = arith.mulf %mul3A_138, %mul3A_144 : vector<16xf32>
      %mul3A_146 = arith.mulf %mul3A_145, %mul3A_144 : vector<16xf32>
      %sub3A_147 = arith.constant 1.500000e+00 : f32
      %sub3A_148 = vector.broadcast %sub3A_147 : f32 to vector<16xf32>
      %sub3A_149 = arith.subf %sub3A_148, %mul3A_146 : vector<16xf32>
      %mul3A_150 = arith.mulf %mul3A_144, %sub3A_149 : vector<16xf32>
      %mul3A_151 = arith.mulf %mul3A_138, %mul3A_150 : vector<16xf32>
      %mul3A_152 = arith.mulf %mul3A_151, %mul3A_150 : vector<16xf32>
      %sub3A_153 = arith.constant 1.500000e+00 : f32
      %sub3A_154 = vector.broadcast %sub3A_153 : f32 to vector<16xf32>
      %sub3A_155 = arith.subf %sub3A_154, %mul3A_152 : vector<16xf32>
      %mul3A_156 = arith.mulf %mul3A_150, %sub3A_155 : vector<16xf32>
      %mul3A_157 = arith.mulf %max3A_130, %mul3A_156 : vector<16xf32>
      %neg3A = arith.constant 0.000000e+00 : f32
      %neg3A_158 = vector.broadcast %neg3A : f32 to vector<16xf32>
      %neg3A_159 = arith.subf %neg3A_158, %mul3A_157 : vector<16xf32>
      %swap3A = arith.constant 0 : index
      %swap3A_160 = tpu.vector_load %arg7[%swap3A] {strides = array<i32>} : memref<16xf32, #tpu.memory_space<vmem>>, vector<16xf32>,
      %swap3A_161 = vector.shape_cast %swap3A_160 : vector<16xf32> to vector<16xf32>
      %swap3A_162 = vector.shape_cast %neg3A_159 : vector<16xf32> to vector<16xf32>
      tpu.vector_store %arg7[%swap3A], %swap3A_162 {strides = array<i32>} : memref<16xf32, #tpu.memory_space<vmem>>, vector<16xf32>,
      %sub3A_163 = arith.constant 14336 : i32
      %sub3A_164 = arith.subi %add3A_121, %sub3A_163 : i32
      "tpu.region"() ({
        %run_scoped3A = tpu.sem_alloc : memref<!tpu.dma_semaphore, #tpu.memory_space<semaphore_mem>>
        %dma_start3A_278 = tpu.memref_slice %arg3[%sub3A_164] : memref<2048xf32, #tpu.memory_space<hbm>> -> memref<16xf32, #tpu.memory_space<hbm>>
        %dma_start3A_279 = tpu.memref_slice %arg3[%sub3A_164] : memref<2048xf32, #tpu.memory_space<hbm>> -> memref<16xf32, #tpu.memory_space<hbm>>
        tpu.enqueue_dma source(%arg7 : memref<16xf32, #tpu.memory_space<vmem>>) target(%dma_start3A_279 : memref<16xf32, #tpu.memory_space<hbm>>) target_semaphore(%run_scoped3A : memref<!tpu.dma_semaphore, #tpu.memory_space<semaphore_mem>>)
        %dma_wait3A_280 = tpu.memref_slice %arg3[%sub3A_164] : memref<2048xf32, #tpu.memory_space<hbm>> -> memref<16xf32, #tpu.memory_space<hbm>>
        %dma_wait3A_281 = tpu.memref_slice %arg3[%sub3A_164] : memref<2048xf32, #tpu.memory_space<hbm>> -> memref<16xf32, #tpu.memory_space<hbm>>
        tpu.wait_dma2 semaphore(%run_scoped3A : memref<!tpu.dma_semaphore, #tpu.memory_space<semaphore_mem>>) src(%arg7 : memref<16xf32, #tpu.memory_space<vmem>>) dst(%dma_wait3A_281 : memref<16xf32, #tpu.memory_space<hbm>>)
        tpu.yield
      }) : () -> ()
      %add3A_165 = arith.constant 1 : i32
      %add3A_166 = arith.addi %add3A_62, %add3A_165 : i32
      %add3A_167 = arith.constant 1 : i32
      %add3A_168 = arith.addi %add3A_166, %add3A_167 : i32
      %lt3A_169 = arith.constant 4 : i32
      %lt3A_170 = arith.cmpi slt, %add3A_168, %lt3A_169 : i32
      %convert_element_type3A_171 = arith.extui %lt3A_170 : i1 to i32
      %cond3A_172 = arith.constant 0 : i32
      %cond3A_173 = arith.cmpi ne, %convert_element_type3A_171, %cond3A_172 : i32
      scf.if %cond3A_173 {
        %mul3A_278 = arith.constant 16 : i32
        %mul3A_279 = arith.muli %add3A_168, %mul3A_278 : i32
        %add3A_280 = arith.addi %add3A_4, %mul3A_279 : i32
        %dma_start3A_281 = arith.constant 0 : i32
        %dma_start3A_282 = arith.constant 0 : i32
        %dma_start3A_283 = arith.constant 0 : i32
        %dma_start3A_284 = arith.constant 0 : i32
        %dma_start3A_285 = tpu.memref_slice %arg4[%dma_start3A_282, %dma_start3A_283, %dma_start3A_284] : memref<2x16x512xf32, #tpu.memory_space<vmem>> -> memref<1x16x512xf32, #tpu.memory_space<vmem>>
        %dma_start3A_286 = tpu.memref_squeeze %dma_start3A_285 : memref<1x16x512xf32, #tpu.memory_space<vmem>> -> memref<16x512xf32, #tpu.memory_space<vmem>>
        %dma_start3A_287 = arith.constant 0 : i32
        %dma_start3A_288 = tpu.memref_slice %arg2[%dma_start3A_281, %add3A_280, %dma_start3A_287] : memref<3x16384x512xf32, #tpu.memory_space<hbm>> -> memref<1x16x512xf32, #tpu.memory_space<hbm>>
        %dma_start3A_289 = tpu.memref_squeeze %dma_start3A_288 : memref<1x16x512xf32, #tpu.memory_space<hbm>> -> memref<16x512xf32, #tpu.memory_space<hbm>>
        %dma_start3A_290 = arith.constant 0 : i32
        %dma_start3A_291 = arith.constant 0 : i32
        %dma_start3A_292 = tpu.memref_slice %arg4[%dma_start3A_282, %dma_start3A_290, %dma_start3A_291] : memref<2x16x512xf32, #tpu.memory_space<vmem>> -> memref<1x16x512xf32, #tpu.memory_space<vmem>>
        %dma_start3A_293 = tpu.memref_squeeze %dma_start3A_292 : memref<1x16x512xf32, #tpu.memory_space<vmem>> -> memref<16x512xf32, #tpu.memory_space<vmem>>
        %dma_start3A_294 = arith.constant 0 : i32
        %dma_start3A_295 = tpu.memref_slice %arg2[%dma_start3A_281, %add3A_280, %dma_start3A_294] : memref<3x16384x512xf32, #tpu.memory_space<hbm>> -> memref<1x16x512xf32, #tpu.memory_space<hbm>>
        %dma_start3A_296 = tpu.memref_squeeze %dma_start3A_295 : memref<1x16x512xf32, #tpu.memory_space<hbm>> -> memref<16x512xf32, #tpu.memory_space<hbm>>
        tpu.enqueue_dma source(%dma_start3A_296 : memref<16x512xf32, #tpu.memory_space<hbm>>) target(%dma_start3A_293 : memref<16x512xf32, #tpu.memory_space<vmem>>) target_semaphore(%arg8 : memref<!tpu.dma_semaphore, #tpu.memory_space<semaphore_mem>>)
        %dma_start3A_297 = arith.constant 1 : i32
        %dma_start3A_298 = arith.constant 0 : i32
        %dma_start3A_299 = arith.constant 0 : i32
        %dma_start3A_300 = arith.constant 0 : i32
        %dma_start3A_301 = tpu.memref_slice %arg5[%dma_start3A_298, %dma_start3A_299, %dma_start3A_300] : memref<2x16x512xf32, #tpu.memory_space<vmem>> -> memref<1x16x512xf32, #tpu.memory_space<vmem>>
        %dma_start3A_302 = tpu.memref_squeeze %dma_start3A_301 : memref<1x16x512xf32, #tpu.memory_space<vmem>> -> memref<16x512xf32, #tpu.memory_space<vmem>>
        %dma_start3A_303 = arith.constant 0 : i32
        %dma_start3A_304 = tpu.memref_slice %arg2[%dma_start3A_297, %add3A_280, %dma_start3A_303] : memref<3x16384x512xf32, #tpu.memory_space<hbm>> -> memref<1x16x512xf32, #tpu.memory_space<hbm>>
        %dma_start3A_305 = tpu.memref_squeeze %dma_start3A_304 : memref<1x16x512xf32, #tpu.memory_space<hbm>> -> memref<16x512xf32, #tpu.memory_space<hbm>>
        %dma_start3A_306 = arith.constant 0 : i32
        %dma_start3A_307 = arith.constant 0 : i32
        %dma_start3A_308 = tpu.memref_slice %arg5[%dma_start3A_298, %dma_start3A_306, %dma_start3A_307] : memref<2x16x512xf32, #tpu.memory_space<vmem>> -> memref<1x16x512xf32, #tpu.memory_space<vmem>>
        %dma_start3A_309 = tpu.memref_squeeze %dma_start3A_308 : memref<1x16x512xf32, #tpu.memory_space<vmem>> -> memref<16x512xf32, #tpu.memory_space<vmem>>
        %dma_start3A_310 = arith.constant 0 : i32
        %dma_start3A_311 = tpu.memref_slice %arg2[%dma_start3A_297, %add3A_280, %dma_start3A_310] : memref<3x16384x512xf32, #tpu.memory_space<hbm>> -> memref<1x16x512xf32, #tpu.memory_space<hbm>>
        %dma_start3A_312 = tpu.memref_squeeze %dma_start3A_311 : memref<1x16x512xf32, #tpu.memory_space<hbm>> -> memref<16x512xf32, #tpu.memory_space<hbm>>
        tpu.enqueue_dma source(%dma_start3A_312 : memref<16x512xf32, #tpu.memory_space<hbm>>) target(%dma_start3A_309 : memref<16x512xf32, #tpu.memory_space<vmem>>) target_semaphore(%arg8 : memref<!tpu.dma_semaphore, #tpu.memory_space<semaphore_mem>>)
        %dma_start3A_313 = arith.constant 2 : i32
        %dma_start3A_314 = arith.constant 0 : i32
        %dma_start3A_315 = arith.constant 0 : i32
        %dma_start3A_316 = arith.constant 0 : i32
        %dma_start3A_317 = tpu.memref_slice %arg6[%dma_start3A_314, %dma_start3A_315, %dma_start3A_316] : memref<2x16x512xf32, #tpu.memory_space<vmem>> -> memref<1x16x512xf32, #tpu.memory_space<vmem>>
        %dma_start3A_318 = tpu.memref_squeeze %dma_start3A_317 : memref<1x16x512xf32, #tpu.memory_space<vmem>> -> memref<16x512xf32, #tpu.memory_space<vmem>>
        %dma_start3A_319 = arith.constant 0 : i32
        %dma_start3A_320 = tpu.memref_slice %arg2[%dma_start3A_313, %add3A_280, %dma_start3A_319] : memref<3x16384x512xf32, #tpu.memory_space<hbm>> -> memref<1x16x512xf32, #tpu.memory_space<hbm>>
        %dma_start3A_321 = tpu.memref_squeeze %dma_start3A_320 : memref<1x16x512xf32, #tpu.memory_space<hbm>> -> memref<16x512xf32, #tpu.memory_space<hbm>>
        %dma_start3A_322 = arith.constant 0 : i32
        %dma_start3A_323 = arith.constant 0 : i32
        %dma_start3A_324 = tpu.memref_slice %arg6[%dma_start3A_314, %dma_start3A_322, %dma_start3A_323] : memref<2x16x512xf32, #tpu.memory_space<vmem>> -> memref<1x16x512xf32, #tpu.memory_space<vmem>>
        %dma_start3A_325 = tpu.memref_squeeze %dma_start3A_324 : memref<1x16x512xf32, #tpu.memory_space<vmem>> -> memref<16x512xf32, #tpu.memory_space<vmem>>
        %dma_start3A_326 = arith.constant 0 : i32
        %dma_start3A_327 = tpu.memref_slice %arg2[%dma_start3A_313, %add3A_280, %dma_start3A_326] : memref<3x16384x512xf32, #tpu.memory_space<hbm>> -> memref<1x16x512xf32, #tpu.memory_space<hbm>>
        %dma_start3A_328 = tpu.memref_squeeze %dma_start3A_327 : memref<1x16x512xf32, #tpu.memory_space<hbm>> -> memref<16x512xf32, #tpu.memory_space<hbm>>
        tpu.enqueue_dma source(%dma_start3A_328 : memref<16x512xf32, #tpu.memory_space<hbm>>) target(%dma_start3A_325 : memref<16x512xf32, #tpu.memory_space<vmem>>) target_semaphore(%arg8 : memref<!tpu.dma_semaphore, #tpu.memory_space<semaphore_mem>>)
      } else {
      }
      %mul3A_174 = arith.constant 16 : i32
      %mul3A_175 = arith.muli %add3A_166, %mul3A_174 : i32
      %add3A_176 = arith.addi %add3A_4, %mul3A_175 : i32
      %dma_wait3A_177 = arith.constant 0 : i32
      %dma_wait3A_178 = arith.constant 1 : i32
      %dma_wait3A_179 = arith.constant 0 : i32
      %dma_wait3A_180 = arith.constant 0 : i32
      %dma_wait3A_181 = tpu.memref_slice %arg4[%dma_wait3A_178, %dma_wait3A_179, %dma_wait3A_180] : memref<2x16x512xf32, #tpu.memory_space<vmem>> -> memref<1x16x512xf32, #tpu.memory_space<vmem>>
      %dma_wait3A_182 = tpu.memref_squeeze %dma_wait3A_181 : memref<1x16x512xf32, #tpu.memory_space<vmem>> -> memref<16x512xf32, #tpu.memory_space<vmem>>
      %dma_wait3A_183 = arith.constant 0 : i32
      %dma_wait3A_184 = tpu.memref_slice %arg2[%dma_wait3A_177, %add3A_176, %dma_wait3A_183] : memref<3x16384x512xf32, #tpu.memory_space<hbm>> -> memref<1x16x512xf32, #tpu.memory_space<hbm>>
      %dma_wait3A_185 = tpu.memref_squeeze %dma_wait3A_184 : memref<1x16x512xf32, #tpu.memory_space<hbm>> -> memref<16x512xf32, #tpu.memory_space<hbm>>
      %dma_wait3A_186 = arith.constant 0 : i32
      %dma_wait3A_187 = arith.constant 0 : i32
      %dma_wait3A_188 = tpu.memref_slice %arg4[%dma_wait3A_178, %dma_wait3A_186, %dma_wait3A_187] : memref<2x16x512xf32, #tpu.memory_space<vmem>> -> memref<1x16x512xf32, #tpu.memory_space<vmem>>
      %dma_wait3A_189 = tpu.memref_squeeze %dma_wait3A_188 : memref<1x16x512xf32, #tpu.memory_space<vmem>> -> memref<16x512xf32, #tpu.memory_space<vmem>>
      %dma_wait3A_190 = arith.constant 0 : i32
      %dma_wait3A_191 = tpu.memref_slice %arg2[%dma_wait3A_177, %add3A_176, %dma_wait3A_190] : memref<3x16384x512xf32, #tpu.memory_space<hbm>> -> memref<1x16x512xf32, #tpu.memory_space<hbm>>
      %dma_wait3A_192 = tpu.memref_squeeze %dma_wait3A_191 : memref<1x16x512xf32, #tpu.memory_space<hbm>> -> memref<16x512xf32, #tpu.memory_space<hbm>>
      tpu.wait_dma2 semaphore(%arg9 : memref<!tpu.dma_semaphore, #tpu.memory_space<semaphore_mem>>) src(%dma_wait3A_192 : memref<16x512xf32, #tpu.memory_space<hbm>>) dst(%dma_wait3A_189 : memref<16x512xf32, #tpu.memory_space<vmem>>)
      %dma_wait3A_193 = arith.constant 1 : i32
      %dma_wait3A_194 = arith.constant 1 : i32
      %dma_wait3A_195 = arith.constant 0 : i32
      %dma_wait3A_196 = arith.constant 0 : i32
      %dma_wait3A_197 = tpu.memref_slice %arg5[%dma_wait3A_194, %dma_wait3A_195, %dma_wait3A_196] : memref<2x16x512xf32, #tpu.memory_space<vmem>> -> memref<1x16x512xf32, #tpu.memory_space<vmem>>
      %dma_wait3A_198 = tpu.memref_squeeze %dma_wait3A_197 : memref<1x16x512xf32, #tpu.memory_space<vmem>> -> memref<16x512xf32, #tpu.memory_space<vmem>>
      %dma_wait3A_199 = arith.constant 0 : i32
      %dma_wait3A_200 = tpu.memref_slice %arg2[%dma_wait3A_193, %add3A_176, %dma_wait3A_199] : memref<3x16384x512xf32, #tpu.memory_space<hbm>> -> memref<1x16x512xf32, #tpu.memory_space<hbm>>
      %dma_wait3A_201 = tpu.memref_squeeze %dma_wait3A_200 : memref<1x16x512xf32, #tpu.memory_space<hbm>> -> memref<16x512xf32, #tpu.memory_space<hbm>>
      %dma_wait3A_202 = arith.constant 0 : i32
      %dma_wait3A_203 = arith.constant 0 : i32
      %dma_wait3A_204 = tpu.memref_slice %arg5[%dma_wait3A_194, %dma_wait3A_202, %dma_wait3A_203] : memref<2x16x512xf32, #tpu.memory_space<vmem>> -> memref<1x16x512xf32, #tpu.memory_space<vmem>>
      %dma_wait3A_205 = tpu.memref_squeeze %dma_wait3A_204 : memref<1x16x512xf32, #tpu.memory_space<vmem>> -> memref<16x512xf32, #tpu.memory_space<vmem>>
      %dma_wait3A_206 = arith.constant 0 : i32
      %dma_wait3A_207 = tpu.memref_slice %arg2[%dma_wait3A_193, %add3A_176, %dma_wait3A_206] : memref<3x16384x512xf32, #tpu.memory_space<hbm>> -> memref<1x16x512xf32, #tpu.memory_space<hbm>>
      %dma_wait3A_208 = tpu.memref_squeeze %dma_wait3A_207 : memref<1x16x512xf32, #tpu.memory_space<hbm>> -> memref<16x512xf32, #tpu.memory_space<hbm>>
      tpu.wait_dma2 semaphore(%arg9 : memref<!tpu.dma_semaphore, #tpu.memory_space<semaphore_mem>>) src(%dma_wait3A_208 : memref<16x512xf32, #tpu.memory_space<hbm>>) dst(%dma_wait3A_205 : memref<16x512xf32, #tpu.memory_space<vmem>>)
      %dma_wait3A_209 = arith.constant 2 : i32
      %dma_wait3A_210 = arith.constant 1 : i32
      %dma_wait3A_211 = arith.constant 0 : i32
      %dma_wait3A_212 = arith.constant 0 : i32
      %dma_wait3A_213 = tpu.memref_slice %arg6[%dma_wait3A_210, %dma_wait3A_211, %dma_wait3A_212] : memref<2x16x512xf32, #tpu.memory_space<vmem>> -> memref<1x16x512xf32, #tpu.memory_space<vmem>>
      %dma_wait3A_214 = tpu.memref_squeeze %dma_wait3A_213 : memref<1x16x512xf32, #tpu.memory_space<vmem>> -> memref<16x512xf32, #tpu.memory_space<vmem>>
      %dma_wait3A_215 = arith.constant 0 : i32
      %dma_wait3A_216 = tpu.memref_slice %arg2[%dma_wait3A_209, %add3A_176, %dma_wait3A_215] : memref<3x16384x512xf32, #tpu.memory_space<hbm>> -> memref<1x16x512xf32, #tpu.memory_space<hbm>>
      %dma_wait3A_217 = tpu.memref_squeeze %dma_wait3A_216 : memref<1x16x512xf32, #tpu.memory_space<hbm>> -> memref<16x512xf32, #tpu.memory_space<hbm>>
      %dma_wait3A_218 = arith.constant 0 : i32
      %dma_wait3A_219 = arith.constant 0 : i32
      %dma_wait3A_220 = tpu.memref_slice %arg6[%dma_wait3A_210, %dma_wait3A_218, %dma_wait3A_219] : memref<2x16x512xf32, #tpu.memory_space<vmem>> -> memref<1x16x512xf32, #tpu.memory_space<vmem>>
      %dma_wait3A_221 = tpu.memref_squeeze %dma_wait3A_220 : memref<1x16x512xf32, #tpu.memory_space<vmem>> -> memref<16x512xf32, #tpu.memory_space<vmem>>
      %dma_wait3A_222 = arith.constant 0 : i32
      %dma_wait3A_223 = tpu.memref_slice %arg2[%dma_wait3A_209, %add3A_176, %dma_wait3A_222] : memref<3x16384x512xf32, #tpu.memory_space<hbm>> -> memref<1x16x512xf32, #tpu.memory_space<hbm>>
      %dma_wait3A_224 = tpu.memref_squeeze %dma_wait3A_223 : memref<1x16x512xf32, #tpu.memory_space<hbm>> -> memref<16x512xf32, #tpu.memory_space<hbm>>
      tpu.wait_dma2 semaphore(%arg9 : memref<!tpu.dma_semaphore, #tpu.memory_space<semaphore_mem>>) src(%dma_wait3A_224 : memref<16x512xf32, #tpu.memory_space<hbm>>) dst(%dma_wait3A_221 : memref<16x512xf32, #tpu.memory_space<vmem>>)
      %mul3A_225 = arith.constant 16 : i32
      %mul3A_226 = arith.muli %add3A_166, %mul3A_225 : i32
      %add3A_227 = arith.addi %add3A_4, %mul3A_226 : i32
      %broadcast_in_dim3A_228 = arith.constant 0.000000e+00 : f32
      %broadcast_in_dim3A_229 = vector.broadcast %broadcast_in_dim3A_228 : f32 to vector<16xf32>
      %scan3A_230 = arith.constant 0 : i32
      %scan3A_231 = arith.constant 16 : i32
      %scan3A_232 = arith.addi %scan3A_230, %scan3A_231 : i32
      %scan3A_233 = arith.constant 1 : i32
      %scan3A_234 = scf.for %scan3A_278 = %scan3A_230 to %scan3A_232 step %scan3A_233 iter_args(%scan3A_279 = %broadcast_in_dim3A_229) -> (vector<16xf32>)  : i32 {
        %mul3A_280 = arith.constant 1 : i32
        %mul3A_281 = arith.muli %scan3A_278, %mul3A_280 : i32
        %add3A_282 = arith.constant 0 : i32
        %add3A_283 = arith.addi %add3A_282, %mul3A_281 : i32
        %broadcast_in_dim3A_284 = arith.constant 0.000000e+00 : f32
        %broadcast_in_dim3A_285 = vector.broadcast %broadcast_in_dim3A_284 : f32 to vector<16xf32>
        %broadcast_in_dim3A_286 = arith.constant 0.000000e+00 : f32
        %broadcast_in_dim3A_287 = vector.broadcast %broadcast_in_dim3A_286 : f32 to vector<16xf32>
        %broadcast_in_dim3A_288 = arith.constant 0.000000e+00 : f32
        %broadcast_in_dim3A_289 = vector.broadcast %broadcast_in_dim3A_288 : f32 to vector<16xf32>
        %broadcast_in_dim3A_290 = arith.constant 0.000000e+00 : f32
        %broadcast_in_dim3A_291 = vector.broadcast %broadcast_in_dim3A_290 : f32 to vector<16xf32>
        %get3A = arith.constant 1 : i32
        %get3A_292 = arith.index_cast %get3A : i32 to index
        %get3A_293 = arith.index_cast %add3A_283 : i32 to index
        %get3A_294 = arith.constant 0 : index
        %get3A_295 = tpu.vector_load %arg4[%get3A_292, %get3A_293, %get3A_294] {strides = array<i32>} : memref<2x16x512xf32, #tpu.memory_space<vmem>>, vector<1x1x16xf32>,
        %get3A_296 = vector.shape_cast %get3A_295 : vector<1x1x16xf32> to vector<16xf32>
        %get3A_297 = arith.constant 1 : i32
        %get3A_298 = arith.index_cast %get3A_297 : i32 to index
        %get3A_299 = arith.index_cast %add3A_283 : i32 to index
        %get3A_300 = arith.constant 0 : index
        %get3A_301 = tpu.vector_load %arg5[%get3A_298, %get3A_299, %get3A_300] {strides = array<i32>} : memref<2x16x512xf32, #tpu.memory_space<vmem>>, vector<1x1x16xf32>,
        %get3A_302 = vector.shape_cast %get3A_301 : vector<1x1x16xf32> to vector<16xf32>
        %add3A_303 = arith.addf %get3A_296, %get3A_302 : vector<16xf32>
        %get3A_304 = arith.constant 1 : i32
        %get3A_305 = arith.index_cast %get3A_304 : i32 to index
        %get3A_306 = arith.index_cast %add3A_283 : i32 to index
        %get3A_307 = arith.constant 0 : index
        %get3A_308 = tpu.vector_load %arg6[%get3A_305, %get3A_306, %get3A_307] {strides = array<i32>} : memref<2x16x512xf32, #tpu.memory_space<vmem>>, vector<1x1x16xf32>,
        %get3A_309 = vector.shape_cast %get3A_308 : vector<1x1x16xf32> to vector<16xf32>
        %sub3A_310 = arith.subf %add3A_303, %get3A_309 : vector<16xf32>
        %mul3A_311 = arith.mulf %sub3A_310, %sub3A_310 : vector<16xf32>
        %add3A_312 = arith.addf %broadcast_in_dim3A_285, %mul3A_311 : vector<16xf32>
        %get3A_313 = arith.constant 1 : i32
        %get3A_314 = arith.index_cast %get3A_313 : i32 to index
        %get3A_315 = arith.index_cast %add3A_283 : i32 to index
        %get3A_316 = arith.constant 16 : index
        %get3A_317 = tpu.vector_load %arg4[%get3A_314, %get3A_315, %get3A_316] {strides = array<i32>} : memref<2x16x512xf32, #tpu.memory_space<vmem>>, vector<1x1x16xf32>,
        %get3A_318 = vector.shape_cast %get3A_317 : vector<1x1x16xf32> to vector<16xf32>
        %get3A_319 = arith.constant 1 : i32
        %get3A_320 = arith.index_cast %get3A_319 : i32 to index
        %get3A_321 = arith.index_cast %add3A_283 : i32 to index
        %get3A_322 = arith.constant 16 : index
        %get3A_323 = tpu.vector_load %arg5[%get3A_320, %get3A_321, %get3A_322] {strides = array<i32>} : memref<2x16x512xf32, #tpu.memory_space<vmem>>, vector<1x1x16xf32>,
        %get3A_324 = vector.shape_cast %get3A_323 : vector<1x1x16xf32> to vector<16xf32>
        %add3A_325 = arith.addf %get3A_318, %get3A_324 : vector<16xf32>
        %get3A_326 = arith.constant 1 : i32
        %get3A_327 = arith.index_cast %get3A_326 : i32 to index
        %get3A_328 = arith.index_cast %add3A_283 : i32 to index
        %get3A_329 = arith.constant 16 : index
        %get3A_330 = tpu.vector_load %arg6[%get3A_327, %get3A_328, %get3A_329] {strides = array<i32>} : memref<2x16x512xf32, #tpu.memory_space<vmem>>, vector<1x1x16xf32>,
        %get3A_331 = vector.shape_cast %get3A_330 : vector<1x1x16xf32> to vector<16xf32>
        %sub3A_332 = arith.subf %add3A_325, %get3A_331 : vector<16xf32>
        %mul3A_333 = arith.mulf %sub3A_332, %sub3A_332 : vector<16xf32>
        %add3A_334 = arith.addf %broadcast_in_dim3A_287, %mul3A_333 : vector<16xf32>
        %get3A_335 = arith.constant 1 : i32
        %get3A_336 = arith.index_cast %get3A_335 : i32 to index
        %get3A_337 = arith.index_cast %add3A_283 : i32 to index
        %get3A_338 = arith.constant 32 : index
        %get3A_339 = tpu.vector_load %arg4[%get3A_336, %get3A_337, %get3A_338] {strides = array<i32>} : memref<2x16x512xf32, #tpu.memory_space<vmem>>, vector<1x1x16xf32>,
        %get3A_340 = vector.shape_cast %get3A_339 : vector<1x1x16xf32> to vector<16xf32>
        %get3A_341 = arith.constant 1 : i32
        %get3A_342 = arith.index_cast %get3A_341 : i32 to index
        %get3A_343 = arith.index_cast %add3A_283 : i32 to index
        %get3A_344 = arith.constant 32 : index
        %get3A_345 = tpu.vector_load %arg5[%get3A_342, %get3A_343, %get3A_344] {strides = array<i32>} : memref<2x16x512xf32, #tpu.memory_space<vmem>>, vector<1x1x16xf32>,
        %get3A_346 = vector.shape_cast %get3A_345 : vector<1x1x16xf32> to vector<16xf32>
        %add3A_347 = arith.addf %get3A_340, %get3A_346 : vector<16xf32>
        %get3A_348 = arith.constant 1 : i32
        %get3A_349 = arith.index_cast %get3A_348 : i32 to index
        %get3A_350 = arith.index_cast %add3A_283 : i32 to index
        %get3A_351 = arith.constant 32 : index
        %get3A_352 = tpu.vector_load %arg6[%get3A_349, %get3A_350, %get3A_351] {strides = array<i32>} : memref<2x16x512xf32, #tpu.memory_space<vmem>>, vector<1x1x16xf32>,
        %get3A_353 = vector.shape_cast %get3A_352 : vector<1x1x16xf32> to vector<16xf32>
        %sub3A_354 = arith.subf %add3A_347, %get3A_353 : vector<16xf32>
        %mul3A_355 = arith.mulf %sub3A_354, %sub3A_354 : vector<16xf32>
        %add3A_356 = arith.addf %broadcast_in_dim3A_289, %mul3A_355 : vector<16xf32>
        %get3A_357 = arith.constant 1 : i32
        %get3A_358 = arith.index_cast %get3A_357 : i32 to index
        %get3A_359 = arith.index_cast %add3A_283 : i32 to index
        %get3A_360 = arith.constant 48 : index
        %get3A_361 = tpu.vector_load %arg4[%get3A_358, %get3A_359, %get3A_360] {strides = array<i32>} : memref<2x16x512xf32, #tpu.memory_space<vmem>>, vector<1x1x16xf32>,
        %get3A_362 = vector.shape_cast %get3A_361 : vector<1x1x16xf32> to vector<16xf32>
        %get3A_363 = arith.constant 1 : i32
        %get3A_364 = arith.index_cast %get3A_363 : i32 to index
        %get3A_365 = arith.index_cast %add3A_283 : i32 to index
        %get3A_366 = arith.constant 48 : index
        %get3A_367 = tpu.vector_load %arg5[%get3A_364, %get3A_365, %get3A_366] {strides = array<i32>} : memref<2x16x512xf32, #tpu.memory_space<vmem>>, vector<1x1x16xf32>,
        %get3A_368 = vector.shape_cast %get3A_367 : vector<1x1x16xf32> to vector<16xf32>
        %add3A_369 = arith.addf %get3A_362, %get3A_368 : vector<16xf32>
        %get3A_370 = arith.constant 1 : i32
        %get3A_371 = arith.index_cast %get3A_370 : i32 to index
        %get3A_372 = arith.index_cast %add3A_283 : i32 to index
        %get3A_373 = arith.constant 48 : index
        %get3A_374 = tpu.vector_load %arg6[%get3A_371, %get3A_372, %get3A_373] {strides = array<i32>} : memref<2x16x512xf32, #tpu.memory_space<vmem>>, vector<1x1x16xf32>,
        %get3A_375 = vector.shape_cast %get3A_374 : vector<1x1x16xf32> to vector<16xf32>
        %sub3A_376 = arith.subf %add3A_369, %get3A_375 : vector<16xf32>
        %mul3A_377 = arith.mulf %sub3A_376, %sub3A_376 : vector<16xf32>
        %add3A_378 = arith.addf %broadcast_in_dim3A_291, %mul3A_377 : vector<16xf32>
        %get3A_379 = arith.constant 1 : i32
        %get3A_380 = arith.index_cast %get3A_379 : i32 to index
        %get3A_381 = arith.index_cast %add3A_283 : i32 to index
        %get3A_382 = arith.constant 64 : index
        %get3A_383 = tpu.vector_load %arg4[%get3A_380, %get3A_381, %get3A_382] {strides = array<i32>} : memref<2x16x512xf32, #tpu.memory_space<vmem>>, vector<1x1x16xf32>,
        %get3A_384 = vector.shape_cast %get3A_383 : vector<1x1x16xf32> to vector<16xf32>
        %get3A_385 = arith.constant 1 : i32
        %get3A_386 = arith.index_cast %get3A_385 : i32 to index
        %get3A_387 = arith.index_cast %add3A_283 : i32 to index
        %get3A_388 = arith.constant 64 : index
        %get3A_389 = tpu.vector_load %arg5[%get3A_386, %get3A_387, %get3A_388] {strides = array<i32>} : memref<2x16x512xf32, #tpu.memory_space<vmem>>, vector<1x1x16xf32>,
        %get3A_390 = vector.shape_cast %get3A_389 : vector<1x1x16xf32> to vector<16xf32>
        %add3A_391 = arith.addf %get3A_384, %get3A_390 : vector<16xf32>
        %get3A_392 = arith.constant 1 : i32
        %get3A_393 = arith.index_cast %get3A_392 : i32 to index
        %get3A_394 = arith.index_cast %add3A_283 : i32 to index
        %get3A_395 = arith.constant 64 : index
        %get3A_396 = tpu.vector_load %arg6[%get3A_393, %get3A_394, %get3A_395] {strides = array<i32>} : memref<2x16x512xf32, #tpu.memory_space<vmem>>, vector<1x1x16xf32>,
        %get3A_397 = vector.shape_cast %get3A_396 : vector<1x1x16xf32> to vector<16xf32>
        %sub3A_398 = arith.subf %add3A_391, %get3A_397 : vector<16xf32>
        %mul3A_399 = arith.mulf %sub3A_398, %sub3A_398 : vector<16xf32>
        %add3A_400 = arith.addf %add3A_312, %mul3A_399 : vector<16xf32>
        %get3A_401 = arith.constant 1 : i32
        %get3A_402 = arith.index_cast %get3A_401 : i32 to index
        %get3A_403 = arith.index_cast %add3A_283 : i32 to index
        %get3A_404 = arith.constant 80 : index
        %get3A_405 = tpu.vector_load %arg4[%get3A_402, %get3A_403, %get3A_404] {strides = array<i32>} : memref<2x16x512xf32, #tpu.memory_space<vmem>>, vector<1x1x16xf32>,
        %get3A_406 = vector.shape_cast %get3A_405 : vector<1x1x16xf32> to vector<16xf32>
        %get3A_407 = arith.constant 1 : i32
        %get3A_408 = arith.index_cast %get3A_407 : i32 to index
        %get3A_409 = arith.index_cast %add3A_283 : i32 to index
        %get3A_410 = arith.constant 80 : index
        %get3A_411 = tpu.vector_load %arg5[%get3A_408, %get3A_409, %get3A_410] {strides = array<i32>} : memref<2x16x512xf32, #tpu.memory_space<vmem>>, vector<1x1x16xf32>,
        %get3A_412 = vector.shape_cast %get3A_411 : vector<1x1x16xf32> to vector<16xf32>
        %add3A_413 = arith.addf %get3A_406, %get3A_412 : vector<16xf32>
        %get3A_414 = arith.constant 1 : i32
        %get3A_415 = arith.index_cast %get3A_414 : i32 to index
        %get3A_416 = arith.index_cast %add3A_283 : i32 to index
        %get3A_417 = arith.constant 80 : index
        %get3A_418 = tpu.vector_load %arg6[%get3A_415, %get3A_416, %get3A_417] {strides = array<i32>} : memref<2x16x512xf32, #tpu.memory_space<vmem>>, vector<1x1x16xf32>,
        %get3A_419 = vector.shape_cast %get3A_418 : vector<1x1x16xf32> to vector<16xf32>
        %sub3A_420 = arith.subf %add3A_413, %get3A_419 : vector<16xf32>
        %mul3A_421 = arith.mulf %sub3A_420, %sub3A_420 : vector<16xf32>
        %add3A_422 = arith.addf %add3A_334, %mul3A_421 : vector<16xf32>
        %get3A_423 = arith.constant 1 : i32
        %get3A_424 = arith.index_cast %get3A_423 : i32 to index
        %get3A_425 = arith.index_cast %add3A_283 : i32 to index
        %get3A_426 = arith.constant 96 : index
        %get3A_427 = tpu.vector_load %arg4[%get3A_424, %get3A_425, %get3A_426] {strides = array<i32>} : memref<2x16x512xf32, #tpu.memory_space<vmem>>, vector<1x1x16xf32>,
        %get3A_428 = vector.shape_cast %get3A_427 : vector<1x1x16xf32> to vector<16xf32>
        %get3A_429 = arith.constant 1 : i32
        %get3A_430 = arith.index_cast %get3A_429 : i32 to index
        %get3A_431 = arith.index_cast %add3A_283 : i32 to index
        %get3A_432 = arith.constant 96 : index
        %get3A_433 = tpu.vector_load %arg5[%get3A_430, %get3A_431, %get3A_432] {strides = array<i32>} : memref<2x16x512xf32, #tpu.memory_space<vmem>>, vector<1x1x16xf32>,
        %get3A_434 = vector.shape_cast %get3A_433 : vector<1x1x16xf32> to vector<16xf32>
        %add3A_435 = arith.addf %get3A_428, %get3A_434 : vector<16xf32>
        %get3A_436 = arith.constant 1 : i32
        %get3A_437 = arith.index_cast %get3A_436 : i32 to index
        %get3A_438 = arith.index_cast %add3A_283 : i32 to index
        %get3A_439 = arith.constant 96 : index
        %get3A_440 = tpu.vector_load %arg6[%get3A_437, %get3A_438, %get3A_439] {strides = array<i32>} : memref<2x16x512xf32, #tpu.memory_space<vmem>>, vector<1x1x16xf32>,
        %get3A_441 = vector.shape_cast %get3A_440 : vector<1x1x16xf32> to vector<16xf32>
        %sub3A_442 = arith.subf %add3A_435, %get3A_441 : vector<16xf32>
        %mul3A_443 = arith.mulf %sub3A_442, %sub3A_442 : vector<16xf32>
        %add3A_444 = arith.addf %add3A_356, %mul3A_443 : vector<16xf32>
        %get3A_445 = arith.constant 1 : i32
        %get3A_446 = arith.index_cast %get3A_445 : i32 to index
        %get3A_447 = arith.index_cast %add3A_283 : i32 to index
        %get3A_448 = arith.constant 112 : index
        %get3A_449 = tpu.vector_load %arg4[%get3A_446, %get3A_447, %get3A_448] {strides = array<i32>} : memref<2x16x512xf32, #tpu.memory_space<vmem>>, vector<1x1x16xf32>,
        %get3A_450 = vector.shape_cast %get3A_449 : vector<1x1x16xf32> to vector<16xf32>
        %get3A_451 = arith.constant 1 : i32
        %get3A_452 = arith.index_cast %get3A_451 : i32 to index
        %get3A_453 = arith.index_cast %add3A_283 : i32 to index
        %get3A_454 = arith.constant 112 : index
        %get3A_455 = tpu.vector_load %arg5[%get3A_452, %get3A_453, %get3A_454] {strides = array<i32>} : memref<2x16x512xf32, #tpu.memory_space<vmem>>, vector<1x1x16xf32>,
        %get3A_456 = vector.shape_cast %get3A_455 : vector<1x1x16xf32> to vector<16xf32>
        %add3A_457 = arith.addf %get3A_450, %get3A_456 : vector<16xf32>
        %get3A_458 = arith.constant 1 : i32
        %get3A_459 = arith.index_cast %get3A_458 : i32 to index
        %get3A_460 = arith.index_cast %add3A_283 : i32 to index
        %get3A_461 = arith.constant 112 : index
        %get3A_462 = tpu.vector_load %arg6[%get3A_459, %get3A_460, %get3A_461] {strides = array<i32>} : memref<2x16x512xf32, #tpu.memory_space<vmem>>, vector<1x1x16xf32>,
        %get3A_463 = vector.shape_cast %get3A_462 : vector<1x1x16xf32> to vector<16xf32>
        %sub3A_464 = arith.subf %add3A_457, %get3A_463 : vector<16xf32>
        %mul3A_465 = arith.mulf %sub3A_464, %sub3A_464 : vector<16xf32>
        %add3A_466 = arith.addf %add3A_378, %mul3A_465 : vector<16xf32>
        %get3A_467 = arith.constant 1 : i32
        %get3A_468 = arith.index_cast %get3A_467 : i32 to index
        %get3A_469 = arith.index_cast %add3A_283 : i32 to index
        %get3A_470 = arith.constant 128 : index
        %get3A_471 = tpu.vector_load %arg4[%get3A_468, %get3A_469, %get3A_470] {strides = array<i32>} : memref<2x16x512xf32, #tpu.memory_space<vmem>>, vector<1x1x16xf32>,
        %get3A_472 = vector.shape_cast %get3A_471 : vector<1x1x16xf32> to vector<16xf32>
        %get3A_473 = arith.constant 1 : i32
        %get3A_474 = arith.index_cast %get3A_473 : i32 to index
        %get3A_475 = arith.index_cast %add3A_283 : i32 to index
        %get3A_476 = arith.constant 128 : index
        %get3A_477 = tpu.vector_load %arg5[%get3A_474, %get3A_475, %get3A_476] {strides = array<i32>} : memref<2x16x512xf32, #tpu.memory_space<vmem>>, vector<1x1x16xf32>,
        %get3A_478 = vector.shape_cast %get3A_477 : vector<1x1x16xf32> to vector<16xf32>
        %add3A_479 = arith.addf %get3A_472, %get3A_478 : vector<16xf32>
        %get3A_480 = arith.constant 1 : i32
        %get3A_481 = arith.index_cast %get3A_480 : i32 to index
        %get3A_482 = arith.index_cast %add3A_283 : i32 to index
        %get3A_483 = arith.constant 128 : index
        %get3A_484 = tpu.vector_load %arg6[%get3A_481, %get3A_482, %get3A_483] {strides = array<i32>} : memref<2x16x512xf32, #tpu.memory_space<vmem>>, vector<1x1x16xf32>,
        %get3A_485 = vector.shape_cast %get3A_484 : vector<1x1x16xf32> to vector<16xf32>
        %sub3A_486 = arith.subf %add3A_479, %get3A_485 : vector<16xf32>
        %mul3A_487 = arith.mulf %sub3A_486, %sub3A_486 : vector<16xf32>
        %add3A_488 = arith.addf %add3A_400, %mul3A_487 : vector<16xf32>
        %get3A_489 = arith.constant 1 : i32
        %get3A_490 = arith.index_cast %get3A_489 : i32 to index
        %get3A_491 = arith.index_cast %add3A_283 : i32 to index
        %get3A_492 = arith.constant 144 : index
        %get3A_493 = tpu.vector_load %arg4[%get3A_490, %get3A_491, %get3A_492] {strides = array<i32>} : memref<2x16x512xf32, #tpu.memory_space<vmem>>, vector<1x1x16xf32>,
        %get3A_494 = vector.shape_cast %get3A_493 : vector<1x1x16xf32> to vector<16xf32>
        %get3A_495 = arith.constant 1 : i32
        %get3A_496 = arith.index_cast %get3A_495 : i32 to index
        %get3A_497 = arith.index_cast %add3A_283 : i32 to index
        %get3A_498 = arith.constant 144 : index
        %get3A_499 = tpu.vector_load %arg5[%get3A_496, %get3A_497, %get3A_498] {strides = array<i32>} : memref<2x16x512xf32, #tpu.memory_space<vmem>>, vector<1x1x16xf32>,
        %get3A_500 = vector.shape_cast %get3A_499 : vector<1x1x16xf32> to vector<16xf32>
        %add3A_501 = arith.addf %get3A_494, %get3A_500 : vector<16xf32>
        %get3A_502 = arith.constant 1 : i32
        %get3A_503 = arith.index_cast %get3A_502 : i32 to index
        %get3A_504 = arith.index_cast %add3A_283 : i32 to index
        %get3A_505 = arith.constant 144 : index
        %get3A_506 = tpu.vector_load %arg6[%get3A_503, %get3A_504, %get3A_505] {strides = array<i32>} : memref<2x16x512xf32, #tpu.memory_space<vmem>>, vector<1x1x16xf32>,
        %get3A_507 = vector.shape_cast %get3A_506 : vector<1x1x16xf32> to vector<16xf32>
        %sub3A_508 = arith.subf %add3A_501, %get3A_507 : vector<16xf32>
        %mul3A_509 = arith.mulf %sub3A_508, %sub3A_508 : vector<16xf32>
        %add3A_510 = arith.addf %add3A_422, %mul3A_509 : vector<16xf32>
        %get3A_511 = arith.constant 1 : i32
        %get3A_512 = arith.index_cast %get3A_511 : i32 to index
        %get3A_513 = arith.index_cast %add3A_283 : i32 to index
        %get3A_514 = arith.constant 160 : index
        %get3A_515 = tpu.vector_load %arg4[%get3A_512, %get3A_513, %get3A_514] {strides = array<i32>} : memref<2x16x512xf32, #tpu.memory_space<vmem>>, vector<1x1x16xf32>,
        %get3A_516 = vector.shape_cast %get3A_515 : vector<1x1x16xf32> to vector<16xf32>
        %get3A_517 = arith.constant 1 : i32
        %get3A_518 = arith.index_cast %get3A_517 : i32 to index
        %get3A_519 = arith.index_cast %add3A_283 : i32 to index
        %get3A_520 = arith.constant 160 : index
        %get3A_521 = tpu.vector_load %arg5[%get3A_518, %get3A_519, %get3A_520] {strides = array<i32>} : memref<2x16x512xf32, #tpu.memory_space<vmem>>, vector<1x1x16xf32>,
        %get3A_522 = vector.shape_cast %get3A_521 : vector<1x1x16xf32> to vector<16xf32>
        %add3A_523 = arith.addf %get3A_516, %get3A_522 : vector<16xf32>
        %get3A_524 = arith.constant 1 : i32
        %get3A_525 = arith.index_cast %get3A_524 : i32 to index
        %get3A_526 = arith.index_cast %add3A_283 : i32 to index
        %get3A_527 = arith.constant 160 : index
        %get3A_528 = tpu.vector_load %arg6[%get3A_525, %get3A_526, %get3A_527] {strides = array<i32>} : memref<2x16x512xf32, #tpu.memory_space<vmem>>, vector<1x1x16xf32>,
        %get3A_529 = vector.shape_cast %get3A_528 : vector<1x1x16xf32> to vector<16xf32>
        %sub3A_530 = arith.subf %add3A_523, %get3A_529 : vector<16xf32>
        %mul3A_531 = arith.mulf %sub3A_530, %sub3A_530 : vector<16xf32>
        %add3A_532 = arith.addf %add3A_444, %mul3A_531 : vector<16xf32>
        %get3A_533 = arith.constant 1 : i32
        %get3A_534 = arith.index_cast %get3A_533 : i32 to index
        %get3A_535 = arith.index_cast %add3A_283 : i32 to index
        %get3A_536 = arith.constant 176 : index
        %get3A_537 = tpu.vector_load %arg4[%get3A_534, %get3A_535, %get3A_536] {strides = array<i32>} : memref<2x16x512xf32, #tpu.memory_space<vmem>>, vector<1x1x16xf32>,
        %get3A_538 = vector.shape_cast %get3A_537 : vector<1x1x16xf32> to vector<16xf32>
        %get3A_539 = arith.constant 1 : i32
        %get3A_540 = arith.index_cast %get3A_539 : i32 to index
        %get3A_541 = arith.index_cast %add3A_283 : i32 to index
        %get3A_542 = arith.constant 176 : index
        %get3A_543 = tpu.vector_load %arg5[%get3A_540, %get3A_541, %get3A_542] {strides = array<i32>} : memref<2x16x512xf32, #tpu.memory_space<vmem>>, vector<1x1x16xf32>,
        %get3A_544 = vector.shape_cast %get3A_543 : vector<1x1x16xf32> to vector<16xf32>
        %add3A_545 = arith.addf %get3A_538, %get3A_544 : vector<16xf32>
        %get3A_546 = arith.constant 1 : i32
        %get3A_547 = arith.index_cast %get3A_546 : i32 to index
        %get3A_548 = arith.index_cast %add3A_283 : i32 to index
        %get3A_549 = arith.constant 176 : index
        %get3A_550 = tpu.vector_load %arg6[%get3A_547, %get3A_548, %get3A_549] {strides = array<i32>} : memref<2x16x512xf32, #tpu.memory_space<vmem>>, vector<1x1x16xf32>,
        %get3A_551 = vector.shape_cast %get3A_550 : vector<1x1x16xf32> to vector<16xf32>
        %sub3A_552 = arith.subf %add3A_545, %get3A_551 : vector<16xf32>
        %mul3A_553 = arith.mulf %sub3A_552, %sub3A_552 : vector<16xf32>
        %add3A_554 = arith.addf %add3A_466, %mul3A_553 : vector<16xf32>
        %get3A_555 = arith.constant 1 : i32
        %get3A_556 = arith.index_cast %get3A_555 : i32 to index
        %get3A_557 = arith.index_cast %add3A_283 : i32 to index
        %get3A_558 = arith.constant 192 : index
        %get3A_559 = tpu.vector_load %arg4[%get3A_556, %get3A_557, %get3A_558] {strides = array<i32>} : memref<2x16x512xf32, #tpu.memory_space<vmem>>, vector<1x1x16xf32>,
        %get3A_560 = vector.shape_cast %get3A_559 : vector<1x1x16xf32> to vector<16xf32>
        %get3A_561 = arith.constant 1 : i32
        %get3A_562 = arith.index_cast %get3A_561 : i32 to index
        %get3A_563 = arith.index_cast %add3A_283 : i32 to index
        %get3A_564 = arith.constant 192 : index
        %get3A_565 = tpu.vector_load %arg5[%get3A_562, %get3A_563, %get3A_564] {strides = array<i32>} : memref<2x16x512xf32, #tpu.memory_space<vmem>>, vector<1x1x16xf32>,
        %get3A_566 = vector.shape_cast %get3A_565 : vector<1x1x16xf32> to vector<16xf32>
        %add3A_567 = arith.addf %get3A_560, %get3A_566 : vector<16xf32>
        %get3A_568 = arith.constant 1 : i32
        %get3A_569 = arith.index_cast %get3A_568 : i32 to index
        %get3A_570 = arith.index_cast %add3A_283 : i32 to index
        %get3A_571 = arith.constant 192 : index
        %get3A_572 = tpu.vector_load %arg6[%get3A_569, %get3A_570, %get3A_571] {strides = array<i32>} : memref<2x16x512xf32, #tpu.memory_space<vmem>>, vector<1x1x16xf32>,
        %get3A_573 = vector.shape_cast %get3A_572 : vector<1x1x16xf32> to vector<16xf32>
        %sub3A_574 = arith.subf %add3A_567, %get3A_573 : vector<16xf32>
        %mul3A_575 = arith.mulf %sub3A_574, %sub3A_574 : vector<16xf32>
        %add3A_576 = arith.addf %add3A_488, %mul3A_575 : vector<16xf32>
        %get3A_577 = arith.constant 1 : i32
        %get3A_578 = arith.index_cast %get3A_577 : i32 to index
        %get3A_579 = arith.index_cast %add3A_283 : i32 to index
        %get3A_580 = arith.constant 208 : index
        %get3A_581 = tpu.vector_load %arg4[%get3A_578, %get3A_579, %get3A_580] {strides = array<i32>} : memref<2x16x512xf32, #tpu.memory_space<vmem>>, vector<1x1x16xf32>,
        %get3A_582 = vector.shape_cast %get3A_581 : vector<1x1x16xf32> to vector<16xf32>
        %get3A_583 = arith.constant 1 : i32
        %get3A_584 = arith.index_cast %get3A_583 : i32 to index
        %get3A_585 = arith.index_cast %add3A_283 : i32 to index
        %get3A_586 = arith.constant 208 : index
        %get3A_587 = tpu.vector_load %arg5[%get3A_584, %get3A_585, %get3A_586] {strides = array<i32>} : memref<2x16x512xf32, #tpu.memory_space<vmem>>, vector<1x1x16xf32>,
        %get3A_588 = vector.shape_cast %get3A_587 : vector<1x1x16xf32> to vector<16xf32>
        %add3A_589 = arith.addf %get3A_582, %get3A_588 : vector<16xf32>
        %get3A_590 = arith.constant 1 : i32
        %get3A_591 = arith.index_cast %get3A_590 : i32 to index
        %get3A_592 = arith.index_cast %add3A_283 : i32 to index
        %get3A_593 = arith.constant 208 : index
        %get3A_594 = tpu.vector_load %arg6[%get3A_591, %get3A_592, %get3A_593] {strides = array<i32>} : memref<2x16x512xf32, #tpu.memory_space<vmem>>, vector<1x1x16xf32>,
        %get3A_595 = vector.shape_cast %get3A_594 : vector<1x1x16xf32> to vector<16xf32>
        %sub3A_596 = arith.subf %add3A_589, %get3A_595 : vector<16xf32>
        %mul3A_597 = arith.mulf %sub3A_596, %sub3A_596 : vector<16xf32>
        %add3A_598 = arith.addf %add3A_510, %mul3A_597 : vector<16xf32>
        %get3A_599 = arith.constant 1 : i32
        %get3A_600 = arith.index_cast %get3A_599 : i32 to index
        %get3A_601 = arith.index_cast %add3A_283 : i32 to index
        %get3A_602 = arith.constant 224 : index
        %get3A_603 = tpu.vector_load %arg4[%get3A_600, %get3A_601, %get3A_602] {strides = array<i32>} : memref<2x16x512xf32, #tpu.memory_space<vmem>>, vector<1x1x16xf32>,
        %get3A_604 = vector.shape_cast %get3A_603 : vector<1x1x16xf32> to vector<16xf32>
        %get3A_605 = arith.constant 1 : i32
        %get3A_606 = arith.index_cast %get3A_605 : i32 to index
        %get3A_607 = arith.index_cast %add3A_283 : i32 to index
        %get3A_608 = arith.constant 224 : index
        %get3A_609 = tpu.vector_load %arg5[%get3A_606, %get3A_607, %get3A_608] {strides = array<i32>} : memref<2x16x512xf32, #tpu.memory_space<vmem>>, vector<1x1x16xf32>,
        %get3A_610 = vector.shape_cast %get3A_609 : vector<1x1x16xf32> to vector<16xf32>
        %add3A_611 = arith.addf %get3A_604, %get3A_610 : vector<16xf32>
        %get3A_612 = arith.constant 1 : i32
        %get3A_613 = arith.index_cast %get3A_612 : i32 to index
        %get3A_614 = arith.index_cast %add3A_283 : i32 to index
        %get3A_615 = arith.constant 224 : index
        %get3A_616 = tpu.vector_load %arg6[%get3A_613, %get3A_614, %get3A_615] {strides = array<i32>} : memref<2x16x512xf32, #tpu.memory_space<vmem>>, vector<1x1x16xf32>,
        %get3A_617 = vector.shape_cast %get3A_616 : vector<1x1x16xf32> to vector<16xf32>
        %sub3A_618 = arith.subf %add3A_611, %get3A_617 : vector<16xf32>
        %mul3A_619 = arith.mulf %sub3A_618, %sub3A_618 : vector<16xf32>
        %add3A_620 = arith.addf %add3A_532, %mul3A_619 : vector<16xf32>
        %get3A_621 = arith.constant 1 : i32
        %get3A_622 = arith.index_cast %get3A_621 : i32 to index
        %get3A_623 = arith.index_cast %add3A_283 : i32 to index
        %get3A_624 = arith.constant 240 : index
        %get3A_625 = tpu.vector_load %arg4[%get3A_622, %get3A_623, %get3A_624] {strides = array<i32>} : memref<2x16x512xf32, #tpu.memory_space<vmem>>, vector<1x1x16xf32>,
        %get3A_626 = vector.shape_cast %get3A_625 : vector<1x1x16xf32> to vector<16xf32>
        %get3A_627 = arith.constant 1 : i32
        %get3A_628 = arith.index_cast %get3A_627 : i32 to index
        %get3A_629 = arith.index_cast %add3A_283 : i32 to index
        %get3A_630 = arith.constant 240 : index
        %get3A_631 = tpu.vector_load %arg5[%get3A_628, %get3A_629, %get3A_630] {strides = array<i32>} : memref<2x16x512xf32, #tpu.memory_space<vmem>>, vector<1x1x16xf32>,
        %get3A_632 = vector.shape_cast %get3A_631 : vector<1x1x16xf32> to vector<16xf32>
        %add3A_633 = arith.addf %get3A_626, %get3A_632 : vector<16xf32>
        %get3A_634 = arith.constant 1 : i32
        %get3A_635 = arith.index_cast %get3A_634 : i32 to index
        %get3A_636 = arith.index_cast %add3A_283 : i32 to index
        %get3A_637 = arith.constant 240 : index
        %get3A_638 = tpu.vector_load %arg6[%get3A_635, %get3A_636, %get3A_637] {strides = array<i32>} : memref<2x16x512xf32, #tpu.memory_space<vmem>>, vector<1x1x16xf32>,
        %get3A_639 = vector.shape_cast %get3A_638 : vector<1x1x16xf32> to vector<16xf32>
        %sub3A_640 = arith.subf %add3A_633, %get3A_639 : vector<16xf32>
        %mul3A_641 = arith.mulf %sub3A_640, %sub3A_640 : vector<16xf32>
        %add3A_642 = arith.addf %add3A_554, %mul3A_641 : vector<16xf32>
        %get3A_643 = arith.constant 1 : i32
        %get3A_644 = arith.index_cast %get3A_643 : i32 to index
        %get3A_645 = arith.index_cast %add3A_283 : i32 to index
        %get3A_646 = arith.constant 256 : index
        %get3A_647 = tpu.vector_load %arg4[%get3A_644, %get3A_645, %get3A_646] {strides = array<i32>} : memref<2x16x512xf32, #tpu.memory_space<vmem>>, vector<1x1x16xf32>,
        %get3A_648 = vector.shape_cast %get3A_647 : vector<1x1x16xf32> to vector<16xf32>
        %get3A_649 = arith.constant 1 : i32
        %get3A_650 = arith.index_cast %get3A_649 : i32 to index
        %get3A_651 = arith.index_cast %add3A_283 : i32 to index
        %get3A_652 = arith.constant 256 : index
        %get3A_653 = tpu.vector_load %arg5[%get3A_650, %get3A_651, %get3A_652] {strides = array<i32>} : memref<2x16x512xf32, #tpu.memory_space<vmem>>, vector<1x1x16xf32>,
        %get3A_654 = vector.shape_cast %get3A_653 : vector<1x1x16xf32> to vector<16xf32>
        %add3A_655 = arith.addf %get3A_648, %get3A_654 : vector<16xf32>
        %get3A_656 = arith.constant 1 : i32
        %get3A_657 = arith.index_cast %get3A_656 : i32 to index
        %get3A_658 = arith.index_cast %add3A_283 : i32 to index
        %get3A_659 = arith.constant 256 : index
        %get3A_660 = tpu.vector_load %arg6[%get3A_657, %get3A_658, %get3A_659] {strides = array<i32>} : memref<2x16x512xf32, #tpu.memory_space<vmem>>, vector<1x1x16xf32>,
        %get3A_661 = vector.shape_cast %get3A_660 : vector<1x1x16xf32> to vector<16xf32>
        %sub3A_662 = arith.subf %add3A_655, %get3A_661 : vector<16xf32>
        %mul3A_663 = arith.mulf %sub3A_662, %sub3A_662 : vector<16xf32>
        %add3A_664 = arith.addf %add3A_576, %mul3A_663 : vector<16xf32>
        %get3A_665 = arith.constant 1 : i32
        %get3A_666 = arith.index_cast %get3A_665 : i32 to index
        %get3A_667 = arith.index_cast %add3A_283 : i32 to index
        %get3A_668 = arith.constant 272 : index
        %get3A_669 = tpu.vector_load %arg4[%get3A_666, %get3A_667, %get3A_668] {strides = array<i32>} : memref<2x16x512xf32, #tpu.memory_space<vmem>>, vector<1x1x16xf32>,
        %get3A_670 = vector.shape_cast %get3A_669 : vector<1x1x16xf32> to vector<16xf32>
        %get3A_671 = arith.constant 1 : i32
        %get3A_672 = arith.index_cast %get3A_671 : i32 to index
        %get3A_673 = arith.index_cast %add3A_283 : i32 to index
        %get3A_674 = arith.constant 272 : index
        %get3A_675 = tpu.vector_load %arg5[%get3A_672, %get3A_673, %get3A_674] {strides = array<i32>} : memref<2x16x512xf32, #tpu.memory_space<vmem>>, vector<1x1x16xf32>,
        %get3A_676 = vector.shape_cast %get3A_675 : vector<1x1x16xf32> to vector<16xf32>
        %add3A_677 = arith.addf %get3A_670, %get3A_676 : vector<16xf32>
        %get3A_678 = arith.constant 1 : i32
        %get3A_679 = arith.index_cast %get3A_678 : i32 to index
        %get3A_680 = arith.index_cast %add3A_283 : i32 to index
        %get3A_681 = arith.constant 272 : index
        %get3A_682 = tpu.vector_load %arg6[%get3A_679, %get3A_680, %get3A_681] {strides = array<i32>} : memref<2x16x512xf32, #tpu.memory_space<vmem>>, vector<1x1x16xf32>,
        %get3A_683 = vector.shape_cast %get3A_682 : vector<1x1x16xf32> to vector<16xf32>
        %sub3A_684 = arith.subf %add3A_677, %get3A_683 : vector<16xf32>
        %mul3A_685 = arith.mulf %sub3A_684, %sub3A_684 : vector<16xf32>
        %add3A_686 = arith.addf %add3A_598, %mul3A_685 : vector<16xf32>
        %get3A_687 = arith.constant 1 : i32
        %get3A_688 = arith.index_cast %get3A_687 : i32 to index
        %get3A_689 = arith.index_cast %add3A_283 : i32 to index
        %get3A_690 = arith.constant 288 : index
        %get3A_691 = tpu.vector_load %arg4[%get3A_688, %get3A_689, %get3A_690] {strides = array<i32>} : memref<2x16x512xf32, #tpu.memory_space<vmem>>, vector<1x1x16xf32>,
        %get3A_692 = vector.shape_cast %get3A_691 : vector<1x1x16xf32> to vector<16xf32>
        %get3A_693 = arith.constant 1 : i32
        %get3A_694 = arith.index_cast %get3A_693 : i32 to index
        %get3A_695 = arith.index_cast %add3A_283 : i32 to index
        %get3A_696 = arith.constant 288 : index
        %get3A_697 = tpu.vector_load %arg5[%get3A_694, %get3A_695, %get3A_696] {strides = array<i32>} : memref<2x16x512xf32, #tpu.memory_space<vmem>>, vector<1x1x16xf32>,
        %get3A_698 = vector.shape_cast %get3A_697 : vector<1x1x16xf32> to vector<16xf32>
        %add3A_699 = arith.addf %get3A_692, %get3A_698 : vector<16xf32>
        %get3A_700 = arith.constant 1 : i32
        %get3A_701 = arith.index_cast %get3A_700 : i32 to index
        %get3A_702 = arith.index_cast %add3A_283 : i32 to index
        %get3A_703 = arith.constant 288 : index
        %get3A_704 = tpu.vector_load %arg6[%get3A_701, %get3A_702, %get3A_703] {strides = array<i32>} : memref<2x16x512xf32, #tpu.memory_space<vmem>>, vector<1x1x16xf32>,
        %get3A_705 = vector.shape_cast %get3A_704 : vector<1x1x16xf32> to vector<16xf32>
        %sub3A_706 = arith.subf %add3A_699, %get3A_705 : vector<16xf32>
        %mul3A_707 = arith.mulf %sub3A_706, %sub3A_706 : vector<16xf32>
        %add3A_708 = arith.addf %add3A_620, %mul3A_707 : vector<16xf32>
        %get3A_709 = arith.constant 1 : i32
        %get3A_710 = arith.index_cast %get3A_709 : i32 to index
        %get3A_711 = arith.index_cast %add3A_283 : i32 to index
        %get3A_712 = arith.constant 304 : index
        %get3A_713 = tpu.vector_load %arg4[%get3A_710, %get3A_711, %get3A_712] {strides = array<i32>} : memref<2x16x512xf32, #tpu.memory_space<vmem>>, vector<1x1x16xf32>,
        %get3A_714 = vector.shape_cast %get3A_713 : vector<1x1x16xf32> to vector<16xf32>
        %get3A_715 = arith.constant 1 : i32
        %get3A_716 = arith.index_cast %get3A_715 : i32 to index
        %get3A_717 = arith.index_cast %add3A_283 : i32 to index
        %get3A_718 = arith.constant 304 : index
        %get3A_719 = tpu.vector_load %arg5[%get3A_716, %get3A_717, %get3A_718] {strides = array<i32>} : memref<2x16x512xf32, #tpu.memory_space<vmem>>, vector<1x1x16xf32>,
        %get3A_720 = vector.shape_cast %get3A_719 : vector<1x1x16xf32> to vector<16xf32>
        %add3A_721 = arith.addf %get3A_714, %get3A_720 : vector<16xf32>
        %get3A_722 = arith.constant 1 : i32
        %get3A_723 = arith.index_cast %get3A_722 : i32 to index
        %get3A_724 = arith.index_cast %add3A_283 : i32 to index
        %get3A_725 = arith.constant 304 : index
        %get3A_726 = tpu.vector_load %arg6[%get3A_723, %get3A_724, %get3A_725] {strides = array<i32>} : memref<2x16x512xf32, #tpu.memory_space<vmem>>, vector<1x1x16xf32>,
        %get3A_727 = vector.shape_cast %get3A_726 : vector<1x1x16xf32> to vector<16xf32>
        %sub3A_728 = arith.subf %add3A_721, %get3A_727 : vector<16xf32>
        %mul3A_729 = arith.mulf %sub3A_728, %sub3A_728 : vector<16xf32>
        %add3A_730 = arith.addf %add3A_642, %mul3A_729 : vector<16xf32>
        %get3A_731 = arith.constant 1 : i32
        %get3A_732 = arith.index_cast %get3A_731 : i32 to index
        %get3A_733 = arith.index_cast %add3A_283 : i32 to index
        %get3A_734 = arith.constant 320 : index
        %get3A_735 = tpu.vector_load %arg4[%get3A_732, %get3A_733, %get3A_734] {strides = array<i32>} : memref<2x16x512xf32, #tpu.memory_space<vmem>>, vector<1x1x16xf32>,
        %get3A_736 = vector.shape_cast %get3A_735 : vector<1x1x16xf32> to vector<16xf32>
        %get3A_737 = arith.constant 1 : i32
        %get3A_738 = arith.index_cast %get3A_737 : i32 to index
        %get3A_739 = arith.index_cast %add3A_283 : i32 to index
        %get3A_740 = arith.constant 320 : index
        %get3A_741 = tpu.vector_load %arg5[%get3A_738, %get3A_739, %get3A_740] {strides = array<i32>} : memref<2x16x512xf32, #tpu.memory_space<vmem>>, vector<1x1x16xf32>,
        %get3A_742 = vector.shape_cast %get3A_741 : vector<1x1x16xf32> to vector<16xf32>
        %add3A_743 = arith.addf %get3A_736, %get3A_742 : vector<16xf32>
        %get3A_744 = arith.constant 1 : i32
        %get3A_745 = arith.index_cast %get3A_744 : i32 to index
        %get3A_746 = arith.index_cast %add3A_283 : i32 to index
        %get3A_747 = arith.constant 320 : index
        %get3A_748 = tpu.vector_load %arg6[%get3A_745, %get3A_746, %get3A_747] {strides = array<i32>} : memref<2x16x512xf32, #tpu.memory_space<vmem>>, vector<1x1x16xf32>,
        %get3A_749 = vector.shape_cast %get3A_748 : vector<1x1x16xf32> to vector<16xf32>
        %sub3A_750 = arith.subf %add3A_743, %get3A_749 : vector<16xf32>
        %mul3A_751 = arith.mulf %sub3A_750, %sub3A_750 : vector<16xf32>
        %add3A_752 = arith.addf %add3A_664, %mul3A_751 : vector<16xf32>
        %get3A_753 = arith.constant 1 : i32
        %get3A_754 = arith.index_cast %get3A_753 : i32 to index
        %get3A_755 = arith.index_cast %add3A_283 : i32 to index
        %get3A_756 = arith.constant 336 : index
        %get3A_757 = tpu.vector_load %arg4[%get3A_754, %get3A_755, %get3A_756] {strides = array<i32>} : memref<2x16x512xf32, #tpu.memory_space<vmem>>, vector<1x1x16xf32>,
        %get3A_758 = vector.shape_cast %get3A_757 : vector<1x1x16xf32> to vector<16xf32>
        %get3A_759 = arith.constant 1 : i32
        %get3A_760 = arith.index_cast %get3A_759 : i32 to index
        %get3A_761 = arith.index_cast %add3A_283 : i32 to index
        %get3A_762 = arith.constant 336 : index
        %get3A_763 = tpu.vector_load %arg5[%get3A_760, %get3A_761, %get3A_762] {strides = array<i32>} : memref<2x16x512xf32, #tpu.memory_space<vmem>>, vector<1x1x16xf32>,
        %get3A_764 = vector.shape_cast %get3A_763 : vector<1x1x16xf32> to vector<16xf32>
        %add3A_765 = arith.addf %get3A_758, %get3A_764 : vector<16xf32>
        %get3A_766 = arith.constant 1 : i32
        %get3A_767 = arith.index_cast %get3A_766 : i32 to index
        %get3A_768 = arith.index_cast %add3A_283 : i32 to index
        %get3A_769 = arith.constant 336 : index
        %get3A_770 = tpu.vector_load %arg6[%get3A_767, %get3A_768, %get3A_769] {strides = array<i32>} : memref<2x16x512xf32, #tpu.memory_space<vmem>>, vector<1x1x16xf32>,
        %get3A_771 = vector.shape_cast %get3A_770 : vector<1x1x16xf32> to vector<16xf32>
        %sub3A_772 = arith.subf %add3A_765, %get3A_771 : vector<16xf32>
        %mul3A_773 = arith.mulf %sub3A_772, %sub3A_772 : vector<16xf32>
        %add3A_774 = arith.addf %add3A_686, %mul3A_773 : vector<16xf32>
        %get3A_775 = arith.constant 1 : i32
        %get3A_776 = arith.index_cast %get3A_775 : i32 to index
        %get3A_777 = arith.index_cast %add3A_283 : i32 to index
        %get3A_778 = arith.constant 352 : index
        %get3A_779 = tpu.vector_load %arg4[%get3A_776, %get3A_777, %get3A_778] {strides = array<i32>} : memref<2x16x512xf32, #tpu.memory_space<vmem>>, vector<1x1x16xf32>,
        %get3A_780 = vector.shape_cast %get3A_779 : vector<1x1x16xf32> to vector<16xf32>
        %get3A_781 = arith.constant 1 : i32
        %get3A_782 = arith.index_cast %get3A_781 : i32 to index
        %get3A_783 = arith.index_cast %add3A_283 : i32 to index
        %get3A_784 = arith.constant 352 : index
        %get3A_785 = tpu.vector_load %arg5[%get3A_782, %get3A_783, %get3A_784] {strides = array<i32>} : memref<2x16x512xf32, #tpu.memory_space<vmem>>, vector<1x1x16xf32>,
        %get3A_786 = vector.shape_cast %get3A_785 : vector<1x1x16xf32> to vector<16xf32>
        %add3A_787 = arith.addf %get3A_780, %get3A_786 : vector<16xf32>
        %get3A_788 = arith.constant 1 : i32
        %get3A_789 = arith.index_cast %get3A_788 : i32 to index
        %get3A_790 = arith.index_cast %add3A_283 : i32 to index
        %get3A_791 = arith.constant 352 : index
        %get3A_792 = tpu.vector_load %arg6[%get3A_789, %get3A_790, %get3A_791] {strides = array<i32>} : memref<2x16x512xf32, #tpu.memory_space<vmem>>, vector<1x1x16xf32>,
        %get3A_793 = vector.shape_cast %get3A_792 : vector<1x1x16xf32> to vector<16xf32>
        %sub3A_794 = arith.subf %add3A_787, %get3A_793 : vector<16xf32>
        %mul3A_795 = arith.mulf %sub3A_794, %sub3A_794 : vector<16xf32>
        %add3A_796 = arith.addf %add3A_708, %mul3A_795 : vector<16xf32>
        %get3A_797 = arith.constant 1 : i32
        %get3A_798 = arith.index_cast %get3A_797 : i32 to index
        %get3A_799 = arith.index_cast %add3A_283 : i32 to index
        %get3A_800 = arith.constant 368 : index
        %get3A_801 = tpu.vector_load %arg4[%get3A_798, %get3A_799, %get3A_800] {strides = array<i32>} : memref<2x16x512xf32, #tpu.memory_space<vmem>>, vector<1x1x16xf32>,
        %get3A_802 = vector.shape_cast %get3A_801 : vector<1x1x16xf32> to vector<16xf32>
        %get3A_803 = arith.constant 1 : i32
        %get3A_804 = arith.index_cast %get3A_803 : i32 to index
        %get3A_805 = arith.index_cast %add3A_283 : i32 to index
        %get3A_806 = arith.constant 368 : index
        %get3A_807 = tpu.vector_load %arg5[%get3A_804, %get3A_805, %get3A_806] {strides = array<i32>} : memref<2x16x512xf32, #tpu.memory_space<vmem>>, vector<1x1x16xf32>,
        %get3A_808 = vector.shape_cast %get3A_807 : vector<1x1x16xf32> to vector<16xf32>
        %add3A_809 = arith.addf %get3A_802, %get3A_808 : vector<16xf32>
        %get3A_810 = arith.constant 1 : i32
        %get3A_811 = arith.index_cast %get3A_810 : i32 to index
        %get3A_812 = arith.index_cast %add3A_283 : i32 to index
        %get3A_813 = arith.constant 368 : index
        %get3A_814 = tpu.vector_load %arg6[%get3A_811, %get3A_812, %get3A_813] {strides = array<i32>} : memref<2x16x512xf32, #tpu.memory_space<vmem>>, vector<1x1x16xf32>,
        %get3A_815 = vector.shape_cast %get3A_814 : vector<1x1x16xf32> to vector<16xf32>
        %sub3A_816 = arith.subf %add3A_809, %get3A_815 : vector<16xf32>
        %mul3A_817 = arith.mulf %sub3A_816, %sub3A_816 : vector<16xf32>
        %add3A_818 = arith.addf %add3A_730, %mul3A_817 : vector<16xf32>
        %get3A_819 = arith.constant 1 : i32
        %get3A_820 = arith.index_cast %get3A_819 : i32 to index
        %get3A_821 = arith.index_cast %add3A_283 : i32 to index
        %get3A_822 = arith.constant 384 : index
        %get3A_823 = tpu.vector_load %arg4[%get3A_820, %get3A_821, %get3A_822] {strides = array<i32>} : memref<2x16x512xf32, #tpu.memory_space<vmem>>, vector<1x1x16xf32>,
        %get3A_824 = vector.shape_cast %get3A_823 : vector<1x1x16xf32> to vector<16xf32>
        %get3A_825 = arith.constant 1 : i32
        %get3A_826 = arith.index_cast %get3A_825 : i32 to index
        %get3A_827 = arith.index_cast %add3A_283 : i32 to index
        %get3A_828 = arith.constant 384 : index
        %get3A_829 = tpu.vector_load %arg5[%get3A_826, %get3A_827, %get3A_828] {strides = array<i32>} : memref<2x16x512xf32, #tpu.memory_space<vmem>>, vector<1x1x16xf32>,
        %get3A_830 = vector.shape_cast %get3A_829 : vector<1x1x16xf32> to vector<16xf32>
        %add3A_831 = arith.addf %get3A_824, %get3A_830 : vector<16xf32>
        %get3A_832 = arith.constant 1 : i32
        %get3A_833 = arith.index_cast %get3A_832 : i32 to index
        %get3A_834 = arith.index_cast %add3A_283 : i32 to index
        %get3A_835 = arith.constant 384 : index
        %get3A_836 = tpu.vector_load %arg6[%get3A_833, %get3A_834, %get3A_835] {strides = array<i32>} : memref<2x16x512xf32, #tpu.memory_space<vmem>>, vector<1x1x16xf32>,
        %get3A_837 = vector.shape_cast %get3A_836 : vector<1x1x16xf32> to vector<16xf32>
        %sub3A_838 = arith.subf %add3A_831, %get3A_837 : vector<16xf32>
        %mul3A_839 = arith.mulf %sub3A_838, %sub3A_838 : vector<16xf32>
        %add3A_840 = arith.addf %add3A_752, %mul3A_839 : vector<16xf32>
        %get3A_841 = arith.constant 1 : i32
        %get3A_842 = arith.index_cast %get3A_841 : i32 to index
        %get3A_843 = arith.index_cast %add3A_283 : i32 to index
        %get3A_844 = arith.constant 400 : index
        %get3A_845 = tpu.vector_load %arg4[%get3A_842, %get3A_843, %get3A_844] {strides = array<i32>} : memref<2x16x512xf32, #tpu.memory_space<vmem>>, vector<1x1x16xf32>,
        %get3A_846 = vector.shape_cast %get3A_845 : vector<1x1x16xf32> to vector<16xf32>
        %get3A_847 = arith.constant 1 : i32
        %get3A_848 = arith.index_cast %get3A_847 : i32 to index
        %get3A_849 = arith.index_cast %add3A_283 : i32 to index
        %get3A_850 = arith.constant 400 : index
        %get3A_851 = tpu.vector_load %arg5[%get3A_848, %get3A_849, %get3A_850] {strides = array<i32>} : memref<2x16x512xf32, #tpu.memory_space<vmem>>, vector<1x1x16xf32>,
        %get3A_852 = vector.shape_cast %get3A_851 : vector<1x1x16xf32> to vector<16xf32>
        %add3A_853 = arith.addf %get3A_846, %get3A_852 : vector<16xf32>
        %get3A_854 = arith.constant 1 : i32
        %get3A_855 = arith.index_cast %get3A_854 : i32 to index
        %get3A_856 = arith.index_cast %add3A_283 : i32 to index
        %get3A_857 = arith.constant 400 : index
        %get3A_858 = tpu.vector_load %arg6[%get3A_855, %get3A_856, %get3A_857] {strides = array<i32>} : memref<2x16x512xf32, #tpu.memory_space<vmem>>, vector<1x1x16xf32>,
        %get3A_859 = vector.shape_cast %get3A_858 : vector<1x1x16xf32> to vector<16xf32>
        %sub3A_860 = arith.subf %add3A_853, %get3A_859 : vector<16xf32>
        %mul3A_861 = arith.mulf %sub3A_860, %sub3A_860 : vector<16xf32>
        %add3A_862 = arith.addf %add3A_774, %mul3A_861 : vector<16xf32>
        %get3A_863 = arith.constant 1 : i32
        %get3A_864 = arith.index_cast %get3A_863 : i32 to index
        %get3A_865 = arith.index_cast %add3A_283 : i32 to index
        %get3A_866 = arith.constant 416 : index
        %get3A_867 = tpu.vector_load %arg4[%get3A_864, %get3A_865, %get3A_866] {strides = array<i32>} : memref<2x16x512xf32, #tpu.memory_space<vmem>>, vector<1x1x16xf32>,
        %get3A_868 = vector.shape_cast %get3A_867 : vector<1x1x16xf32> to vector<16xf32>
        %get3A_869 = arith.constant 1 : i32
        %get3A_870 = arith.index_cast %get3A_869 : i32 to index
        %get3A_871 = arith.index_cast %add3A_283 : i32 to index
        %get3A_872 = arith.constant 416 : index
        %get3A_873 = tpu.vector_load %arg5[%get3A_870, %get3A_871, %get3A_872] {strides = array<i32>} : memref<2x16x512xf32, #tpu.memory_space<vmem>>, vector<1x1x16xf32>,
        %get3A_874 = vector.shape_cast %get3A_873 : vector<1x1x16xf32> to vector<16xf32>
        %add3A_875 = arith.addf %get3A_868, %get3A_874 : vector<16xf32>
        %get3A_876 = arith.constant 1 : i32
        %get3A_877 = arith.index_cast %get3A_876 : i32 to index
        %get3A_878 = arith.index_cast %add3A_283 : i32 to index
        %get3A_879 = arith.constant 416 : index
        %get3A_880 = tpu.vector_load %arg6[%get3A_877, %get3A_878, %get3A_879] {strides = array<i32>} : memref<2x16x512xf32, #tpu.memory_space<vmem>>, vector<1x1x16xf32>,
        %get3A_881 = vector.shape_cast %get3A_880 : vector<1x1x16xf32> to vector<16xf32>
        %sub3A_882 = arith.subf %add3A_875, %get3A_881 : vector<16xf32>
        %mul3A_883 = arith.mulf %sub3A_882, %sub3A_882 : vector<16xf32>
        %add3A_884 = arith.addf %add3A_796, %mul3A_883 : vector<16xf32>
        %get3A_885 = arith.constant 1 : i32
        %get3A_886 = arith.index_cast %get3A_885 : i32 to index
        %get3A_887 = arith.index_cast %add3A_283 : i32 to index
        %get3A_888 = arith.constant 432 : index
        %get3A_889 = tpu.vector_load %arg4[%get3A_886, %get3A_887, %get3A_888] {strides = array<i32>} : memref<2x16x512xf32, #tpu.memory_space<vmem>>, vector<1x1x16xf32>,
        %get3A_890 = vector.shape_cast %get3A_889 : vector<1x1x16xf32> to vector<16xf32>
        %get3A_891 = arith.constant 1 : i32
        %get3A_892 = arith.index_cast %get3A_891 : i32 to index
        %get3A_893 = arith.index_cast %add3A_283 : i32 to index
        %get3A_894 = arith.constant 432 : index
        %get3A_895 = tpu.vector_load %arg5[%get3A_892, %get3A_893, %get3A_894] {strides = array<i32>} : memref<2x16x512xf32, #tpu.memory_space<vmem>>, vector<1x1x16xf32>,
        %get3A_896 = vector.shape_cast %get3A_895 : vector<1x1x16xf32> to vector<16xf32>
        %add3A_897 = arith.addf %get3A_890, %get3A_896 : vector<16xf32>
        %get3A_898 = arith.constant 1 : i32
        %get3A_899 = arith.index_cast %get3A_898 : i32 to index
        %get3A_900 = arith.index_cast %add3A_283 : i32 to index
        %get3A_901 = arith.constant 432 : index
        %get3A_902 = tpu.vector_load %arg6[%get3A_899, %get3A_900, %get3A_901] {strides = array<i32>} : memref<2x16x512xf32, #tpu.memory_space<vmem>>, vector<1x1x16xf32>,
        %get3A_903 = vector.shape_cast %get3A_902 : vector<1x1x16xf32> to vector<16xf32>
        %sub3A_904 = arith.subf %add3A_897, %get3A_903 : vector<16xf32>
        %mul3A_905 = arith.mulf %sub3A_904, %sub3A_904 : vector<16xf32>
        %add3A_906 = arith.addf %add3A_818, %mul3A_905 : vector<16xf32>
        %get3A_907 = arith.constant 1 : i32
        %get3A_908 = arith.index_cast %get3A_907 : i32 to index
        %get3A_909 = arith.index_cast %add3A_283 : i32 to index
        %get3A_910 = arith.constant 448 : index
        %get3A_911 = tpu.vector_load %arg4[%get3A_908, %get3A_909, %get3A_910] {strides = array<i32>} : memref<2x16x512xf32, #tpu.memory_space<vmem>>, vector<1x1x16xf32>,
        %get3A_912 = vector.shape_cast %get3A_911 : vector<1x1x16xf32> to vector<16xf32>
        %get3A_913 = arith.constant 1 : i32
        %get3A_914 = arith.index_cast %get3A_913 : i32 to index
        %get3A_915 = arith.index_cast %add3A_283 : i32 to index
        %get3A_916 = arith.constant 448 : index
        %get3A_917 = tpu.vector_load %arg5[%get3A_914, %get3A_915, %get3A_916] {strides = array<i32>} : memref<2x16x512xf32, #tpu.memory_space<vmem>>, vector<1x1x16xf32>,
        %get3A_918 = vector.shape_cast %get3A_917 : vector<1x1x16xf32> to vector<16xf32>
        %add3A_919 = arith.addf %get3A_912, %get3A_918 : vector<16xf32>
        %get3A_920 = arith.constant 1 : i32
        %get3A_921 = arith.index_cast %get3A_920 : i32 to index
        %get3A_922 = arith.index_cast %add3A_283 : i32 to index
        %get3A_923 = arith.constant 448 : index
        %get3A_924 = tpu.vector_load %arg6[%get3A_921, %get3A_922, %get3A_923] {strides = array<i32>} : memref<2x16x512xf32, #tpu.memory_space<vmem>>, vector<1x1x16xf32>,
        %get3A_925 = vector.shape_cast %get3A_924 : vector<1x1x16xf32> to vector<16xf32>
        %sub3A_926 = arith.subf %add3A_919, %get3A_925 : vector<16xf32>
        %mul3A_927 = arith.mulf %sub3A_926, %sub3A_926 : vector<16xf32>
        %add3A_928 = arith.addf %add3A_840, %mul3A_927 : vector<16xf32>
        %get3A_929 = arith.constant 1 : i32
        %get3A_930 = arith.index_cast %get3A_929 : i32 to index
        %get3A_931 = arith.index_cast %add3A_283 : i32 to index
        %get3A_932 = arith.constant 464 : index
        %get3A_933 = tpu.vector_load %arg4[%get3A_930, %get3A_931, %get3A_932] {strides = array<i32>} : memref<2x16x512xf32, #tpu.memory_space<vmem>>, vector<1x1x16xf32>,
        %get3A_934 = vector.shape_cast %get3A_933 : vector<1x1x16xf32> to vector<16xf32>
        %get3A_935 = arith.constant 1 : i32
        %get3A_936 = arith.index_cast %get3A_935 : i32 to index
        %get3A_937 = arith.index_cast %add3A_283 : i32 to index
        %get3A_938 = arith.constant 464 : index
        %get3A_939 = tpu.vector_load %arg5[%get3A_936, %get3A_937, %get3A_938] {strides = array<i32>} : memref<2x16x512xf32, #tpu.memory_space<vmem>>, vector<1x1x16xf32>,
        %get3A_940 = vector.shape_cast %get3A_939 : vector<1x1x16xf32> to vector<16xf32>
        %add3A_941 = arith.addf %get3A_934, %get3A_940 : vector<16xf32>
        %get3A_942 = arith.constant 1 : i32
        %get3A_943 = arith.index_cast %get3A_942 : i32 to index
        %get3A_944 = arith.index_cast %add3A_283 : i32 to index
        %get3A_945 = arith.constant 464 : index
        %get3A_946 = tpu.vector_load %arg6[%get3A_943, %get3A_944, %get3A_945] {strides = array<i32>} : memref<2x16x512xf32, #tpu.memory_space<vmem>>, vector<1x1x16xf32>,
        %get3A_947 = vector.shape_cast %get3A_946 : vector<1x1x16xf32> to vector<16xf32>
        %sub3A_948 = arith.subf %add3A_941, %get3A_947 : vector<16xf32>
        %mul3A_949 = arith.mulf %sub3A_948, %sub3A_948 : vector<16xf32>
        %add3A_950 = arith.addf %add3A_862, %mul3A_949 : vector<16xf32>
        %get3A_951 = arith.constant 1 : i32
        %get3A_952 = arith.index_cast %get3A_951 : i32 to index
        %get3A_953 = arith.index_cast %add3A_283 : i32 to index
        %get3A_954 = arith.constant 480 : index
        %get3A_955 = tpu.vector_load %arg4[%get3A_952, %get3A_953, %get3A_954] {strides = array<i32>} : memref<2x16x512xf32, #tpu.memory_space<vmem>>, vector<1x1x16xf32>,
        %get3A_956 = vector.shape_cast %get3A_955 : vector<1x1x16xf32> to vector<16xf32>
        %get3A_957 = arith.constant 1 : i32
        %get3A_958 = arith.index_cast %get3A_957 : i32 to index
        %get3A_959 = arith.index_cast %add3A_283 : i32 to index
        %get3A_960 = arith.constant 480 : index
        %get3A_961 = tpu.vector_load %arg5[%get3A_958, %get3A_959, %get3A_960] {strides = array<i32>} : memref<2x16x512xf32, #tpu.memory_space<vmem>>, vector<1x1x16xf32>,
        %get3A_962 = vector.shape_cast %get3A_961 : vector<1x1x16xf32> to vector<16xf32>
        %add3A_963 = arith.addf %get3A_956, %get3A_962 : vector<16xf32>
        %get3A_964 = arith.constant 1 : i32
        %get3A_965 = arith.index_cast %get3A_964 : i32 to index
        %get3A_966 = arith.index_cast %add3A_283 : i32 to index
        %get3A_967 = arith.constant 480 : index
        %get3A_968 = tpu.vector_load %arg6[%get3A_965, %get3A_966, %get3A_967] {strides = array<i32>} : memref<2x16x512xf32, #tpu.memory_space<vmem>>, vector<1x1x16xf32>,
        %get3A_969 = vector.shape_cast %get3A_968 : vector<1x1x16xf32> to vector<16xf32>
        %sub3A_970 = arith.subf %add3A_963, %get3A_969 : vector<16xf32>
        %mul3A_971 = arith.mulf %sub3A_970, %sub3A_970 : vector<16xf32>
        %add3A_972 = arith.addf %add3A_884, %mul3A_971 : vector<16xf32>
        %get3A_973 = arith.constant 1 : i32
        %get3A_974 = arith.index_cast %get3A_973 : i32 to index
        %get3A_975 = arith.index_cast %add3A_283 : i32 to index
        %get3A_976 = arith.constant 496 : index
        %get3A_977 = tpu.vector_load %arg4[%get3A_974, %get3A_975, %get3A_976] {strides = array<i32>} : memref<2x16x512xf32, #tpu.memory_space<vmem>>, vector<1x1x16xf32>,
        %get3A_978 = vector.shape_cast %get3A_977 : vector<1x1x16xf32> to vector<16xf32>
        %get3A_979 = arith.constant 1 : i32
        %get3A_980 = arith.index_cast %get3A_979 : i32 to index
        %get3A_981 = arith.index_cast %add3A_283 : i32 to index
        %get3A_982 = arith.constant 496 : index
        %get3A_983 = tpu.vector_load %arg5[%get3A_980, %get3A_981, %get3A_982] {strides = array<i32>} : memref<2x16x512xf32, #tpu.memory_space<vmem>>, vector<1x1x16xf32>,
        %get3A_984 = vector.shape_cast %get3A_983 : vector<1x1x16xf32> to vector<16xf32>
        %add3A_985 = arith.addf %get3A_978, %get3A_984 : vector<16xf32>
        %get3A_986 = arith.constant 1 : i32
        %get3A_987 = arith.index_cast %get3A_986 : i32 to index
        %get3A_988 = arith.index_cast %add3A_283 : i32 to index
        %get3A_989 = arith.constant 496 : index
        %get3A_990 = tpu.vector_load %arg6[%get3A_987, %get3A_988, %get3A_989] {strides = array<i32>} : memref<2x16x512xf32, #tpu.memory_space<vmem>>, vector<1x1x16xf32>,
        %get3A_991 = vector.shape_cast %get3A_990 : vector<1x1x16xf32> to vector<16xf32>
        %sub3A_992 = arith.subf %add3A_985, %get3A_991 : vector<16xf32>
        %mul3A_993 = arith.mulf %sub3A_992, %sub3A_992 : vector<16xf32>
        %add3A_994 = arith.addf %add3A_906, %mul3A_993 : vector<16xf32>
        %add3A_995 = arith.addf %add3A_928, %add3A_950 : vector<16xf32>
        %add3A_996 = arith.addf %add3A_972, %add3A_994 : vector<16xf32>
        %add3A_997 = arith.addf %add3A_995, %add3A_996 : vector<16xf32>
        %xor3A = arith.constant 8 : i32
        %xor3A_998 = vector.broadcast %xor3A : i32 to vector<16xi32>
        %xor3A_999 = arith.xori %iota3A, %xor3A_998 : vector<16xi32>
        %broadcast_in_dim3A_1000 = vector.shape_cast %xor3A_999 : vector<16xi32> to vector<16x1xi32>
        %gather3A = vector.shape_cast %broadcast_in_dim3A_1000 : vector<16x1xi32> to vector<16xi32>
        %gather3A_1001 = tpu.dynamic_gather %add3A_997[%gather3A] in [0] : vector<16xf32>, vector<16xi32> -> vector<16xf32>
        %add3A_1002 = arith.addf %add3A_997, %gather3A_1001 : vector<16xf32>
        %xor3A_1003 = arith.constant 4 : i32
        %xor3A_1004 = vector.broadcast %xor3A_1003 : i32 to vector<16xi32>
        %xor3A_1005 = arith.xori %iota3A, %xor3A_1004 : vector<16xi32>
        %broadcast_in_dim3A_1006 = vector.shape_cast %xor3A_1005 : vector<16xi32> to vector<16x1xi32>
        %gather3A_1007 = vector.shape_cast %broadcast_in_dim3A_1006 : vector<16x1xi32> to vector<16xi32>
        %gather3A_1008 = tpu.dynamic_gather %add3A_1002[%gather3A_1007] in [0] : vector<16xf32>, vector<16xi32> -> vector<16xf32>
        %add3A_1009 = arith.addf %add3A_1002, %gather3A_1008 : vector<16xf32>
        %xor3A_1010 = arith.constant 2 : i32
        %xor3A_1011 = vector.broadcast %xor3A_1010 : i32 to vector<16xi32>
        %xor3A_1012 = arith.xori %iota3A, %xor3A_1011 : vector<16xi32>
        %broadcast_in_dim3A_1013 = vector.shape_cast %xor3A_1012 : vector<16xi32> to vector<16x1xi32>
        %gather3A_1014 = vector.shape_cast %broadcast_in_dim3A_1013 : vector<16x1xi32> to vector<16xi32>
        %gather3A_1015 = tpu.dynamic_gather %add3A_1009[%gather3A_1014] in [0] : vector<16xf32>, vector<16xi32> -> vector<16xf32>
        %add3A_1016 = arith.addf %add3A_1009, %gather3A_1015 : vector<16xf32>
        %xor3A_1017 = arith.constant 1 : i32
        %xor3A_1018 = vector.broadcast %xor3A_1017 : i32 to vector<16xi32>
        %xor3A_1019 = arith.xori %iota3A, %xor3A_1018 : vector<16xi32>
        %broadcast_in_dim3A_1020 = vector.shape_cast %xor3A_1019 : vector<16xi32> to vector<16x1xi32>
        %gather3A_1021 = vector.shape_cast %broadcast_in_dim3A_1020 : vector<16x1xi32> to vector<16xi32>
        %gather3A_1022 = tpu.dynamic_gather %add3A_1016[%gather3A_1021] in [0] : vector<16xf32>, vector<16xi32> -> vector<16xf32>
        %add3A_1023 = arith.addf %add3A_1016, %gather3A_1022 : vector<16xf32>
        %eq3A = vector.broadcast %add3A_283 : i32 to vector<16xi32>
        %eq3A_1024 = arith.cmpi eq, %iota3A, %eq3A : vector<16xi32>
        %select_n3A = arith.select %eq3A_1024, %add3A_1023, %scan3A_279 : vector<16xi1>, vector<16xf32>
        scf.yield %select_n3A : vector<16xf32>
      }
      %scan3A_235 = arith.constant 16 : i32
      %max3A_236 = arith.constant 1.000000e-30 : f32
      %max3A_237 = vector.broadcast %max3A_236 : f32 to vector<16xf32>
      %max3A_238 = arith.maximumf %scan3A_234, %max3A_237 : vector<16xf32>
      %bitcast_convert_type3A_239 = tpu.bitcast %max3A_238 : vector<16xf32> -> vector<16xi32>
      %shift_right_arithmetic3A_240 = arith.constant 1 : i32
      %shift_right_arithmetic3A_241 = vector.broadcast %shift_right_arithmetic3A_240 : i32 to vector<16xi32>
      %shift_right_arithmetic3A_242 = arith.shrsi %bitcast_convert_type3A_239, %shift_right_arithmetic3A_241 : vector<16xi32>
      %sub3A_243 = arith.constant 1597463007 : i32
      %sub3A_244 = vector.broadcast %sub3A_243 : i32 to vector<16xi32>
      %sub3A_245 = arith.subi %sub3A_244, %shift_right_arithmetic3A_242 : vector<16xi32>
      %bitcast_convert_type3A_246 = tpu.bitcast %sub3A_245 : vector<16xi32> -> vector<16xf32>
      %mul3A_247 = arith.constant 5.000000e-01 : f32
      %mul3A_248 = vector.broadcast %mul3A_247 : f32 to vector<16xf32>
      %mul3A_249 = arith.mulf %max3A_238, %mul3A_248 : vector<16xf32>
      %mul3A_250 = arith.mulf %mul3A_249, %bitcast_convert_type3A_246 : vector<16xf32>
      %mul3A_251 = arith.mulf %mul3A_250, %bitcast_convert_type3A_246 : vector<16xf32>
      %sub3A_252 = arith.constant 1.500000e+00 : f32
      %sub3A_253 = vector.broadcast %sub3A_252 : f32 to vector<16xf32>
      %sub3A_254 = arith.subf %sub3A_253, %mul3A_251 : vector<16xf32>
      %mul3A_255 = arith.mulf %bitcast_convert_type3A_246, %sub3A_254 : vector<16xf32>
      %mul3A_256 = arith.mulf %mul3A_249, %mul3A_255 : vector<16xf32>
      %mul3A_257 = arith.mulf %mul3A_256, %mul3A_255 : vector<16xf32>
      %sub3A_258 = arith.constant 1.500000e+00 : f32
      %sub3A_259 = vector.broadcast %sub3A_258 : f32 to vector<16xf32>
      %sub3A_260 = arith.subf %sub3A_259, %mul3A_257 : vector<16xf32>
      %mul3A_261 = arith.mulf %mul3A_255, %sub3A_260 : vector<16xf32>
      %mul3A_262 = arith.mulf %mul3A_249, %mul3A_261 : vector<16xf32>
      %mul3A_263 = arith.mulf %mul3A_262, %mul3A_261 : vector<16xf32>
      %sub3A_264 = arith.constant 1.500000e+00 : f32
      %sub3A_265 = vector.broadcast %sub3A_264 : f32 to vector<16xf32>
      %sub3A_266 = arith.subf %sub3A_265, %mul3A_263 : vector<16xf32>
      %mul3A_267 = arith.mulf %mul3A_261, %sub3A_266 : vector<16xf32>
      %mul3A_268 = arith.mulf %max3A_238, %mul3A_267 : vector<16xf32>
      %neg3A_269 = arith.constant 0.000000e+00 : f32
      %neg3A_270 = vector.broadcast %neg3A_269 : f32 to vector<16xf32>
      %neg3A_271 = arith.subf %neg3A_270, %mul3A_268 : vector<16xf32>
      %swap3A_272 = arith.constant 0 : index
      %swap3A_273 = tpu.vector_load %arg7[%swap3A_272] {strides = array<i32>} : memref<16xf32, #tpu.memory_space<vmem>>, vector<16xf32>,
      %swap3A_274 = vector.shape_cast %swap3A_273 : vector<16xf32> to vector<16xf32>
      %swap3A_275 = vector.shape_cast %neg3A_271 : vector<16xf32> to vector<16xf32>
      tpu.vector_store %arg7[%swap3A_272], %swap3A_275 {strides = array<i32>} : memref<16xf32, #tpu.memory_space<vmem>>, vector<16xf32>,
      %sub3A_276 = arith.constant 14336 : i32
      %sub3A_277 = arith.subi %add3A_227, %sub3A_276 : i32
      "tpu.region"() ({
        %run_scoped3A = tpu.sem_alloc : memref<!tpu.dma_semaphore, #tpu.memory_space<semaphore_mem>>
        %dma_start3A_278 = tpu.memref_slice %arg3[%sub3A_277] : memref<2048xf32, #tpu.memory_space<hbm>> -> memref<16xf32, #tpu.memory_space<hbm>>
        %dma_start3A_279 = tpu.memref_slice %arg3[%sub3A_277] : memref<2048xf32, #tpu.memory_space<hbm>> -> memref<16xf32, #tpu.memory_space<hbm>>
        tpu.enqueue_dma source(%arg7 : memref<16xf32, #tpu.memory_space<vmem>>) target(%dma_start3A_279 : memref<16xf32, #tpu.memory_space<hbm>>) target_semaphore(%run_scoped3A : memref<!tpu.dma_semaphore, #tpu.memory_space<semaphore_mem>>)
        %dma_wait3A_280 = tpu.memref_slice %arg3[%sub3A_277] : memref<2048xf32, #tpu.memory_space<hbm>> -> memref<16xf32, #tpu.memory_space<hbm>>
        %dma_wait3A_281 = tpu.memref_slice %arg3[%sub3A_277] : memref<2048xf32, #tpu.memory_space<hbm>> -> memref<16xf32, #tpu.memory_space<hbm>>
        tpu.wait_dma2 semaphore(%run_scoped3A : memref<!tpu.dma_semaphore, #tpu.memory_space<semaphore_mem>>) src(%arg7 : memref<16xf32, #tpu.memory_space<vmem>>) dst(%dma_wait3A_281 : memref<16xf32, #tpu.memory_space<hbm>>)
        tpu.yield
      }) : () -> ()
    }
    %scan3A_57 = arith.constant 2 : i32
    return
  }
}

module attributes {stable_mosaic.version = 14 : i64} {
  func.func @_tc_block(%arg0: i32, %arg1: memref<3x2048x512xf32, #tpu.memory_space<vmem>>, %arg2: memref<2048xf32, #tpu.memory_space<vmem>>) attributes {dimension_semantics = [#tpu.dimension_semantics<arbitrary>], iteration_bounds = array<i64: 7>, scalar_prefetch = 0 : i64, scratch_operands = 0 : i64, tpu.core_type = #tpu.core_type<tc>, window_params = [{transform_indices = @transform_0, window_bounds = array<i64: 3, 2048, 512>}, {transform_indices = @transform_1, window_bounds = array<i64: 2048>}]} {
    %get3A = arith.constant 0 : index
    %get3A_0 = arith.constant 0 : index
    %get3A_1 = arith.constant 0 : index
    %get3A_2 = vector.load %arg1[%get3A, %get3A_0, %get3A_1] : memref<3x2048x512xf32, #tpu.memory_space<vmem>>, vector<1x2048x512xf32>
    %get3A_3 = vector.shape_cast %get3A_2 : vector<1x2048x512xf32> to vector<2048x512xf32>
    %get3A_4 = arith.constant 1 : index
    %get3A_5 = arith.constant 0 : index
    %get3A_6 = arith.constant 0 : index
    %get3A_7 = vector.load %arg1[%get3A_4, %get3A_5, %get3A_6] : memref<3x2048x512xf32, #tpu.memory_space<vmem>>, vector<1x2048x512xf32>
    %get3A_8 = vector.shape_cast %get3A_7 : vector<1x2048x512xf32> to vector<2048x512xf32>
    %add3A = arith.addf %get3A_3, %get3A_8 : vector<2048x512xf32>
    %get3A_9 = arith.constant 2 : index
    %get3A_10 = arith.constant 0 : index
    %get3A_11 = arith.constant 0 : index
    %get3A_12 = vector.load %arg1[%get3A_9, %get3A_10, %get3A_11] : memref<3x2048x512xf32, #tpu.memory_space<vmem>>, vector<1x2048x512xf32>
    %get3A_13 = vector.shape_cast %get3A_12 : vector<1x2048x512xf32> to vector<2048x512xf32>
    %sub3A = arith.subf %add3A, %get3A_13 : vector<2048x512xf32>
    %mul3A = arith.mulf %sub3A, %sub3A : vector<2048x512xf32>
    %reduce_sum3A = arith.constant dense<0.000000e+00> : vector<2048xf32>
    %reduce_sum3A_14 = vector.multi_reduction <add>, %mul3A, %reduce_sum3A [1] : vector<2048x512xf32> to vector<2048xf32>
    %sqrt3A = math.sqrt %reduce_sum3A_14 : vector<2048xf32>
    %neg3A = arith.constant 0.000000e+00 : f32
    %neg3A_15 = vector.broadcast %neg3A : f32 to vector<2048xf32>
    %neg3A_16 = arith.subf %neg3A_15, %sqrt3A : vector<2048xf32>
    %swap3A = arith.constant 0 : index
    %swap3A_17 = vector.load %arg2[%swap3A] : memref<2048xf32, #tpu.memory_space<vmem>>, vector<2048xf32>
    tpu.vector_store %arg2[%swap3A], %neg3A_16 {strides = array<i32>} : memref<2048xf32, #tpu.memory_space<vmem>>, vector<2048xf32>,
    return
  }
  func.func @transform_0(%arg0: i32) -> (i32, i32, i32) {
    %c0_i32 = arith.constant 0 : i32
    %c0_i32_0 = arith.constant 0 : i32
    %c0_i32_1 = arith.constant 0 : i32
    return %c0_i32, %arg0, %c0_i32_0 : i32, i32, i32
  }
  func.func @transform_1(%arg0: i32) -> i32 {
    %c0_i32 = arith.constant 0 : i32
    return %arg0 : i32
  }
}

</mosaic_0001>

<sc_bundles>
// kernel: kernel.4.cloned.1.call-start
scs
__scs_entry_jumppad:
0x0: {  	(pc) =	sbr.rel $0x88, $3  }
0x1: {  	(tag) =	ssettag $0x0;
	lr =	simm.s32 $0x1  }
0x2: {  	[smem:$0x3FA0] =	sst lr;
	_ =	strace $0xD0000000  }
0x3: {  	_ = 	snop  }
0x4: {  	_ = 	snop  }
0x5: {  	_ = 	snop  }
0x6: {  	_ = 	snop  }
0x7: {  	_ = 	snop  }
__scs_overlays_trampoline_lowered:
0x8: {  	[smem:$0x3FAF] =	sst s0  }
0x9: {  	[smem:$0x3FB0] =	sst s1  }
0xa: {  	[smem:$0x3FB1] =	sst s2  }
0xb: {  	[smem:$0x3FB2] =	sst s3  }
0xc: {  	[smem:$0x3FB3] =	sst s4  }
0xd: {  	[smem:$0x3FB4] =	sst s5  }
0xe: {  	[smem:$0x3FB5] =	sst s6  }
0xf: {  	[smem:$0x3FB6] =	sst s7  }
0x10: {  	[smem:$0x3FB7] =	sst s8  }
0x11: {  	[smem:$0x3FB8] =	sst s9;
	s0 =	simm.s32 @!p0 $0x0  }
0x12: {  	s1 =	sld [smem:$0x3F9E];
	s0 =	simm.s32 @p0 $0x1  }
0x13: {  	[smem:$0x3FB9] =	sst s0;
	s0 =	simm.s32 @!p1 $0x0  }
0x14: {  	s2 =	sld [smem:$0x3F9D];
	s0 =	simm.s32 @p1 $0x1  }
0x15: {  	[smem:$0x3FBA] =	sst s0;
	s0 =	simm.s32 @!p2 $0x0  }
0x16: {  	s3 =	sld [smem:$0x3FDB];
	s0 =	simm.s32 @p2 $0x1  }
0x17: {  	s4 =	simm.s32 $0x1BF5;
	[smem:$0x3FBC] =	sst s0  }
0x18: {  	s0 =	sld [smem:$0x3F9F];
	_ =	swait.ge [sflag:s4], $0x0  }
0x19: {  	s7 =	sld [smem:$0x3FA0]  }
0x1a: {  	s8 =	sadd.s32 $0xFFFFE003, lr  }
0x1b: {  	s9 =	sadd.s32 $0xFFFFFEF7, lr;
	s5 =	simm.s32 $0xFFFFFFFF;
	p2 =	slt.u32 s8, $0xFFFFF086  }
0x1c: {  	p1 =	slt.u32 s9, $0xF7A;
	s5 =	simm.s32 @!p2 $0x0  }
0x1d: {  	s5 =	simm.s32 @p1 $0x1;
	p0 =	seq.s32 s7, s2  }
0x1e: {  	s7 =	smul.u32 @!p0 $0xF7A, s2;
	p2 =	seq.s32 @!p0 s5, $0x0  }
0x1f: {  	s9 =	smul.u32 $0xF7A, s1;
	s8 =	simm.s32 @!p0 $0x1BF5;
	p2 =	por !p2, p0  }
0x20: {  	[sflag:s8] =	ssyncset.s32 @!p0 $0xFFFFF086;
	s6 =	sadd.s32 @!p0 s3, s7;
	s7 =	simm.s32 @!p0 $0x108  }
0x21: {  	s3 =	sadd.s32 s3, s9;
	s6 =	sadd.s32 @!p0 $0x88, s6;
	s7 =	simm.s32 @p2 $0x1082  }
0x22: {  	[simem:s7], [sflag:s8] =	dma.local @!p0 [hbm:s6], $0xF7A  }
0x23: {  	s9 =	sor.u32 $0xD0000000, s2;
	s6 =	simm.s32 $0x108;
	_ =	swait.ge @!p0 [sflag:s8], $0x0  }
0x24: {  	s3 =	sadd.s32 $0x88, s3;
	s6 =	simm.s32 @!p1 $0x1082;
	[sflag:s4] =	ssyncset.s32 $0xFFFFF086  }
0x25: {  	[simem:s6], [sflag:s4] =	dma.local [hbm:s3], $0xF7A  }
0x26: {  	[smem:$0x3FA0] =	sst s1;
	(tag) =	ssettag s2;
	_ =	strace s9  }
0x27: {  	s1 =	sld [smem:$0x3FB0]  }
0x28: {  	s2 =	sld [smem:$0x3FB1]  }
0x29: {  	s4 =	sld [smem:$0x3FB3]  }
0x2a: {  	p0 =	seq.s32 s5, $0x0;
	s5 =	sld [smem:$0x3FB4]  }
0x2b: {  	s6 =	sld [smem:$0x3FB5]  }
0x2c: {  	s7 =	sld [smem:$0x3FB6]  }
0x2d: {  	s3 =	simm.s32 $0x108;
	s8 =	sld [smem:$0x3FB7]  }
0x2e: {  	s3 =	simm.s32 @!p0 $0x1082;
	s9 =	sld [smem:$0x3FB8]  }
0x2f: {  	lr =	sadd.s32 s0, s3;
	s0 =	sld [smem:$0x3FAF]  }
0x30: {  	s3 =	sld [smem:$0x3FB2]  }
0x31: {  	[smem:$0x3FBB] =	sst s10  }
0x32: {  	s10 =	sld [smem:$0x3FB9];
	_ =	sdelay $0x3  }
0x33: {  	p0 =	seq.s32 s10, $0x1;
	s10 =	sld [smem:$0x3FBB];
	_ =	sdelay $0x3  }
0x34: {  	[smem:$0x3FBB] =	sst s10  }
0x35: {  	s10 =	sld [smem:$0x3FBA];
	_ =	sdelay $0x3  }
0x36: {  	p1 =	seq.s32 s10, $0x1;
	s10 =	sld [smem:$0x3FBB];
	_ =	sdelay $0x3  }
0x37: {  	[smem:$0x3FBB] =	sst s10  }
0x38: {  	s10 =	sld [smem:$0x3FBC]  }
0x39: {  	_ = 	snop;
	(pc) =	sbr.ind lr, $3  }
0x3a: {  	_ = 	snop  }
0x3b: {  	_ = 	snop  }
0x3c: {  	p2 =	seq.s32 s10, $0x1;
	s10 =	sld [smem:$0x3FBB]  }
0x3d: {  	_ =	shalt  }
0x3e: {  	_ =	shalt  }
0x3f: {  	_ =	shalt  }
0x40: {  	_ =	shalt  }
0x41: {  	_ =	shalt  }
0x42: {  	_ =	shalt  }
0x43: {  	_ =	shalt  }
0x44: {  	_ =	shalt  }
0x45: {  	_ =	shalt  }
0x46: {  	_ =	shalt  }
0x47: {  	_ =	shalt  }
0x48: {  	_ =	shalt  }
0x49: {  	_ =	shalt  }
0x4a: {  	_ =	shalt  }
0x4b: {  	_ =	shalt  }
0x4c: {  	_ =	shalt  }
0x4d: {  	_ =	shalt  }
0x4e: {  	_ =	shalt  }
0x4f: {  	_ =	shalt  }
0x50: {  	_ =	shalt  }
0x51: {  	_ =	shalt  }
0x52: {  	_ =	shalt  }
0x53: {  	_ =	shalt  }
0x54: {  	_ =	shalt  }
0x55: {  	_ =	shalt  }
0x56: {  	_ =	shalt  }
0x57: {  	_ =	shalt  }
0x58: {  	_ =	shalt  }
0x59: {  	_ =	shalt  }
0x5a: {  	_ =	shalt  }
0x5b: {  	_ =	shalt  }
0x5c: {  	_ =	shalt  }
0x5d: {  	_ =	shalt  }
0x5e: {  	_ =	shalt  }
0x5f: {  	_ =	shalt  }
0x60: {  	_ =	shalt  }
0x61: {  	_ =	shalt  }
0x62: {  	_ =	shalt  }
0x63: {  	_ =	shalt  }
0x64: {  	_ =	shalt  }
0x65: {  	_ =	shalt  }
0x66: {  	_ =	shalt  }
0x67: {  	_ =	shalt  }
0x68: {  	_ =	shalt  }
0x69: {  	_ =	shalt  }
0x6a: {  	_ =	shalt  }
0x6b: {  	_ =	shalt  }
0x6c: {  	_ =	shalt  }
0x6d: {  	_ =	shalt  }
0x6e: {  	_ =	shalt  }
0x6f: {  	_ =	shalt  }
0x70: {  	_ =	shalt  }
0x71: {  	_ =	shalt  }
0x72: {  	_ =	shalt  }
0x73: {  	_ =	shalt  }
0x74: {  	_ =	shalt  }
0x75: {  	_ =	shalt  }
0x76: {  	_ =	shalt  }
0x77: {  	_ =	shalt  }
0x78: {  	_ =	shalt  }
0x79: {  	_ =	shalt  }
0x7a: {  	_ =	shalt  }
0x7b: {  	_ =	shalt  }
0x7c: {  	_ =	shalt  }
0x7d: {  	_ =	shalt  }
0x7e: {  	_ =	shalt  }
0x7f: {  	_ =	shalt  }
0x80: {  	_ =	shalt  }
0x81: {  	_ =	shalt  }
0x82: {  	_ =	shalt  }
0x83: {  	_ =	shalt  }
0x84: {  	_ =	shalt  }
0x85: {  	_ =	shalt  }
0x86: {  	_ =	shalt  }
0x87: {  	_ =	shalt  }
.Lfunc_end0:
.L_simem_size_0:
called_computation_lowered:
.L_overlay_start_0:
0x88: {  	s2 =	sld [smem:$0x3FD9]  }
0x89: {  	s3 =	sld [smem:$0x3FFE];
	_ =	sdelay $0x1  }
0x8a: {  	s1 =	srdreg.scid  }
0x8b: {  	s0 =	sand.u32 $0x1, s1  }
0x8c: {  	s17 =	sshll.u32 s0, $0xA;
	s2 =	sadd.s32 s3, s2  }
0x8d: {  	s2 =	sadd.s32 s2, s17  }
0x8e: {  	[smem:$0x3FC7] =	sst s2  }
0x8f: {  	_ = 	snop  }
0x90: {  	s2 =	sld [smem:$0x3FC9];
	(tm) =	ssettm $0x1  }
0x91: {  	s18 =	sld [smem:$0x3FFB];
	_ =	sdelay $0x3  }
0x92: {  	_ =	strace s18  }
0x93: {  	s3 =	sld [smem:$0x3FFC];
	_ =	sdelay $0x3  }
0x94: {  	_ =	strace s3  }
0x95: {  	s3 =	sld [smem:$0x3FFD];
	_ =	sdelay $0x3  }
0x96: {  	_ =	strace s3  }
0x97: {  	_ =	strace $0x8FFFFFFF  }
0x98: {  	s19 =	sld [smem:$0x3FDB];
	_ =	sdelay $0x1  }
0x99: {  	s4 =	simm.s32 $_scs_section_size  }
0x9a: {  	s5 =	simm.s32 $_size__tile_overlayer_lowered;
	s6 =	simm.s32 $_tile_overlayer_lowered  }
0x9b: {  	s22 =	simm.s32 $0x1BFF;
	s21 =	sshll.u32 s6, $0x1;
	s3 =	sadd.s32 s4, s19  }
0x9c: {  	s7 =	simm.s32 $0x0;
	s20 =	sshll.u32 s5, $0x1;
	s5 =	sadd.s32 s21, s3  }
0x9d: {  	[timem:s7], [sflag:s22] =	dma.local [hbm:s5], s20  }
0x9e: {  	_ =	swait.ge [sflag:s22], s20  }
0x9f: {  	s4 =	ssub.s32 $0x0, s20;
	[sflag:s22] =	ssyncset.done $0x0  }
0xa0: {  	[sflag:s22] =	ssyncadd.s32 s4;
	_ =	sdelay $0x1  }
0xa1: {  	s23 =	simm.s32 $0x1B8B  }
0xa2: {  	_ =	swait.ge [sflag:s23], $0x1  }
0xa3: {  	[sflag:s23] =	ssyncset.done $0x0  }
0xa4: {  	s25 =	simm.s32 $0x1B8E;
	s24 =	sld [smem:$0x3FFE];
	[sflag:s23] =	ssyncadd.s32 $0xFFFFFFFF  }
0xa5: {  	s26 =	simm.s32 $execute0_lowered;
	[smem:$0x3FD2] =	sst s25  }
0xa6: {  	s5 =	sshll.u32 s26, $0x1;
	_ =	strace $0x80000046;
	[dreg:$0x1] =	wrdreg $0xFFFFFFFF  }
0xa7: {  	s28 =	simm.s32 $_size_execute0_lowered;
	s3 =	sadd.s32 s3, s5;
	[dreg:$0x0] =	wrdreg $0x0  }
0xa8: {  	s5 =	sshll.u32 s28, $0x1;
	[dreg:$0x2] =	wrdreg s3  }
0xa9: {  	[dreg:$0x3] =	wrdreg s5  }
0xaa: {  	[dreg:$0x4] =	wrdreg $0xC0  }
0xab: {  	_ =	task [dreg:s7], $0x5FFFF  }
0xac: {  	[dreg:$0x1] =	wrdreg $0xFFFFFFFF  }
0xad: {  	[dreg:$0x0] =	wrdreg $0x60  }
0xae: {  	[dreg:$0x2] =	wrdreg s2  }
0xaf: {  	[dreg:$0x3] =	wrdreg s24  }
0xb0: {  	[dreg:$0x4] =	wrdreg $0x9  }
0xb1: {  	_ =	task.clear_ibuf [dreg:s7], $0x5FFFF;
	_ =	strace $0x90000046  }
0xb2: {  	s29 =	simm.s32 $0x9;
	_ =	strace $0x80000048  }
0xb3: {  	_ =	swait.ge [sflag:s29], $0x1  }
0xb4: {  	[sflag:s29] =	ssyncadd.s32 $0xFFFFFFFF  }
0xb5: {  	_ =	strace $0x90000048  }
0xb6: {  	_ =	sfence  }
0xb7: {  	s30 =	sld [smem:$0x0];
	_ =	sdelay $0x2  }
0xb8: {  	s31 =	sshll.u32 s1, $0xD;
	s1 =	sshrl.u32 s1, $0x2  }
0xb9: {  	s3 =	sand.u32 $0x4000, s31;
	s1 =	sadd.s32 s1, s30  }
0xba: {  	s0 =	sor.u32 s3, s0;
	s1 =	sshll.u32 s1, $0x11  }
0xbb: {  	s0 =	sor.u32 s1, s0  }
0xbc: {  	s0 =	sadd.s32 $0x8F2B, s0  }
0xbd: {  	[sflag:s0] =	ssyncadd.remote.s32 $0x1  }
0xbe: {  	_ =	sfence.sel $0xFFFF  }
0xbf: {  	[dreg:$0x0] =	wrdreg $0xFFFFFFFF;
	(pc) =	sbr.abs _section_cstart, $3  }
0xc0: {  	[dreg:$0x1] =	wrdreg $0xFFFFFFFF  }
0xc1: {  	_ =	task.clear_ibuf [dreg:s7], $0x2FFFF;
	_ =	strace $0x9FFFFFFF  }
0xc2: {  	(tm) =	ssettm $0x7FFFFFFF  }
0xc3: {  	_ =	shalt  }
tec
execute0_lowered:
.L_overlay_start_1:
0x0: {  	(tag) =	ssettag $0x1  }
0x1: {  	s0 =	srdreg.scid;
	v0 =	vimm.s32 $0xFEDCBA98;
	v1 =	vimm.s32 $0x76543210;
	v2 =	vimm.s32 $0xBA98FEDC  }
0x2: {  	s3 =	stileid.u32;
	v3 =	vimm.s32 $0x32107654;
	v4 =	vimm.s32 $0xDCFE98BA;
	v5 =	vimm.s32 $0x54761032;
	s0 =	sand.u32 $0x1, s0  }
0x3: {  	s1 =	rddreg [dreg:$0x0];
	v6 =	vimm.s32 $0xEFCDAB89;
	v7 =	vimm.s32 $0x67452301;
	v0 =	vunpack.c.l.s4.s8 v0;
	s4 =	sshll.u32 s3, $0x7;
	s5 =	sshll.u32 s0, $0x6  }
0x4: {  	s2 =	rddreg [dreg:$0x1];
	v1 =	vunpack.c.l.s4.s8 v1;
	v2 =	vunpack.c.l.s4.s8 v2;
	v3 =	vunpack.c.l.s4.s8 v3;
	s0 =	ssub.s32 $0x2, s0;
	s4 =	sor.u32 s5, s4  }
0x5: {  	s3 =	simm.s32 $0x0;
	v4 =	vunpack.c.l.s4.s8 v4;
	v5 =	vunpack.c.l.s4.s8 v5;
	v6 =	vunpack.c.l.s4.s8 v6;
	s28 =	sshrl.u32 s0, $0x1;
	s5 =	sshll.u32 s4, $0x6  }
0x6: {  	v7 =	vunpack.c.l.s4.s8 v7;
	[smem:$0x7FF] =	sst s3;
	v2 =	vunpack.c.0.s8.s32 v2;
	v3 =	vunpack.c.0.s8.s32 v3;
	s0 =	ssub.s32 s0, s28;
	s5 =	sor.u32 $0xE0000, s5  }
0x7: {  	v0 =	vunpack.c.0.s8.s32 v0;
	_ =	strace $0x80000047;
	v4 =	vunpack.c.0.s8.s32 v4;
	v5 =	vunpack.c.0.s8.s32 v5;
	s0 =	smax.u32 s0, $0x1;
	[dreg:$0x3] =	wrdreg s5  }
0x8: {  	s19 =	simm.s32 $0x1;
	v6 =	vunpack.c.0.s8.s32 v6;
	v7 =	vunpack.c.0.s8.s32 v7;
	v61 =	vcombine.low v3, v2;
	s5 =	sadd.s32 s1, s5;
	[dreg:$0x9] =	wrdreg s0  }
0x9: {  	s20 =	simm.s32 $0xC000;
	v1 =	vunpack.c.0.s8.s32 v1;
	v62 =	vcombine.low v5, v4;
	s6 =	sadd.s32 $0x100000, s5;
	[dreg:$0x4] =	wrdreg s5  }
0xa: {  	s21 =	simm.s32 $0x3;
	v0 =	vand.u32 $0xF, v0;
	v63 =	vcombine.low v7, v6;
	s29 =	sadd.s32 $0x200000, s5;
	[tilespmem:$0x1FFD0] =	vst v61;
	[dreg:$0x5] =	wrdreg s6  }
0xb: {  	s22 =	simm.s32 $0x2;
	v0 =	vcombine.low v0, v1;
	s30 =	sadd.s32 $0x800, s5;
	[tilespmem:$0x1FFE0] =	vst v62;
	[dreg:$0x6] =	wrdreg s29  }
0xc: {  	s7 =	sadd.s32 $0x400, s2;
	s31 =	sadd.s32 $0x100800, s5;
	[tilespmem:$0x1FFF0] =	vst v63;
	[dreg:$0x7] =	wrdreg s30  }
0xd: {  	s2 =	simm.s32 $0x0;
	s12 =	sadd.s32 $0x200800, s5;
	[dreg:$0x8] =	wrdreg s31;
	[tilespmem:$0x1FFC0] =	vst v0  }
.LBB2_1:
0xe: {  	[dreg:$0xa] =	wrdreg s2  }
0xf: {  	s0 =	rddreg [dreg:$0x4]  }
0x10: {  	s28 =	rddreg [dreg:$0x5]  }
0x11: {  	[tilespmem:s3], [sflag:$0x1] =	stream.linear.gather [hbm4b:s0+s3], $0x2000, $0x38;
	[tilespmem:$0xC080] =	vst v63  }
0x12: {  	s29 =	simm.s32 $0x4000;
	s30 =	rddreg [dreg:$0x6]  }
0x13: {  	[tilespmem:s29], [sflag:$0x1] =	stream.linear.gather [hbm4b:s28+s3], $0x2000, $0x38;
	[tilespmem:$0xC080] =	vst v63  }
0x14: {  	s31 =	simm.s32 $0x8000;
	p1 =	por $0x1, $0x1;
	s25 =	simm.s32 $0x0  }
0x15: {  	[tilespmem:s31], [sflag:$0x1] =	stream.linear.gather [hbm4b:s30+s3], $0x2000, $0x38;
	[tilespmem:$0xC080] =	vst v63  }
.LBB2_2:
0x16: {  	s24 =	sshllo.u32 s25, $0x1  }
0x17: {  	s2 =	rddreg [dreg:$0x3];
	s0 =	sshll.u32 s24, $0xA  }
0x18: {  	s28 =	simm.s32 $0x0;
	s0 =	sor.u32 s2, s0  }
0x19: {  	s5 =	simm.s32 $0x2000;
	s2 =	sadd.s32 s1, s0;
	s16 =	sor.u32 $0x100000, s0  }
0x1a: {  	[tilespmem:s5], [sflag:$0x2] =	stream.linear.gather [hbm4b:s2+s28], $0x2000, $0x38;
	[tilespmem:$0xC080] =	vst v63  }
0x1b: {  	s17 =	simm.s32 $0x6000;
	s0 =	sor.u32 $0x200000, s0;
	s2 =	sadd.s32 s1, s16  }
0x1c: {  	[tilespmem:s17], [sflag:$0x2] =	stream.linear.gather [hbm4b:s2+s28], $0x2000, $0x38;
	[tilespmem:$0xC080] =	vst v63  }
0x1d: {  	s18 =	simm.s32 $0xA000;
	s0 =	sadd.s32 s1, s0  }
0x1e: {  	[tilespmem:s18], [sflag:$0x2] =	stream.linear.gather [hbm4b:s0+s28], $0x2000, $0x38;
	[tilespmem:$0xC080] =	vst v63  }
0x1f: {  	_ =	swait.ge [sflag:s19], $0x2000  }
0x20: {  	[sflag:s19] =	ssyncset.done $0x0  }
0x21: {  	[sflag:s19] =	ssyncadd.s32 $0xFFFFE000  }
0x22: {  	_ =	swait.ge [sflag:s19], $0x2000  }
0x23: {  	[sflag:s19] =	ssyncset.done $0x0  }
0x24: {  	[sflag:s19] =	ssyncadd.s32 $0xFFFFE000  }
0x25: {  	_ =	swait.ge [sflag:s19], $0x2000  }
0x26: {  	s23 =	sand.u32 $0x1000, s28;
	s26 =	sand.u32 $0x380, s28;
	[sflag:s19] =	ssyncset.done $0x0  }
0x27: {  	s26 =	sor.u32 s26, s23;
	[sflag:s19] =	ssyncadd.s32 $0xFFFFE000  }
0x28: {  	v0 =	vld [tilespmem:s26+$0x8C40]  }
0x29: {  	v3 =	vld [tilespmem:s26+$0x8C00]  }
0x2a: {  	v1 =	vld [tilespmem:s26+$0x8C20]  }
0x2b: {  	v2 =	vld [tilespmem:s26+$0x8C30]  }
0x2c: {  	v12 =	vld [tilespmem:s26+$0xC40]  }
0x2d: {  	v11 =	vld [tilespmem:s26+$0x4C40]  }
0x2e: {  	v10 =	vld [tilespmem:s26+$0xC50]  }
0x2f: {  	v16 =	vld [tilespmem:s26+$0x4C50]  }
0x30: {  	v17 =	vld [tilespmem:s26+$0xC60]  }
0x31: {  	v18 =	vld [tilespmem:s26+$0x4C60]  }
0x32: {  	v19 =	vld [tilespmem:s26+$0xC70]  }
0x33: {  	v20 =	vld [tilespmem:s26+$0x4C70]  }
0x34: {  	v23 =	vld [tilespmem:s26+$0x8840]  }
0x35: {  	v22 =	vld [tilespmem:s26+$0x8850]  }
0x36: {  	v24 =	vld [tilespmem:s26+$0xC00]  }
0x37: {  	v25 =	vld [tilespmem:s26+$0x4C00]  }
0x38: {  	v26 =	vld [tilespmem:s26+$0xC10]  }
0x39: {  	v27 =	vld [tilespmem:s26+$0x4C10]  }
0x3a: {  	v28 =	vld [tilespmem:s26+$0xC20]  }
0x3b: {  	v29 =	vld [tilespmem:s26+$0x4C20]  }
0x3c: {  	v30 =	vld [tilespmem:s26+$0xC30]  }
0x3d: {  	v31 =	vld [tilespmem:s26+$0x4C30]  }
0x3e: {  	v32 =	vld [tilespmem:s26+$0x840]  }
0x3f: {  	v33 =	vld [tilespmem:s26+$0x4840]  }
0x40: {  	v34 =	vld [tilespmem:s26+$0x850]  }
0x41: {  	v35 =	vld [tilespmem:s26+$0x4850]  }
0x42: {  	v36 =	vld [tilespmem:s26+$0x860]  }
0x43: {  	v37 =	vld [tilespmem:s26+$0x4860]  }
0x44: {  	v38 =	vld [tilespmem:s26+$0x870]  }
0x45: {  	v39 =	vld [tilespmem:s26+$0x4870]  }
0x46: {  	v40 =	vld [tilespmem:s26+$0x800]  }
0x47: {  	v41 =	vld [tilespmem:s26+$0x4800]  }
0x48: {  	v42 =	vld [tilespmem:s26+$0x810]  }
0x49: {  	v43 =	vld [tilespmem:s26+$0x4810]  }
0x4a: {  	v44 =	vld [tilespmem:s26+$0x820]  }
0x4b: {  	v45 =	vld [tilespmem:s26+$0x4820]  }
0x4c: {  	v46 =	vld [tilespmem:s26+$0x830]  }
0x4d: {  	v47 =	vld [tilespmem:s26+$0x4830]  }
0x4e: {  	v48 =	vld [tilespmem:s26+$0x440]  }
0x4f: {  	v49 =	vld [tilespmem:s26+$0x4440]  }
0x50: {  	v50 =	vld [tilespmem:s26+$0x450]  }
0x51: {  	v51 =	vld [tilespmem:s26+$0x4450]  }
0x52: {  	v52 =	vld [tilespmem:s26+$0x460]  }
0x53: {  	v53 =	vld [tilespmem:s26+$0x4460]  }
0x54: {  	[tilespmem:$0x1FF60] =	vst v0;
	v0 =	vld [tilespmem:s26+$0x8C50]  }
0x55: {  	v54 =	vld [tilespmem:s26+$0x470]  }
0x56: {  	v55 =	vld [tilespmem:s26+$0x4470]  }
0x57: {  	v56 =	vld [tilespmem:s26+$0x400]  }
0x58: {  	v57 =	vld [tilespmem:s26+$0x4400]  }
0x59: {  	[tilespmem:$0x1FF70] =	vst v0;
	v0 =	vld [tilespmem:s26+$0x8C60]  }
0x5a: {  	v58 =	vld [tilespmem:s26+$0x410]  }
0x5b: {  	v59 =	vld [tilespmem:s26+$0x4410]  }
0x5c: {  	v60 =	vld [tilespmem:s26+$0x420]  }
0x5d: {  	v61 =	vld [tilespmem:s26+$0x4420]  }
0x5e: {  	[tilespmem:$0x1FF80] =	vst v0;
	v0 =	vld [tilespmem:s26+$0x8C70]  }
0x5f: {  	v62 =	vld [tilespmem:s26+$0x430]  }
0x60: {  	v63 =	vld [tilespmem:s26+$0x4430]  }
0x61: {  	v9 =	vld [tilespmem:s26+$0x0]  }
0x62: {  	v7 =	vld [tilespmem:s26+$0x4000]  }
0x63: {  	[tilespmem:$0x1FF90] =	vst v0;
	v0 =	vld [tilespmem:s26+$0x8C10]  }
0x64: {  	v6 =	vld [tilespmem:s26+$0x10]  }
0x65: {  	v5 =	vld [tilespmem:s26+$0x4010]  }
0x66: {  	v8 =	vld [tilespmem:s26+$0x20]  }
0x67: {  	v11 =	vadd.f32 v11, v12;
	v12 =	vld [tilespmem:s26+$0x4020]  }
0x68: {  	v10 =	vadd.f32 v16, v10;
	[tilespmem:$0x1FFA0] =	vst v0;
	v0 =	vld [tilespmem:s26+$0x8860]  }
0x69: {  	v16 =	vadd.f32 v18, v17;
	v17 =	vadd.f32 v20, v19;
	v20 =	vld [tilespmem:s26+$0x30]  }
0x6a: {  	v13 =	vadd.f32 v25, v24;
	v24 =	vld [tilespmem:s26+$0x4030]  }
0x6b: {  	v25 =	vld [tilespmem:s26+$0x40]  }
0x6c: {  	v14 =	vadd.f32 v27, v26;
	v26 =	vld [tilespmem:s26+$0x4040]  }
0x6d: {  	[tilespmem:$0x1FFB0] =	vst v0;
	v0 =	vld [tilespmem:$0x1FF60]  }
0x6e: {  	v36 =	vadd.f32 v37, v36;
	v37 =	vadd.f32 v39, v38;
	v38 =	vld [tilespmem:s26+$0x50]  }
0x6f: {  	v39 =	vadd.f32 v41, v40;
	v40 =	vld [tilespmem:s26+$0x4050]  }
0x70: {  	v21 =	vadd.f32 v35, v34;
	v41 =	vadd.f32 v43, v42;
	v43 =	vld [tilespmem:s26+$0x60]  }
0x71: {  	v42 =	vadd.f32 v45, v44;
	v44 =	vadd.f32 v47, v46;
	v47 =	vld [tilespmem:s26+$0x4060]  }
0x72: {  	v34 =	vadd.f32 v5, v6;
	v6 =	vsub.f32 v11, v0;
	v0 =	vld [tilespmem:$0x1FF70]  }
0x73: {  	v46 =	vadd.f32 v51, v50;
	v50 =	vld [tilespmem:s26+$0x70]  }
0x74: {  	v51 =	vld [tilespmem:s26+$0x4070]  }
0x75: {  	v15 =	vadd.f32 v33, v32;
	v32 =	vadd.f32 v57, v56;
	v57 =	vld [tilespmem:s26+$0x8870]  }
0x76: {  	v30 =	vadd.f32 v31, v30;
	v5 =	vld [tilespmem:s26+$0x8800]  }
0x77: {  	v31 =	vadd.f32 v12, v8;
	v8 =	vsub.f32 v10, v0;
	v0 =	vld [tilespmem:$0x1FF80]  }
0x78: {  	v33 =	vadd.f32 v59, v58;
	v58 =	vld [tilespmem:s26+$0x8810]  }
0x79: {  	v28 =	vadd.f32 v29, v28;
	v45 =	vadd.f32 v49, v48;
	v59 =	vld [tilespmem:s26+$0x8820]  }
0x7a: {  	v48 =	vadd.f32 v53, v52;
	v56 =	vadd.f32 v61, v60;
	v60 =	vld [tilespmem:s26+$0x8830]  }
0x7b: {  	v49 =	vadd.f32 v55, v54;
	v4 =	vadd.f32 v63, v62;
	v61 =	vld [tilespmem:s26+$0x8440]  }
0x7c: {  	v35 =	vadd.f32 v7, v9;
	v10 =	vsub.f32 v16, v0;
	v0 =	vld [tilespmem:$0x1FF90]  }
0x7d: {  	v62 =	vld [tilespmem:s26+$0x8450];
	v9 =	vsub.f32 v13, v3;
	v13 =	vsub.f32 v21, v22  }
0x7e: {  	v63 =	vld [tilespmem:s26+$0x8460];
	v29 =	vadd.f32 v24, v20;
	v27 =	vadd.f32 v26, v25  }
0x7f: {  	v26 =	vadd.f32 v40, v38;
	v25 =	vadd.f32 v47, v43;
	v3 =	vld [tilespmem:$0x1FFA0]  }
0x80: {  	v24 =	vadd.f32 v51, v50;
	v12 =	vsub.f32 v15, v23;
	v38 =	vld [tilespmem:s26+$0x8400]  }
0x81: {  	v0 =	vsub.f32 v17, v0;
	v17 =	vsub.f32 v28, v1;
	v1 =	vld [tilespmem:$0x1FFB0]  }
0x82: {  	v20 =	vsub.f32 v37, v57;
	v15 =	vsub.f32 v41, v58;
	v28 =	vld [tilespmem:s26+$0x8470]  }
0x83: {  	v40 =	vld [tilespmem:s26+$0x8410];
	v23 =	vsub.f32 v42, v59;
	v22 =	vsub.f32 v44, v60  }
0x84: {  	v43 =	vld [tilespmem:s26+$0x8000];
	v37 =	vsub.f32 v46, v62;
	v11 =	vsub.f32 v14, v3  }
0x85: {  	v42 =	vld [tilespmem:s26+$0x8010];
	v14 =	vsub.f32 v39, v5;
	v16 =	vsub.f32 v30, v2  }
0x86: {  	p0 =	por p1, p1;
	v41 =	vld [tilespmem:s26+$0x8020];
	v30 =	vsub.f32 v48, v63;
	v21 =	vsub.f32 v36, v1  }
0x87: {  	s30 =	simm.s32 $0x1;
	s31 =	simm.s32 $0x0;
	s29 =	simm.s32 $0x0;
	v39 =	vld [tilespmem:s26+$0x8030];
	v48 =	vimm.f32 $0.0e+00;
	v36 =	vsub.f32 v45, v61;
	v28 =	vsub.f32 v49, v28  }
.LBB2_3:
0x88: {  	v44 =	vld [tilespmem:s26+$0x8040]  }
0x89: {  	v62 =	vld [tilespmem:s26+$0x8050]  }
0x8a: {  	v50 =	vld [tilespmem:s26+$0x8060]  }
0x8b: {  	v47 =	vmul.f32 v13, v13;
	v13 =	vld [tilespmem:s26+$0x8420]  }
0x8c: {  	s28 =	sadd.s32 $0x80, s28;
	s31 =	sadd.s32 $0x200, s31;
	v52 =	vmul.f32 v15, v15;
	v15 =	vld [tilespmem:s26+$0x8430]  }
0x8d: {  	s0 =	sand.u32 $0x1000, s31;
	s2 =	sand.u32 $0x380, s28;
	v7 =	vmul.f32 v0, v0;
	v0 =	vld [tilespmem:$0x1FFC0]  }
0x8e: {  	v46 =	vmul.f32 v11, v11;
	v11 =	vsub.f32 v31, v41;
	v31 =	vld [tilespmem:s26+$0x8070];
	s26 =	sor.u32 s2, s0  }
0x8f: {  	v1 =	vld [tilespmem:s26+$0x8C40]  }
0x90: {  	v45 =	vmul.f32 v9, v9;
	v9 =	vld [tilespmem:s26+$0x8C00]  }
0x91: {  	v53 =	vmul.f32 v37, v37;
	v37 =	vld [tilespmem:s26+$0x850]  }
0x92: {  	v51 =	vmul.f32 v12, v12;
	v32 =	vsub.f32 v32, v38;
	v12 =	vsub.f32 v29, v39;
	v38 =	vld [tilespmem:s26+$0x4850]  }
0x93: {  	v29 =	vmul.f32 v14, v14;
	v14 =	vsub.f32 v27, v44;
	v27 =	vmul.f32 v36, v36;
	v36 =	vld [tilespmem:s26+$0x860]  }
0x94: {  	v39 =	vld [tilespmem:s26+$0x4860]  }
0x95: {  	v41 =	vld [tilespmem:s26+$0x870]  }
0x96: {  	v34 =	vsub.f32 v34, v42;
	v42 =	vld [tilespmem:s26+$0x4870]  }
0x97: {  	v33 =	vsub.f32 v33, v40;
	v40 =	vld [tilespmem:s26+$0x800]  }
0x98: {  	v35 =	vsub.f32 v35, v43;
	v43 =	vld [tilespmem:s26+$0x4800]  }
0x99: {  	v44 =	vld [tilespmem:s26+$0x4820]  }
0x9a: {  	v49 =	vmul.f32 v8, v8;
	v8 =	vld [tilespmem:s26+$0x830]  }
0x9b: {  	v25 =	vsub.f32 v25, v50;
	v50 =	vld [tilespmem:s26+$0x4440]  }
0x9c: {  	v26 =	vsub.f32 v26, v62;
	v62 =	vld [tilespmem:s26+$0x4420]  }
0x9d: {  	v63 =	vmul.f32 v6, v6;
	v6 =	vld [tilespmem:s26+$0x0]  }
0x9e: {  	v2 =	vld [tilespmem:s26+$0x10]  }
0x9f: {  	v3 =	vld [tilespmem:s26+$0x4010]  }
0xa0: {  	v5 =	vld [tilespmem:s26+$0x20]  }
0xa1: {  	v54 =	vmul.f32 v11, v11;
	v11 =	vld [tilespmem:s26+$0x8C10]  }
0xa2: {  	v35 =	vmul.f32 v35, v35;
	v19 =	vsub.f32 v56, v13;
	v56 =	vld [tilespmem:s26+$0x4470];
	v14 =	vmul.f32 v14, v14  }
0xa3: {  	v15 =	vsub.f32 v4, v15;
	v4 =	vld [tilespmem:s26+$0x4430]  }
0xa4: {  	v34 =	vmul.f32 v34, v34;
	v26 =	vmul.f32 v26, v26;
	v18 =	vadd.f32 v14, v35;
	v14 =	vld [tilespmem:s26+$0x8C20]  }
0xa5: {  	v24 =	vsub.f32 v24, v31;
	v31 =	vmul.f32 v15, v15;
	v15 =	vld [tilespmem:s26+$0x8C30]  }
0xa6: {  	v25 =	vmul.f32 v25, v25;
	v26 =	vadd.f32 v26, v34;
	v34 =	vld [tilespmem:s26+$0x4C30]  }
0xa7: {  	v35 =	vld [tilespmem:s26+$0x4840]  }
0xa8: {  	v25 =	vadd.f32 v25, v54;
	v54 =	vld [tilespmem:s26+$0x4460]  }
0xa9: {  	[tilespmem:$0x1FF10] =	vst v1;
	v1 =	vld [tilespmem:s26+$0x8C50]  }
0xaa: {  	v37 =	vadd.f32 v38, v37;
	v36 =	vadd.f32 v39, v36;
	v38 =	vld [tilespmem:s26+$0x4050]  }
0xab: {  	v32 =	vmul.f32 v32, v32;
	v39 =	vadd.f32 v42, v41;
	v41 =	vadd.f32 v43, v40;
	v40 =	vld [tilespmem:s26+$0x60]  }
0xac: {  	v19 =	vmul.f32 v19, v19;
	v43 =	vld [tilespmem:s26+$0x70]  }
0xad: {  	v30 =	vmul.f32 v30, v30;
	v33 =	vmul.f32 v33, v33;
	v32 =	vadd.f32 v32, v18;
	v18 =	vld [tilespmem:s26+$0xC40]  }
0xae: {  	v55 =	vmul.f32 v12, v12;
	v24 =	vmul.f32 v24, v24;
	v25 =	vadd.f32 v19, v25;
	v19 =	vld [tilespmem:s26+$0x4C40]  }
0xaf: {  	v26 =	vadd.f32 v33, v26;
	v33 =	vld [tilespmem:s26+$0xC30]  }
0xb0: {  	v24 =	vadd.f32 v24, v55;
	v30 =	vadd.f32 v30, v25;
	v25 =	vld [tilespmem:s26+$0xC60]  }
0xb1: {  	v27 =	vadd.f32 v27, v32;
	v32 =	vld [tilespmem:s26+$0x840]  }
0xb2: {  	v28 =	vmul.f32 v28, v28;
	v26 =	vadd.f32 v53, v26;
	v53 =	vld [tilespmem:s26+$0x460];
	v24 =	vadd.f32 v31, v24  }
0xb3: {  	v22 =	vmul.f32 v22, v22;
	v55 =	vld [tilespmem:s26+$0x470];
	v27 =	vadd.f32 v29, v27  }
0xb4: {  	[tilespmem:$0x1FF20] =	vst v1;
	v1 =	vld [tilespmem:s26+$0x8C60];
	v31 =	vmul.f32 v23, v23;
	v29 =	vadd.f32 v52, v26;
	v28 =	vadd.f32 v28, v24  }
0xb5: {  	v21 =	vmul.f32 v21, v21;
	v23 =	vld [tilespmem:s26+$0xC50];
	v12 =	vadd.f32 v34, v33;
	v34 =	vadd.f32 v3, v2  }
0xb6: {  	v20 =	vmul.f32 v20, v20;
	v26 =	vld [tilespmem:s26+$0x4C60];
	v30 =	vadd.f32 v31, v30;
	v22 =	vadd.f32 v22, v28  }
0xb7: {  	v52 =	vld [tilespmem:s26+$0x4450];
	v27 =	vadd.f32 v51, v27;
	v28 =	vadd.f32 v47, v29;
	v29 =	vmul.f32 v17, v17  }
0xb8: {  	v2 =	vld [tilespmem:s26+$0x8810];
	v21 =	vadd.f32 v21, v30;
	v30 =	vmul.f32 v16, v16;
	v22 =	vadd.f32 v20, v22  }
0xb9: {  	v3 =	vld [tilespmem:s26+$0x8820];
	v27 =	vadd.f32 v45, v27;
	v28 =	vadd.f32 v46, v28  }
0xba: {  	v10 =	vmul.f32 v10, v10;
	v24 =	vld [tilespmem:s26+$0x4C50];
	v29 =	vadd.f32 v29, v21;
	v30 =	vadd.f32 v30, v22  }
0xbb: {  	v31 =	vld [tilespmem:s26+$0x4C20];
	v27 =	vadd.f32 v63, v27;
	v28 =	vadd.f32 v49, v28  }
0xbc: {  	v51 =	vld [tilespmem:s26+$0x450];
	v10 =	vadd.f32 v10, v29;
	v7 =	vadd.f32 v7, v30  }
0xbd: {  	v17 =	vld [tilespmem:s26+$0xC70]  }
0xbe: {  	v16 =	vld [tilespmem:s26+$0x4C70];
	v27 =	vadd.f32 v28, v27;
	v7 =	vadd.f32 v7, v10  }
0xbf: {  	v45 =	vld [tilespmem:s26+$0x810]  }
0xc0: {  	v47 =	vld [tilespmem:s26+$0x820];
	v7 =	vadd.f32 v7, v27  }
0xc1: {  	[tilespmem:$0x1FF30] =	vst v1;
	v1 =	vld [tilespmem:s26+$0x8C70]  }
0xc2: {  	v57 =	vperm.xlane v7, v0;
	v0 =	vld [tilespmem:$0x1FFD0]  }
0xc3: {  	v18 =	vadd.f32 v19, v18;
	v19 =	vadd.f32 v26, v25;
	v25 =	vld [tilespmem:s26+$0x4040]  }
0xc4: {  	v26 =	vld [tilespmem:s26+$0x50]  }
0xc5: {  	v20 =	vld [tilespmem:s26+$0x8840];
	v7 =	vadd.f32 v7, v57  }
0xc6: {  	v21 =	vld [tilespmem:s26+$0x8850]  }
0xc7: {  	v58 =	vperm.xlane v7, v0;
	v0 =	vld [tilespmem:$0x1FFE0]  }
0xc8: {  	v46 =	vld [tilespmem:s26+$0x4810]  }
0xc9: {  	v63 =	vld [tilespmem:s26+$0x430]  }
0xca: {  	v23 =	vadd.f32 v24, v23;
	v24 =	vld [tilespmem:s26+$0x30];
	v7 =	vadd.f32 v7, v58  }
0xcb: {  	v22 =	vld [tilespmem:s26+$0x8860]  }
0xcc: {  	v59 =	vperm.xlane v7, v0;
	v0 =	vld [tilespmem:$0x1FFF0]  }
0xcd: {  	v29 =	vld [tilespmem:s26+$0xC00]  }
0xce: {  	v49 =	vld [tilespmem:s26+$0x440]  }
0xcf: {  	v16 =	vadd.f32 v16, v17;
	v17 =	vld [tilespmem:s26+$0x4030];
	v7 =	vadd.f32 v7, v59  }
0xd0: {  	v30 =	vld [tilespmem:s26+$0x4C00]  }
0xd1: {  	v61 =	vmov s29;
	v27 =	vld [tilespmem:s26+$0xC20];
	v60 =	vperm.xlane v7, v0;
	v0 =	vlaneseq.u32  }
0xd2: {  	vm0 =	veq.s32 v61, v0;
	v0 =	vld [tilespmem:s26+$0x4020]  }
0xd3: {  	v28 =	vld [tilespmem:s26+$0x4C10];
	v7 =	vadd.f32 v7, v60  }
0xd4: {  	[tilespmem:$0x1FF40] =	vst v1;
	v1 =	vld [tilespmem:s26+$0x4000]  }
0xd5: {  	v10 =	vld [tilespmem:s26+$0xC10];
	v48 =	vsel vm0, v7, v48  }
0xd6: {  	[tilespmem:$0x1FF50] =	vst v48;
	v48 =	vld [tilespmem:s26+$0x4830]  }
0xd7: {  	v7 =	vadd.f32 v31, v27;
	v31 =	vadd.f32 v0, v5;
	v0 =	vld [tilespmem:$0x1FF10]  }
0xd8: {  	v26 =	vadd.f32 v38, v26;
	v38 =	vld [tilespmem:s26+$0x8400]  }
0xd9: {  	v4 =	vadd.f32 v4, v63;
	v63 =	vld [tilespmem:s26+$0x8440]  }
0xda: {  	v13 =	vadd.f32 v35, v32;
	v28 =	vadd.f32 v28, v10;
	v10 =	vld [tilespmem:s26+$0x40]  }
0xdb: {  	v42 =	vadd.f32 v46, v45;
	v45 =	vadd.f32 v48, v8;
	v8 =	vld [tilespmem:s26+$0x4060]  }
0xdc: {  	v35 =	vadd.f32 v1, v6;
	v6 =	vsub.f32 v18, v0;
	v0 =	vld [tilespmem:$0x1FF20]  }
0xdd: {  	v46 =	vadd.f32 v50, v49;
	v50 =	vld [tilespmem:s26+$0x4070]  }
0xde: {  	v1 =	vld [tilespmem:s26+$0x8800]  }
0xdf: {  	v57 =	vld [tilespmem:s26+$0x400]  }
0xe0: {  	v11 =	vsub.f32 v28, v11;
	v28 =	vld [tilespmem:s26+$0x8470];
	v27 =	vadd.f32 v25, v10  }
0xe1: {  	v25 =	vadd.f32 v8, v40;
	v8 =	vsub.f32 v23, v0;
	v0 =	vld [tilespmem:$0x1FF30]  }
0xe2: {  	v58 =	vld [tilespmem:s26+$0x4400]  }
0xe3: {  	v44 =	vadd.f32 v44, v47;
	v61 =	vld [tilespmem:s26+$0x420]  }
0xe4: {  	v47 =	vadd.f32 v52, v51;
	v30 =	vadd.f32 v30, v29;
	v59 =	vld [tilespmem:s26+$0x410]  }
0xe5: {  	v49 =	vadd.f32 v56, v55;
	v29 =	vadd.f32 v17, v24;
	v60 =	vld [tilespmem:s26+$0x4410]  }
0xe6: {  	v9 =	vsub.f32 v30, v9;
	v10 =	vsub.f32 v19, v0;
	v0 =	vld [tilespmem:$0x1FF40]  }
0xe7: {  	v24 =	vadd.f32 v50, v43;
	v43 =	vld [tilespmem:s26+$0x8000];
	v28 =	vsub.f32 v49, v28  }
0xe8: {  	v32 =	vadd.f32 v58, v57;
	v56 =	vadd.f32 v62, v61;
	v62 =	vld [tilespmem:s26+$0x8870]  }
0xe9: {  	v5 =	vld [tilespmem:s26+$0x8830];
	v17 =	vsub.f32 v7, v14;
	v14 =	vsub.f32 v41, v1  }
0xea: {  	v33 =	vadd.f32 v60, v59;
	v48 =	vadd.f32 v54, v53;
	v18 =	vld [tilespmem:s26+$0x8450]  }
0xeb: {  	p1 =	sne.s32 s30, $0xF;
	v23 =	vsub.f32 v44, v3;
	v19 =	vld [tilespmem:s26+$0x8460];
	v0 =	vsub.f32 v16, v0  }
.Ltmp0:
0xec: {  	v41 =	vld [tilespmem:s26+$0x8020];
	v16 =	vsub.f32 v12, v15;
	v12 =	vsub.f32 v13, v20;
	(pc) =	sbr.rel @p1 .LBB2_3-.Ltmp0, $4  }
0xed: {  	v40 =	vld [tilespmem:s26+$0x8410];
	v13 =	vsub.f32 v37, v21;
	v21 =	vsub.f32 v36, v22  }
0xee: {  	v20 =	vsub.f32 v39, v62;
	v15 =	vsub.f32 v42, v2;
	v42 =	vld [tilespmem:s26+$0x8010]  }
0xef: {  	v22 =	vsub.f32 v45, v5;
	v36 =	vsub.f32 v46, v63;
	v39 =	vld [tilespmem:s26+$0x8030]  }
0xf0: {  	s29 =	smov.u32 s30;
	s30 =	sadd.s32 $0x1, s30;
	v37 =	vsub.f32 v47, v18;
	v30 =	vsub.f32 v48, v19;
	v48 =	vld [tilespmem:$0x1FF50]  }
0xf1: {  	v1 =	vld [tilespmem:s26+$0x8040];
	v6 =	vmul.f32 v6, v6;
	v8 =	vmul.f32 v8, v8  }
0xf2: {  	v2 =	vsub.f32 v32, v38;
	v7 =	vld [tilespmem:s26+$0x8050];
	v9 =	vmul.f32 v9, v9;
	v11 =	vmul.f32 v11, v11  }
0xf3: {  	v5 =	vsub.f32 v35, v43;
	v19 =	vld [tilespmem:s26+$0x8060];
	v12 =	vmul.f32 v12, v12;
	v14 =	vmul.f32 v14, v14  }
0xf4: {  	v31 =	vsub.f32 v31, v41;
	v44 =	vld [tilespmem:s26+$0x8070];
	v15 =	vmul.f32 v15, v15;
	v46 =	vmul.f32 v36, v36  }
0xf5: {  	v45 =	vld [tilespmem:s26+$0x8420];
	v3 =	vsub.f32 v33, v40;
	v47 =	vmul.f32 v37, v37;
	v18 =	vsub.f32 v34, v42  }
0xf6: {  	v2 =	vmul.f32 v2, v2;
	v5 =	vmul.f32 v5, v5;
	v1 =	vsub.f32 v27, v1;
	v27 =	vld [tilespmem:s26+$0x8430]  }
0xf7: {  	v29 =	vsub.f32 v29, v39;
	v3 =	vmul.f32 v3, v3;
	v18 =	vmul.f32 v18, v18  }
0xf8: {  	v7 =	vsub.f32 v26, v7;
	v19 =	vsub.f32 v25, v19;
	v25 =	vmul.f32 v31, v31  }
0xf9: {  	v26 =	vmul.f32 v29, v29;
	v24 =	vsub.f32 v24, v44;
	v1 =	vmul.f32 v1, v1  }
0xfa: {  	v29 =	vsub.f32 v56, v45;
	v7 =	vmul.f32 v7, v7;
	v19 =	vmul.f32 v19, v19  }
0xfb: {  	v24 =	vmul.f32 v24, v24;
	v1 =	vadd.f32 v1, v5;
	v4 =	vsub.f32 v4, v27  }
0xfc: {  	v5 =	vadd.f32 v7, v18;
	v7 =	vmul.f32 v29, v29;
	v18 =	vadd.f32 v19, v25  }
0xfd: {  	v19 =	vadd.f32 v24, v26;
	v1 =	vadd.f32 v2, v1;
	v4 =	vmul.f32 v4, v4  }
0xfe: {  	v50 =	vmul.f32 v30, v30;
	v49 =	vadd.f32 v3, v5;
	v5 =	vadd.f32 v7, v18  }
0xff: {  	v7 =	vmul.f32 v28, v28;
	v1 =	vadd.f32 v46, v1;
	v4 =	vadd.f32 v4, v19  }
0x100: {  	v18 =	vmul.f32 v23, v23;
	v2 =	vadd.f32 v47, v49;
	v3 =	vadd.f32 v50, v5  }
0x101: {  	v5 =	vmul.f32 v22, v22;
	v1 =	vadd.f32 v14, v1;
	v4 =	vadd.f32 v7, v4  }
0x102: {  	v13 =	vmul.f32 v13, v13;
	v2 =	vadd.f32 v15, v2;
	v3 =	vadd.f32 v18, v3  }
0x103: {  	v7 =	vmul.f32 v21, v21;
	v4 =	vadd.f32 v5, v4;
	v5 =	vmul.f32 v20, v20  }
0x104: {  	v1 =	vadd.f32 v12, v1;
	v2 =	vadd.f32 v13, v2;
	v12 =	vmul.f32 v17, v17  }
0x105: {  	v3 =	vadd.f32 v7, v3;
	v4 =	vadd.f32 v5, v4;
	v5 =	vmul.f32 v16, v16  }
0x106: {  	v0 =	vmul.f32 v0, v0;
	v1 =	vadd.f32 v9, v1;
	v2 =	vadd.f32 v11, v2  }
0x107: {  	v7 =	vmul.f32 v10, v10;
	v3 =	vadd.f32 v12, v3;
	v4 =	vadd.f32 v5, v4  }
0x108: {  	v1 =	vadd.f32 v6, v1;
	v2 =	vadd.f32 v8, v2  }
0x109: {  	v3 =	vadd.f32 v7, v3;
	v0 =	vadd.f32 v0, v4  }
0x10a: {  	v51 =	vld [tilespmem:$0x1FFC0]  }
0x10b: {  	v1 =	vadd.f32 v2, v1;
	v0 =	vadd.f32 v0, v3;
	_ =	sdelay $0x1  }
0x10c: {  	v0 =	vadd.f32 v0, v1  }
0x10d: {  	v52 =	vld [tilespmem:$0x1FFD0]  }
0x10e: {  	v1 =	vperm.xlane v0, v51;
	_ =	sdelay $0x1  }
0x10f: {  	v0 =	vadd.f32 v0, v1  }
0x110: {  	v53 =	vld [tilespmem:$0x1FFE0]  }
0x111: {  	v1 =	vperm.xlane v0, v52;
	_ =	sdelay $0x1  }
0x112: {  	v0 =	vadd.f32 v0, v1  }
0x113: {  	v54 =	vld [tilespmem:$0x1FFF0]  }
0x114: {  	v1 =	vperm.xlane v0, v53;
	_ =	sdelay $0x1  }
0x115: {  	v0 =	vadd.f32 v0, v1;
	_ =	sdelay $0x1  }
0x116: {  	v1 =	vperm.xlane v0, v54;
	_ =	sdelay $0x1  }
0x117: {  	v55 =	vmov s29;
	v56 =	vlaneseq.u32;
	v0 =	vadd.f32 v0, v1  }
0x118: {  	vm0 =	veq.s32 v55, v56  }
0x119: {  	v0 =	vsel vm0, v0, v48  }
0x11a: {  	v0 =	vmax.f32 v0, $1.000000000e-30  }
0x11b: {  	v57 =	vshra.s32 v0, $0x1;
	v58 =	vmul.f32 $5.000000000e-01, v0  }
0x11c: {  	v1 =	vsub.s32 $0x5F3759DF, v57  }
0x11d: {  	v59 =	vmul.f32 v1, v58;
	_ =	sdelay $0x1  }
0x11e: {  	v3 =	vmul.f32 v1, v59;
	_ =	sdelay $0x1  }
0x11f: {  	v3 =	vsub.f32 $1.500000000e+00, v3;
	_ =	sdelay $0x1  }
0x120: {  	v1 =	vmul.f32 v1, v3;
	_ =	sdelay $0x1  }
0x121: {  	v3 =	vmul.f32 v1, v58;
	_ =	sdelay $0x1  }
0x122: {  	v3 =	vmul.f32 v3, v1;
	_ =	sdelay $0x1  }
0x123: {  	v3 =	vsub.f32 $1.500000000e+00, v3;
	_ =	sdelay $0x1  }
0x124: {  	v1 =	vmul.f32 v3, v1;
	_ =	sdelay $0x1  }
0x125: {  	v2 =	vmul.f32 v1, v58;
	_ =	sdelay $0x1  }
0x126: {  	v2 =	vmul.f32 v2, v1;
	_ =	sdelay $0x1  }
0x127: {  	v2 =	vsub.f32 $1.500000000e+00, v2;
	_ =	sdelay $0x1  }
0x128: {  	v1 =	vmul.f32 v2, v1;
	_ =	sdelay $0x1  }
0x129: {  	v0 =	vmul.f32 v1, v0  }
0x12a: {  	s0 =	sshll.u32 s25, $0x5  }
0x12b: {  	s0 =	sor.u32 s4, s0;
	v0 =	vsub.f32 $0.0e+00, v0  }
0x12c: {  	s0 =	sshrl.u32 s0, $0x3  }
0x12d: {  	s0 =	sadd.s32 s7, s0;
	[tilespmem:$0xC000] =	vst v0  }
0x12e: {  	[hbm4b:s0+s3] =	stream.linear.scatter [tilespmem:s20], [sflag:$0x3], $0x10, $0x38;
	[tilespmem:$0xC080] =	vst v63  }
0x12f: {  	_ =	swait.ge [sflag:s21], $0x10  }
0x130: {  	[sflag:s21] =	ssyncset.done $0x0  }
0x131: {  	s0 =	simm.s32 @p0 $0x0;
	s2 =	rddreg [dreg:$0x7];
	[sflag:s21] =	ssyncadd.s32 $0xFFFFFFF0  }
0x132: {  	[tilespmem:s0], [sflag:$0x1] =	stream.linear.gather @p0 [hbm4b:s2+s0], $0x2000, $0x38;
	[tilespmem:$0xC080] =	vst v63  }
0x133: {  	s5 =	rddreg [dreg:$0x8];
	s2 =	simm.s32 @p0 $0x4000  }
0x134: {  	[tilespmem:s2], [sflag:$0x1] =	stream.linear.gather @p0 [hbm4b:s5+s0], $0x2000, $0x38;
	[tilespmem:$0xC080] =	vst v63  }
0x135: {  	s2 =	simm.s32 @p0 $0x8000  }
0x136: {  	[tilespmem:s2], [sflag:$0x1] =	stream.linear.gather @p0 [hbm4b:s12+s0], $0x2000, $0x38;
	[tilespmem:$0xC080] =	vst v63  }
0x137: {  	_ =	swait.ge [sflag:s22], $0x2000  }
0x138: {  	[sflag:s22] =	ssyncset.done $0x0  }
0x139: {  	[sflag:s22] =	ssyncadd.s32 $0xFFFFE000  }
0x13a: {  	_ =	swait.ge [sflag:s22], $0x2000  }
0x13b: {  	[sflag:s22] =	ssyncset.done $0x0  }
0x13c: {  	[sflag:s22] =	ssyncadd.s32 $0xFFFFE000  }
0x13d: {  	s25 =	simm.s32 $0x0;
	_ =	swait.ge [sflag:s22], $0x2000  }
0x13e: {  	s30 =	sand.u32 $0x380, s25;
	s26 =	sand.u32 $0x1000, s25;
	[sflag:s22] =	ssyncset.done $0x0  }
0x13f: {  	s5 =	sor.u32 s30, s26;
	[sflag:s22] =	ssyncadd.s32 $0xFFFFE000  }
0x140: {  	v60 =	vld [tilespmem:s5+$0xA840]  }
0x141: {  	v61 =	vld [tilespmem:s5+$0xA850]  }
0x142: {  	v62 =	vld [tilespmem:s5+$0xA860]  }
0x143: {  	v63 =	vld [tilespmem:s5+$0xA870]  }
0x144: {  	v32 =	vld [tilespmem:s5+$0xA800]  }
0x145: {  	v33 =	vld [tilespmem:s5+$0xA810]  }
0x146: {  	v34 =	vld [tilespmem:s5+$0xA820]  }
0x147: {  	v35 =	vld [tilespmem:s5+$0xA830]  }
0x148: {  	v0 =	vld [tilespmem:s5+$0x2840]  }
0x149: {  	v1 =	vld [tilespmem:s5+$0x6840]  }
0x14a: {  	v2 =	vld [tilespmem:s5+$0x2850]  }
0x14b: {  	v3 =	vld [tilespmem:s5+$0x6850]  }
0x14c: {  	v4 =	vld [tilespmem:s5+$0x2860]  }
0x14d: {  	v13 =	vld [tilespmem:s5+$0x6860]  }
0x14e: {  	v14 =	vld [tilespmem:s5+$0x2870]  }
0x14f: {  	v15 =	vld [tilespmem:s5+$0x6870]  }
0x150: {  	v16 =	vld [tilespmem:s5+$0x2800]  }
0x151: {  	v17 =	vld [tilespmem:s5+$0x6800]  }
0x152: {  	v18 =	vld [tilespmem:s5+$0x2810]  }
0x153: {  	v19 =	vld [tilespmem:s5+$0x6810]  }
0x154: {  	v20 =	vld [tilespmem:s5+$0x2820]  }
0x155: {  	v21 =	vld [tilespmem:s5+$0x6820]  }
0x156: {  	v22 =	vld [tilespmem:s5+$0x2830]  }
0x157: {  	v23 =	vld [tilespmem:s5+$0x6830]  }
0x158: {  	v31 =	vld [tilespmem:s5+$0xA000]  }
0x159: {  	v38 =	vld [tilespmem:s5+$0xA010]  }
0x15a: {  	v40 =	vld [tilespmem:s5+$0xA020]  }
0x15b: {  	v24 =	vld [tilespmem:s5+$0x2000]  }
0x15c: {  	v25 =	vld [tilespmem:s5+$0x6000]  }
0x15d: {  	v26 =	vld [tilespmem:s5+$0x2010]  }
0x15e: {  	v27 =	vld [tilespmem:s5+$0x6010]  }
0x15f: {  	v28 =	vld [tilespmem:s5+$0x2020]  }
0x160: {  	v29 =	vld [tilespmem:s5+$0x6020]  }
0x161: {  	v30 =	vld [tilespmem:s5+$0x2030]  }
0x162: {  	v36 =	vld [tilespmem:s5+$0x6050]  }
0x163: {  	v37 =	vld [tilespmem:s5+$0x2060]  }
0x164: {  	s23 =	sand.u32 $0xFFFFF000, s25;
	v39 =	vld [tilespmem:s5+$0x6060]  }
0x165: {  	s8 =	sadd.s32 $0x0, s23;
	v41 =	vld [tilespmem:s5+$0x2070]  }
0x166: {  	s11 =	sor.u32 $0x2C40, s8;
	v42 =	vld [tilespmem:s5+$0x6070]  }
0x167: {  	v43 =	vld [tilespmem:s11+$0x0]  }
0x168: {  	s13 =	sor.u32 $0x2C50, s8;
	v44 =	vld [tilespmem:s11+$0x4000]  }
0x169: {  	v45 =	vld [tilespmem:s13+$0x0]  }
0x16a: {  	s16 =	sor.u32 $0x2C60, s8;
	v46 =	vld [tilespmem:s13+$0x4000]  }
0x16b: {  	v47 =	vld [tilespmem:s16+$0x0]  }
0x16c: {  	s17 =	sor.u32 $0x2C70, s8;
	v48 =	vld [tilespmem:s16+$0x4000]  }
0x16d: {  	v49 =	vld [tilespmem:s17+$0x0]  }
0x16e: {  	s10 =	sor.u32 $0x2C00, s8;
	v50 =	vld [tilespmem:s17+$0x4000]  }
0x16f: {  	s23 =	sor.u32 $0x2C20, s8;
	v51 =	vld [tilespmem:s10+$0x0]  }
0x170: {  	v55 =	vld [tilespmem:s23+$0x0]  }
0x171: {  	v56 =	vld [tilespmem:s23+$0x4000]  }
0x172: {  	s2 =	sor.u32 $0x2470, s8;
	[tilespmem:$0x1FF00] =	vst v35;
	v35 =	vld [tilespmem:s5+$0x2050]  }
0x173: {  	v10 =	vadd.f32 v13, v4;
	v13 =	vld [tilespmem:s2+$0x0]  }
0x174: {  	s18 =	sor.u32 $0x2C10, s8;
	v9 =	vadd.f32 v15, v14;
	v14 =	vadd.f32 v17, v16;
	v16 =	vld [tilespmem:s2+$0x4000]  }
0x175: {  	v53 =	vld [tilespmem:s18+$0x0]  }
0x176: {  	s15 =	sor.u32 $0x2420, s8;
	v54 =	vld [tilespmem:s18+$0x4000]  }
0x177: {  	v11 =	vadd.f32 v1, v0;
	v0 =	vadd.f32 v39, v37;
	v37 =	vld [tilespmem:s15+$0x4000]  }
0x178: {  	[tilespmem:$0x1FE90] =	vst v60;
	v7 =	vadd.f32 v27, v26;
	v4 =	vadd.f32 v36, v35;
	v36 =	vld [tilespmem:s15+$0x0]  }
0x179: {  	v27 =	vadd.f32 v56, v55;
	v55 =	vadd.f32 v16, v13;
	v13 =	vld [tilespmem:$0x1FE90]  }
0x17a: {  	s9 =	sor.u32 $0x2C30, s8;
	v52 =	vld [tilespmem:s10+$0x4000]  }
0x17b: {  	v57 =	vld [tilespmem:s9+$0x0]  }
0x17c: {  	s30 =	sor.u32 $0x2440, s8;
	v58 =	vld [tilespmem:s9+$0x4000]  }
0x17d: {  	v59 =	vld [tilespmem:s30+$0x0];
	[tilespmem:$0x1FEA0] =	vst v61;
	v5 =	vadd.f32 v29, v28;
	v29 =	vadd.f32 v54, v53  }
0x17e: {  	v53 =	vadd.f32 v37, v36;
	v36 =	vsub.f32 v11, v13;
	v11 =	vld [tilespmem:$0x1FEA0]  }
0x17f: {  	[tilespmem:$0x1FED0] =	vst v32;
	v32 =	vld [tilespmem:s5+$0x6030]  }
0x180: {  	[tilespmem:$0x1FEE0] =	vst v33;
	v33 =	vld [tilespmem:s5+$0x2040]  }
0x181: {  	[tilespmem:$0x1FEF0] =	vst v34;
	v34 =	vld [tilespmem:s5+$0x6040];
	v12 =	vadd.f32 v3, v2  }
0x182: {  	[tilespmem:$0x1FEB0] =	vst v62;
	v60 =	vld [tilespmem:s30+$0x4000]  }
0x183: {  	s6 =	sor.u32 $0x2450, s8;
	v37 =	vsub.f32 v12, v11;
	v11 =	vld [tilespmem:$0x1FEB0]  }
0x184: {  	v61 =	vld [tilespmem:s6+$0x0]  }
0x185: {  	s31 =	sor.u32 $0x2460, s8;
	v62 =	vld [tilespmem:s6+$0x4000]  }
0x186: {  	[tilespmem:$0x1FEC0] =	vst v63;
	v63 =	vld [tilespmem:s31+$0x0]  }
0x187: {  	v2 =	vld [tilespmem:s31+$0x4000]  }
0x188: {  	s0 =	sor.u32 $0x2400, s8;
	v3 =	vadd.f32 v34, v33;
	v34 =	vsub.f32 v10, v11;
	v10 =	vld [tilespmem:$0x1FEC0]  }
0x189: {  	v17 =	vld [tilespmem:s0+$0x0]  }
0x18a: {  	s14 =	sor.u32 $0x2410, s8;
	v15 =	vadd.f32 v19, v18;
	v18 =	vld [tilespmem:s0+$0x4000]  }
0x18b: {  	s8 =	sor.u32 $0x2430, s8;
	v19 =	vld [tilespmem:s14+$0x0]  }
0x18c: {  	v39 =	vld [tilespmem:s8+$0x0]  }
0x18d: {  	v35 =	vsub.f32 v9, v10;
	v9 =	vld [tilespmem:$0x1FED0]  }
0x18e: {  	v41 =	vadd.f32 v42, v41;
	v42 =	vadd.f32 v44, v43;
	v43 =	vld [tilespmem:s8+$0x4000]  }
0x18f: {  	v8 =	vadd.f32 v25, v24;
	v25 =	vadd.f32 v58, v57;
	v57 =	vld [tilespmem:s5+$0xA030]  }
0x190: {  	v58 =	vld [tilespmem:s5+$0xA040]  }
0x191: {  	v1 =	vadd.f32 v32, v30;
	v30 =	vld [tilespmem:s14+$0x4000]  }
0x192: {  	v32 =	vsub.f32 v14, v9;
	v9 =	vld [tilespmem:$0x1FEE0]  }
0x193: {  	v26 =	vadd.f32 v60, v59;
	v59 =	vld [tilespmem:s5+$0xA050]  }
0x194: {  	v16 =	vld [tilespmem:s5+$0xA060]  }
0x195: {  	v6 =	vadd.f32 v21, v20;
	v22 =	vadd.f32 v23, v22;
	v60 =	vld [tilespmem:s5+$0xA070]  }
0x196: {  	v44 =	vadd.f32 v46, v45;
	v24 =	vadd.f32 v62, v61;
	v61 =	vld [tilespmem:s11+$0x8000]  }
0x197: {  	v45 =	vadd.f32 v48, v47;
	v33 =	vsub.f32 v15, v9;
	v9 =	vld [tilespmem:$0x1FEF0]  }
0x198: {  	v46 =	vadd.f32 v50, v49;
	v28 =	vadd.f32 v52, v51;
	v62 =	vld [tilespmem:s13+$0x8000]  }
0x199: {  	v23 =	vadd.f32 v2, v63;
	v54 =	vadd.f32 v18, v17;
	v63 =	vld [tilespmem:s16+$0x8000]  }
0x19a: {  	v17 =	vadd.f32 v43, v39;
	v18 =	vadd.f32 v30, v19;
	v14 =	vld [tilespmem:s17+$0x8000]  }
0x19b: {  	v39 =	vld [tilespmem:s10+$0x8000];
	v13 =	vsub.f32 v8, v31;
	v31 =	vsub.f32 v7, v38  }
0x19c: {  	v7 =	vsub.f32 v5, v40;
	v30 =	vsub.f32 v6, v9;
	v6 =	vld [tilespmem:$0x1FF00]  }
0x19d: {  	v43 =	vld [tilespmem:s18+$0x8000];
	v8 =	vsub.f32 v3, v58;
	v12 =	vsub.f32 v1, v57  }
0x19e: {  	v40 =	vld [tilespmem:s23+$0x8000];
	v11 =	vsub.f32 v4, v59;
	v10 =	vsub.f32 v41, v60  }
0x19f: {  	v38 =	vld [tilespmem:s6+$0x8000];
	v15 =	vsub.f32 v45, v63;
	v14 =	vsub.f32 v46, v14  }
0x1a0: {  	v41 =	vld [tilespmem:s9+$0x8000];
	v9 =	vsub.f32 v0, v16;
	v16 =	vsub.f32 v44, v62  }
0x1a1: {  	s28 =	simm.s32 $0x1;
	s29 =	simm.s32 $0x0;
	s26 =	simm.s32 $0x0;
	v44 =	vimm.f32 $0.0e+00;
	v6 =	vsub.f32 v22, v6;
	v22 =	vsub.f32 v42, v61;
	v42 =	vld [tilespmem:s30+$0x8000]  }
.LBB2_5:
0x1a2: {  	v0 =	vld [tilespmem:s31+$0x8000]  }
0x1a3: {  	v3 =	vld [tilespmem:s2+$0x8000]  }
0x1a4: {  	v63 =	vld [tilespmem:s14+$0x8000]  }
0x1a5: {  	v45 =	vld [tilespmem:s15+$0x8000]  }
0x1a6: {  	s25 =	sadd.s32 $0x80, s25;
	s29 =	sadd.s32 $0x200, s29;
	v47 =	vld [tilespmem:s8+$0x8000]  }
0x1a7: {  	v51 =	vld [tilespmem:$0x1FFC0];
	s17 =	sand.u32 $0x1000, s29;
	s18 =	sand.u32 $0x380, s25;
	v13 =	vmul.f32 v13, v13  }
0x1a8: {  	v52 =	vld [tilespmem:$0x1FFD0];
	v48 =	vmul.f32 v12, v12;
	v12 =	vmul.f32 v8, v8;
	s30 =	sor.u32 s18, s17  }
0x1a9: {  	v5 =	vld [tilespmem:s30+$0xA840]  }
0x1aa: {  	v50 =	vadd.f32 v12, v13;
	v12 =	vld [tilespmem:s30+$0xA820]  }
0x1ab: {  	v13 =	vld [tilespmem:s30+$0xA830]  }
0x1ac: {  	v20 =	vmul.f32 v9, v9;
	v9 =	vld [tilespmem:s30+$0x6820]  }
0x1ad: {  	v8 =	vld [tilespmem:s30+$0x2830]  }
0x1ae: {  	v4 =	vmul.f32 v36, v36;
	v36 =	vld [tilespmem:s30+$0x2030]  }
0x1af: {  	v46 =	vmul.f32 v6, v6;
	v6 =	vld [tilespmem:s30+$0x2070]  }
0x1b0: {  	v2 =	vsub.f32 v29, v43;
	v29 =	vld [tilespmem:s0+$0x8000]  }
0x1b1: {  	v1 =	vsub.f32 v28, v39;
	v28 =	vmul.f32 v37, v37;
	v37 =	vld [tilespmem:s30+$0x6030]  }
0x1b2: {  	v24 =	vsub.f32 v24, v38;
	v38 =	vld [tilespmem:s30+$0x6040]  }
0x1b3: {  	v27 =	vsub.f32 v27, v40;
	v40 =	vld [tilespmem:s30+$0x2050]  }
0x1b4: {  	v25 =	vsub.f32 v25, v41;
	v41 =	vld [tilespmem:s30+$0x6050]  }
0x1b5: {  	s23 =	sand.u32 $0xFFFFF000, s29;
	v26 =	vsub.f32 v26, v42;
	v42 =	vld [tilespmem:s30+$0x2060]  }
0x1b6: {  	s8 =	sadd.s32 s23, s25;
	v39 =	vld [tilespmem:s30+$0x6060]  }
0x1b7: {  	v57 =	vmov s26;
	v58 =	vlaneseq.u32;
	s18 =	sor.u32 $0x2C20, s8;
	v43 =	vld [tilespmem:s30+$0x6070]  }
0x1b8: {  	vm0 =	veq.s32 v57, v58;
	s5 =	sor.u32 $0x2C30, s8;
	v57 =	vld [tilespmem:s18+$0x4000]  }
0x1b9: {  	v58 =	vld [tilespmem:s5+$0x0]  }
0x1ba: {  	s10 =	sor.u32 $0x2440, s8;
	v59 =	vld [tilespmem:s5+$0x4000]  }
0x1bb: {  	v60 =	vld [tilespmem:s10+$0x0]  }
0x1bc: {  	s11 =	sor.u32 $0x2450, s8;
	v61 =	vld [tilespmem:s10+$0x4000]  }
0x1bd: {  	v62 =	vld [tilespmem:s11+$0x0]  }
0x1be: {  	v0 =	vsub.f32 v23, v0;
	v23 =	vmul.f32 v7, v7;
	v7 =	vld [tilespmem:s30+$0x6830]  }
0x1bf: {  	v19 =	vsub.f32 v53, v45;
	v53 =	vld [tilespmem:$0x1FFE0]  }
0x1c0: {  	s9 =	sor.u32 $0x2C40, s8;
	v3 =	vsub.f32 v55, v3;
	v55 =	vld [tilespmem:$0x1FFF0]  }
0x1c1: {  	v31 =	vmul.f32 v31, v31;
	v21 =	vmul.f32 v11, v11;
	s13 =	sor.u32 $0x2C50, s8;
	v18 =	vsub.f32 v18, v63;
	v45 =	vld [tilespmem:s9+$0x4000]  }
0x1c2: {  	v17 =	vsub.f32 v17, v47;
	v47 =	vld [tilespmem:s13+$0x4000]  }
0x1c3: {  	v21 =	vadd.f32 v21, v31;
	v63 =	vld [tilespmem:s11+$0x4000];
	v18 =	vmul.f32 v18, v18  }
0x1c4: {  	v19 =	vmul.f32 v19, v19;
	v20 =	vadd.f32 v20, v23;
	[tilespmem:$0x1FE40] =	vst v5;
	v5 =	vld [tilespmem:s30+$0xA850]  }
0x1c5: {  	v21 =	vadd.f32 v18, v21;
	v18 =	vld [tilespmem:s30+$0x6840]  }
0x1c6: {  	v20 =	vadd.f32 v19, v20;
	v19 =	vld [tilespmem:s30+$0x2850]  }
0x1c7: {  	s15 =	sor.u32 $0x2420, s8;
	v11 =	vsub.f32 v54, v29;
	v29 =	vmul.f32 v10, v10;
	v10 =	vld [tilespmem:s30+$0xA000];
	v40 =	vadd.f32 v41, v40  }
0x1c8: {  	v41 =	vadd.f32 v39, v42;
	v42 =	vadd.f32 v43, v6;
	v6 =	vld [tilespmem:s15+$0x0]  }
0x1c9: {  	s23 =	sor.u32 $0x2C00, s8;
	v43 =	vld [tilespmem:s30+$0xA030]  }
0x1ca: {  	v39 =	vld [tilespmem:s23+$0x8000]  }
0x1cb: {  	v0 =	vmul.f32 v0, v0;
	v49 =	vmul.f32 v11, v11;
	v11 =	vld [tilespmem:s30+$0xA810]  }
0x1cc: {  	v24 =	vmul.f32 v24, v24;
	v23 =	vadd.f32 v29, v48;
	v29 =	vmul.f32 v17, v17;
	v17 =	vld [tilespmem:s30+$0x2840]  }
0x1cd: {  	v34 =	vmul.f32 v34, v34;
	v33 =	vmul.f32 v33, v33;
	s6 =	sor.u32 $0x2C60, s8;
	v0 =	vadd.f32 v0, v20;
	v20 =	vld [tilespmem:s30+$0x6850]  }
0x1ce: {  	v26 =	vmul.f32 v26, v26;
	v21 =	vadd.f32 v24, v21;
	v48 =	vld [tilespmem:s6+$0x0];
	v31 =	vadd.f32 v49, v50  }
0x1cf: {  	v32 =	vmul.f32 v32, v32;
	v3 =	vmul.f32 v3, v3;
	[tilespmem:$0x1FE50] =	vst v5;
	v5 =	vld [tilespmem:s30+$0xA860];
	v23 =	vadd.f32 v29, v23  }
0x1d0: {  	v30 =	vmul.f32 v30, v30;
	v24 =	vadd.f32 v33, v21;
	v21 =	vld [tilespmem:s30+$0x2860];
	v26 =	vadd.f32 v26, v31  }
0x1d1: {  	v35 =	vmul.f32 v35, v35;
	v29 =	vmul.f32 v22, v22;
	v22 =	vld [tilespmem:s30+$0x6860];
	v3 =	vadd.f32 v3, v23  }
0x1d2: {  	v16 =	vmul.f32 v16, v16;
	v0 =	vadd.f32 v30, v0;
	v30 =	vld [tilespmem:s30+$0x6000];
	v23 =	vadd.f32 v32, v26  }
0x1d3: {  	v1 =	vmul.f32 v1, v1;
	v2 =	vmul.f32 v2, v2;
	v33 =	vld [tilespmem:s30+$0x6010];
	v3 =	vadd.f32 v46, v3  }
0x1d4: {  	s16 =	sor.u32 $0x2C70, s8;
	v27 =	vmul.f32 v27, v27;
	v49 =	vld [tilespmem:s6+$0x4000];
	v26 =	vadd.f32 v28, v24;
	v4 =	vadd.f32 v4, v23  }
0x1d5: {  	v50 =	vld [tilespmem:s16+$0x0];
	v0 =	vadd.f32 v34, v0;
	v28 =	vmul.f32 v25, v25;
	v3 =	vadd.f32 v35, v3  }
0x1d6: {  	v14 =	vmul.f32 v14, v14;
	v34 =	vld [tilespmem:s30+$0x6020];
	v2 =	vadd.f32 v2, v26;
	v1 =	vadd.f32 v1, v4  }
0x1d7: {  	v24 =	vld [tilespmem:s30+$0x6870];
	v0 =	vadd.f32 v27, v0;
	v4 =	vmul.f32 v15, v15;
	v3 =	vadd.f32 v28, v3  }
0x1d8: {  	v25 =	vld [tilespmem:s30+$0x2800];
	v2 =	vadd.f32 v16, v2;
	v1 =	vadd.f32 v29, v1  }
0x1d9: {  	v27 =	vld [tilespmem:s30+$0x2810];
	v0 =	vadd.f32 v4, v0;
	v3 =	vadd.f32 v14, v3  }
0x1da: {  	s2 =	sor.u32 $0x2470, s8;
	v46 =	vld [tilespmem:s13+$0x0];
	v32 =	vadd.f32 v18, v17  }
0x1db: {  	v17 =	vld [tilespmem:s2+$0x0];
	v1 =	vadd.f32 v2, v1;
	v0 =	vadd.f32 v3, v0  }
0x1dc: {  	v18 =	vld [tilespmem:s2+$0x4000]  }
0x1dd: {  	s0 =	sor.u32 $0x2400, s8;
	[tilespmem:$0x1FE60] =	vst v5;
	v5 =	vld [tilespmem:s30+$0xA870];
	v0 =	vadd.f32 v0, v1  }
0x1de: {  	v22 =	vadd.f32 v22, v21;
	v21 =	vld [tilespmem:s0+$0x0]  }
0x1df: {  	v35 =	vld [tilespmem:s30+$0x2040];
	v4 =	vperm.xlane v0, v51  }
0x1e0: {  	v28 =	vld [tilespmem:s30+$0x2820]  }
0x1e1: {  	v1 =	vld [tilespmem:s30+$0x2010];
	v0 =	vadd.f32 v0, v4  }
0x1e2: {  	v4 =	vld [tilespmem:s30+$0x2000]  }
0x1e3: {  	v2 =	vld [tilespmem:s30+$0x2020];
	v31 =	vperm.xlane v0, v52  }
0x1e4: {  	v29 =	vld [tilespmem:s30+$0x6810]  }
0x1e5: {  	v38 =	vadd.f32 v38, v35;
	v35 =	vld [tilespmem:s15+$0x4000];
	v0 =	vadd.f32 v0, v31  }
0x1e6: {  	s17 =	sor.u32 $0x2C10, s8;
	v7 =	vadd.f32 v7, v8;
	v52 =	vld [tilespmem:s23+$0x0]  }
0x1e7: {  	s31 =	sor.u32 $0x2460, s8;
	s14 =	sor.u32 $0x2410, s8;
	s8 =	sor.u32 $0x2430, s8;
	v8 =	vadd.f32 v30, v4;
	v4 =	vadd.f32 v33, v1;
	v54 =	vperm.xlane v0, v53;
	v53 =	vld [tilespmem:s23+$0x4000]  }
0x1e8: {  	v1 =	vadd.f32 v34, v2;
	v2 =	vadd.f32 v37, v36;
	v36 =	vld [tilespmem:s8+$0x0]  }
0x1e9: {  	v37 =	vld [tilespmem:s8+$0x4000];
	v0 =	vadd.f32 v0, v54  }
0x1ea: {  	v54 =	vld [tilespmem:s17+$0x0]  }
0x1eb: {  	v9 =	vadd.f32 v9, v28;
	v56 =	vperm.xlane v0, v55;
	v55 =	vld [tilespmem:s17+$0x4000]  }
0x1ec: {  	v28 =	vadd.f32 v53, v52;
	v53 =	vadd.f32 v35, v6;
	v6 =	vld [tilespmem:$0x1FE40]  }
0x1ed: {  	v23 =	vld [tilespmem:s30+$0x2870]  }
0x1ee: {  	v26 =	vld [tilespmem:s30+$0x6800]  }
0x1ef: {  	v16 =	vld [tilespmem:s30+$0xA010];
	v31 =	vadd.f32 v20, v19;
	v20 =	vadd.f32 v29, v27  }
0x1f0: {  	v15 =	vld [tilespmem:s30+$0xA020];
	v29 =	vadd.f32 v55, v54;
	v55 =	vadd.f32 v18, v17  }
0x1f1: {  	v17 =	vadd.f32 v37, v36;
	v36 =	vsub.f32 v32, v6;
	v6 =	vld [tilespmem:$0x1FE50]  }
0x1f2: {  	[tilespmem:$0x1FE70] =	vst v5;
	v5 =	vld [tilespmem:s30+$0xA800]  }
0x1f3: {  	v3 =	vadd.f32 v24, v23;
	v24 =	vadd.f32 v63, v62;
	v62 =	vld [tilespmem:s30+$0xA060]  }
0x1f4: {  	v33 =	vld [tilespmem:s14+$0x0]  }
0x1f5: {  	v34 =	vld [tilespmem:s14+$0x4000]  }
0x1f6: {  	v37 =	vsub.f32 v31, v6;
	v6 =	vld [tilespmem:$0x1FE60]  }
0x1f7: {  	v63 =	vld [tilespmem:s13+$0x8000]  }
0x1f8: {  	[tilespmem:$0x1FE80] =	vst v5;
	v5 =	vld [tilespmem:s31+$0x0]  }
0x1f9: {  	v51 =	vld [tilespmem:s16+$0x4000]  }
0x1fa: {  	v19 =	vadd.f32 v26, v25;
	v30 =	vld [tilespmem:s0+$0x4000]  }
0x1fb: {  	v18 =	vadd.f32 v34, v33;
	v34 =	vsub.f32 v22, v6;
	v6 =	vld [tilespmem:$0x1FE70]  }
0x1fc: {  	v26 =	vadd.f32 v61, v60;
	v61 =	vld [tilespmem:s30+$0xA050];
	v0 =	vadd.f32 v0, v56  }
0x1fd: {  	v56 =	vld [tilespmem:s18+$0x0]  }
0x1fe: {  	v25 =	vadd.f32 v59, v58;
	v14 =	vsel vm0, v0, v44;
	v44 =	vld [tilespmem:s9+$0x0]  }
0x1ff: {  	v0 =	vld [tilespmem:s31+$0x4000];
	v54 =	vadd.f32 v30, v21;
	v33 =	vsub.f32 v20, v11  }
0x200: {  	v30 =	vsub.f32 v9, v12;
	v35 =	vsub.f32 v3, v6;
	v6 =	vld [tilespmem:$0x1FE80]  }
0x201: {  	v21 =	vld [tilespmem:s9+$0x8000];
	v12 =	vsub.f32 v2, v43;
	v11 =	vsub.f32 v40, v61  }
0x202: {  	v20 =	vld [tilespmem:s16+$0x8000];
	v9 =	vsub.f32 v41, v62;
	v27 =	vadd.f32 v57, v56  }
0x203: {  	v59 =	vld [tilespmem:s30+$0xA040];
	v44 =	vadd.f32 v45, v44;
	v45 =	vadd.f32 v47, v46  }
0x204: {  	v46 =	vadd.f32 v49, v48;
	v23 =	vadd.f32 v0, v5;
	v5 =	vld [tilespmem:s30+$0xA070]  }
0x205: {  	p1 =	sne.s32 s28, $0xF;
	v47 =	vadd.f32 v51, v50;
	v32 =	vsub.f32 v19, v6;
	v19 =	vld [tilespmem:s6+$0x8000]  }
.Ltmp1:
0x206: {  	v43 =	vld [tilespmem:s17+$0x8000];
	v31 =	vsub.f32 v4, v16;
	v16 =	vsub.f32 v45, v63;
	(pc) =	sbr.rel @p1 .LBB2_5-.Ltmp1, $4  }
0x207: {  	v40 =	vld [tilespmem:s18+$0x8000];
	v22 =	vsub.f32 v44, v21;
	v44 =	vmov v14;
	v14 =	vsub.f32 v47, v20  }
0x208: {  	v41 =	vld [tilespmem:s5+$0x8000];
	v6 =	vsub.f32 v7, v13;
	v13 =	vsub.f32 v8, v10  }
0x209: {  	v7 =	vsub.f32 v1, v15;
	v10 =	vsub.f32 v42, v5;
	v42 =	vld [tilespmem:s10+$0x8000]  }
0x20a: {  	s26 =	smov.u32 s28;
	s28 =	sadd.s32 $0x1, s28;
	v8 =	vsub.f32 v38, v59;
	v38 =	vld [tilespmem:s11+$0x8000];
	v15 =	vsub.f32 v46, v19  }
0x20b: {  	v4 =	vmul.f32 v36, v36  }
0x20c: {  	v5 =	vmul.f32 v37, v37;
	v21 =	vmul.f32 v34, v34  }
0x20d: {  	v63 =	vmul.f32 v35, v35;
	v37 =	vmul.f32 v32, v32  }
0x20e: {  	v1 =	vsub.f32 v28, v39;
	v20 =	vld [tilespmem:s0+$0x8000];
	v39 =	vmul.f32 v33, v33;
	v13 =	vmul.f32 v13, v13  }
0x20f: {  	v2 =	vsub.f32 v29, v43;
	v36 =	vld [tilespmem:s14+$0x8000];
	v31 =	vmul.f32 v31, v31;
	v7 =	vmul.f32 v7, v7  }
0x210: {  	v11 =	vmul.f32 v11, v11;
	v9 =	vmul.f32 v9, v9;
	v19 =	vsub.f32 v27, v40;
	v40 =	vld [tilespmem:s15+$0x8000]  }
0x211: {  	v12 =	vmul.f32 v12, v12;
	v10 =	vmul.f32 v10, v10;
	v25 =	vsub.f32 v25, v41;
	v41 =	vld [tilespmem:s8+$0x8000]  }
0x212: {  	v0 =	vld [tilespmem:s31+$0x8000];
	v8 =	vmul.f32 v8, v8;
	v11 =	vadd.f32 v11, v31;
	v7 =	vadd.f32 v9, v7  }
0x213: {  	v3 =	vld [tilespmem:s2+$0x8000];
	v30 =	vmul.f32 v30, v30;
	v45 =	vadd.f32 v10, v12;
	v26 =	vsub.f32 v26, v42  }
0x214: {  	v6 =	vmul.f32 v6, v6;
	v8 =	vadd.f32 v8, v13;
	v24 =	vsub.f32 v24, v38  }
0x215: {  	v20 =	vsub.f32 v54, v20;
	v18 =	vsub.f32 v18, v36;
	v26 =	vmul.f32 v26, v26  }
0x216: {  	v42 =	vsub.f32 v53, v40;
	v24 =	vmul.f32 v24, v24;
	v17 =	vsub.f32 v17, v41  }
0x217: {  	v0 =	vsub.f32 v23, v0;
	v20 =	vmul.f32 v20, v20;
	v18 =	vmul.f32 v18, v18  }
0x218: {  	v3 =	vsub.f32 v55, v3;
	v43 =	vmul.f32 v42, v42;
	v46 =	vmul.f32 v17, v17  }
0x219: {  	v0 =	vmul.f32 v0, v0;
	v8 =	vadd.f32 v20, v8;
	v11 =	vadd.f32 v18, v11  }
0x21a: {  	v3 =	vmul.f32 v3, v3;
	v7 =	vadd.f32 v43, v7;
	v9 =	vadd.f32 v46, v45  }
0x21b: {  	v48 =	vmul.f32 v22, v22;
	v8 =	vadd.f32 v26, v8;
	v47 =	vadd.f32 v24, v11  }
0x21c: {  	v49 =	vmul.f32 v16, v16;
	v0 =	vadd.f32 v0, v7;
	v3 =	vadd.f32 v3, v9  }
0x21d: {  	v1 =	vmul.f32 v1, v1;
	v8 =	vadd.f32 v37, v8;
	v50 =	vadd.f32 v39, v47  }
0x21e: {  	v2 =	vmul.f32 v2, v2;
	v0 =	vadd.f32 v30, v0;
	v3 =	vadd.f32 v6, v3  }
0x21f: {  	v51 =	vmul.f32 v19, v19;
	v4 =	vadd.f32 v4, v8;
	v5 =	vadd.f32 v5, v50  }
0x220: {  	v52 =	vmul.f32 v25, v25;
	v0 =	vadd.f32 v21, v0;
	v3 =	vadd.f32 v63, v3  }
0x221: {  	v54 =	vmul.f32 v14, v14;
	v1 =	vadd.f32 v1, v4;
	v2 =	vadd.f32 v2, v5  }
0x222: {  	v53 =	vmul.f32 v15, v15;
	v0 =	vadd.f32 v51, v0;
	v3 =	vadd.f32 v52, v3  }
0x223: {  	v1 =	vadd.f32 v48, v1;
	v2 =	vadd.f32 v49, v2  }
0x224: {  	v0 =	vadd.f32 v53, v0;
	v3 =	vadd.f32 v54, v3  }
0x225: {  	v55 =	vld [tilespmem:$0x1FFC0]  }
0x226: {  	v1 =	vadd.f32 v2, v1;
	v0 =	vadd.f32 v3, v0;
	_ =	sdelay $0x1  }
0x227: {  	v0 =	vadd.f32 v0, v1  }
0x228: {  	v56 =	vld [tilespmem:$0x1FFD0]  }
0x229: {  	v1 =	vperm.xlane v0, v55;
	_ =	sdelay $0x1  }
0x22a: {  	v0 =	vadd.f32 v0, v1  }
0x22b: {  	v57 =	vld [tilespmem:$0x1FFE0]  }
0x22c: {  	v1 =	vperm.xlane v0, v56;
	_ =	sdelay $0x1  }
0x22d: {  	v0 =	vadd.f32 v0, v1  }
0x22e: {  	v58 =	vld [tilespmem:$0x1FFF0]  }
0x22f: {  	v1 =	vperm.xlane v0, v57;
	_ =	sdelay $0x1  }
0x230: {  	v0 =	vadd.f32 v0, v1;
	_ =	sdelay $0x1  }
0x231: {  	v1 =	vperm.xlane v0, v58;
	_ =	sdelay $0x1  }
0x232: {  	v59 =	vmov s26;
	v60 =	vlaneseq.u32;
	v0 =	vadd.f32 v0, v1  }
0x233: {  	vm0 =	veq.s32 v59, v60  }
0x234: {  	v0 =	vsel vm0, v0, v44  }
0x235: {  	v0 =	vmax.f32 v0, $1.000000000e-30  }
0x236: {  	v61 =	vshra.s32 v0, $0x1;
	v62 =	vmul.f32 $5.000000000e-01, v0  }
0x237: {  	v1 =	vsub.s32 $0x5F3759DF, v61  }
0x238: {  	v63 =	vmul.f32 v1, v62;
	_ =	sdelay $0x1  }
0x239: {  	v3 =	vmul.f32 v1, v63;
	_ =	sdelay $0x1  }
0x23a: {  	v3 =	vsub.f32 $1.500000000e+00, v3;
	_ =	sdelay $0x1  }
0x23b: {  	v1 =	vmul.f32 v1, v3;
	_ =	sdelay $0x1  }
0x23c: {  	v3 =	vmul.f32 v1, v62;
	_ =	sdelay $0x1  }
0x23d: {  	v3 =	vmul.f32 v3, v1;
	_ =	sdelay $0x1  }
0x23e: {  	v3 =	vsub.f32 $1.500000000e+00, v3;
	_ =	sdelay $0x1  }
0x23f: {  	v1 =	vmul.f32 v3, v1;
	_ =	sdelay $0x1  }
0x240: {  	v2 =	vmul.f32 v1, v62;
	_ =	sdelay $0x1  }
0x241: {  	v2 =	vmul.f32 v2, v1;
	_ =	sdelay $0x1  }
0x242: {  	v2 =	vsub.f32 $1.500000000e+00, v2;
	_ =	sdelay $0x1  }
0x243: {  	v1 =	vmul.f32 v2, v1;
	_ =	sdelay $0x1  }
0x244: {  	v0 =	vmul.f32 v1, v0  }
0x245: {  	s31 =	sshll.u32 s24, $0x4  }
0x246: {  	s0 =	sor.u32 s4, s31;
	v0 =	vsub.f32 $0.0e+00, v0  }
0x247: {  	s0 =	sshrl.u32 s0, $0x3  }
.Ltmp2:
0x248: {  	s0 =	sadd.s32 s7, s0;
	[tilespmem:$0xC000] =	vst v0;
	(pc) =	sbr.rel @p0 .LBB2_2-.Ltmp2, $4  }
0x249: {  	[hbm4b:s0+s3] =	stream.linear.scatter [tilespmem:s20], [sflag:$0x3], $0x10, $0x38;
	[tilespmem:$0xC080] =	vst v63  }
0x24a: {  	_ =	swait.ge [sflag:s21], $0x10  }
0x24b: {  	[sflag:s21] =	ssyncset.done $0x0  }
0x24c: {  	s25 =	simm.s32 $0x1;
	p1 =	por $0x0, $0x0;
	[sflag:s21] =	ssyncadd.s32 $0xFFFFFFF0  }
0x24d: {  	s2 =	rddreg [dreg:$0xa]  }
0x24e: {  	s0 =	rddreg [dreg:$0x9];
	s2 =	sadd.s32 $0x1, s2  }
0x24f: {  	p0 =	sne.s32 s2, s0  }
.Ltmp3:
0x250: {  	_ = 	snop;
	(pc) =	sbr.rel @p0 .LBB2_1-.Ltmp3, $1  }
0x251: {  	_ =	sdelay $0x3  }
0x252: {  	_ =	sfence.sel $0x180000  }
0x253: {  	[bflag:$0x0] =	sbarrier.arrive $0xFFFF  }
0x254: {  	_ =	strace $0x90000047  }
0x255: {  	s0 =	stileid.u32;
	[bflag:$0x2] =	sbarrier.arrive $0xFFFF  }
0x256: {  	p0 =	sne.s32 s0, $0x0;
	s0 =	rddreg [dreg:$0x2]  }
0x257: {  	s0 =	sadd.s32 @!p0 $0x100000, s0  }
0x258: {  	[sflag:s0] =	ssyncadd.tile.s32 @!p0 $0x1;
	_ =	shalt  }
.Lfunc_end2:
_tile_overlayer_lowered:
.L_overlay_start_2:
0x259: {  	(tag) =	ssettag $0x2  }
0x25a: {  	s0 =	rddreg [dreg:$0x0];
	s2 =	stileid.u32  }
0x25b: {  	s1 =	rddreg [dreg:$0x1];
	p0 =	sne.s32 s2, $0x0  }
0x25c: {  	s3 =	rddreg [dreg:$0x2];
	[bflag:$0x3] =	sbarrier.arrive $0xFFFF;
	s2 =	simm.s32 @!p0 $0x1C03  }
0x25d: {  	[timem:s3], [sflag:s2] =	dma.local @!p0 [hbm:s0], s1  }
0x25e: {  	s0 =	simm.s32 @!p0 $0x3  }
0x25f: {  	_ =	swait.ge @!p0 [sflag:s0], s1  }
0x260: {  	s1 =	ssub.s32 @!p0 $0x0, s1;
	[sflag:s0] =	ssyncset.done @!p0 $0x0  }
0x261: {  	[sflag:s0] =	ssyncadd.s32 @!p0 s1  }
0x262: {  	[bflag:$0x3] =	sbarrier.arrive $0xFFFF  }
0x263: {  	_ =	shalt  }

</sc_bundles>
